<compile_context>
chip_gen: v7x
topology: tpu7x:2x2x1
jax: 0.10.2.dev20260603
libtpu: 0.0.44.dev20260713+nightly
codegen_flags: <defaults>
</compile_context>

<pallas_src>
import functools

import jax
import jax.numpy as jnp
from jax import lax
from jax.experimental import pallas as pl
from jax.experimental.pallas import tpu as pltpu
from jax.experimental.pallas import tpu_sc as plsc

N = 10000
E = 320000
C = 128
L = 32
HC = C // 2

NC = 2
NS = 16
NW = NC * NS
NP = 10240
EPW = E // NW
RPS = NP // NS

BR = 2000
GRID = N // BR

KD = 2000
CHD = EPW // KD

_mesh = plsc.VectorSubcoreMesh(
    core_axis_name="c", subcore_axis_name="s", num_cores=NC, num_subcores=NS
)

_sc_params = pltpu.CompilerParams(use_tc_tiling_on_sc=False)


def _make_deg():

    @functools.partial(
        pl.kernel,
        out_type=jax.ShapeDtypeStruct((NC, NP), jnp.float32),
        mesh=_mesh,
        scratch_types=[
            pltpu.VMEM((CHD, KD), jnp.int32),
            pltpu.VMEM((KD,), jnp.float32),
            pltpu.VMEM_SHARED((NP,), jnp.float32),
        ],
        compiler_params=_sc_params,
    )
    def deg_kernel(dst_hbm, ones_hbm, zeros_hbm, out_hbm, didx, ones_v, acc):
        cid = lax.axis_index("c")
        sid = lax.axis_index("s")
        wid = cid * NS + sid
        pltpu.sync_copy(zeros_hbm, acc.at[pl.ds(sid * RPS, RPS)])
        pltpu.sync_copy(ones_hbm, ones_v)
        pltpu.sync_copy(dst_hbm.at[wid], didx)
        plsc.subcore_barrier()

        def body(i, carry):
            pltpu.sync_copy(ones_v, acc.at[didx.at[i]], add=True)
            return carry

        lax.fori_loop(0, CHD, body, 0)
        plsc.subcore_barrier()
        pltpu.sync_copy(
            acc.at[pl.ds(sid * RPS, RPS)], out_hbm.at[cid, pl.ds(sid * RPS, RPS)]
        )

    return deg_kernel


def _make_prop(HF, nparts, k):
    ch = EPW // k
    assert ch * k == EPW and k % 8 == 0

    @functools.partial(
        pl.kernel,
        out_type=jax.ShapeDtypeStruct((NC, NP, nparts * HF), jnp.float32),
        mesh=_mesh,
        scratch_types=[
            pltpu.VMEM((ch, k), jnp.int32),
            pltpu.VMEM((ch, k), jnp.int32),
            pltpu.VMEM((k, HF), jnp.float32),
            pltpu.VMEM((k, HF), jnp.float32),
            pltpu.VMEM_SHARED((NP, HF), jnp.float32),
            pltpu.SemaphoreType.DMA,
            pltpu.SemaphoreType.DMA,
        ],
        compiler_params=_sc_params,
    )
    def prop_kernel(*refs):
        src_hbm, dst_hbm = refs[0], refs[1]
        ys = refs[2:2 + nparts]
        zeros_hbm = refs[2 + nparts]
        out_hbm = refs[3 + nparts]
        sidx, didx, rows0, rows1, acc, gs0, gs1 = refs[4 + nparts:]
        cid = lax.axis_index("c")
        sid = lax.axis_index("s")
        wid = cid * NS + sid
        pltpu.sync_copy(src_hbm.at[wid], sidx)
        pltpu.sync_copy(dst_hbm.at[wid], didx)

        for p in range(nparts):
            y_hbm = ys[p]
            pltpu.async_copy(y_hbm.at[sidx.at[0]], rows0, gs0)
            pltpu.sync_copy(zeros_hbm, acc.at[pl.ds(sid * RPS, RPS)])
            plsc.subcore_barrier()

            def body(j, carry):
                a = 2 * j
                pltpu.async_copy(y_hbm.at[sidx.at[a + 1]], rows1, gs1)
                pltpu.make_async_copy(y_hbm.at[sidx.at[a]], rows0, gs0).wait()
                pltpu.sync_copy(rows0, acc.at[didx.at[a]], add=True)
                if ch % 2 == 1:
                    pltpu.async_copy(y_hbm.at[sidx.at[a + 2]], rows0, gs0)
                else:
                    @pl.when(a + 2 < ch)
                    def _():
                        pltpu.async_copy(y_hbm.at[sidx.at[a + 2]], rows0, gs0)
                pltpu.make_async_copy(y_hbm.at[sidx.at[a + 1]], rows1, gs1).wait()
                pltpu.sync_copy(rows1, acc.at[didx.at[a + 1]], add=True)
                return carry

            lax.fori_loop(0, ch // 2, body, 0)
            if ch % 2 == 1:
                pltpu.make_async_copy(y_hbm.at[sidx.at[ch - 1]], rows0, gs0).wait()
                pltpu.sync_copy(rows0, acc.at[didx.at[ch - 1]], add=True)

            plsc.subcore_barrier()
            pltpu.sync_copy(
                acc.at[pl.ds(sid * RPS, RPS)],
                out_hbm.at[cid, pl.ds(sid * RPS, RPS), pl.ds(p * HF, HF)],
            )
            if p < nparts - 1:
                plsc.subcore_barrier()

    return prop_kernel


_deg = _make_deg()
_prop64 = _make_prop(HC, 2, 400)
_prop32 = _make_prop(L, 1, 1000)



def _norm_body(deg_ref, x_ref, y0_ref, ylo_ref, yhi_ref, dinv_ref):
    ones21 = jnp.ones((2, 1), jnp.float32)
    deg = lax.dot_general(
        deg_ref[...], ones21, (((0,), (0,)), ((), ())),
        preferred_element_type=jnp.float32,
    ) + 1.0
    dinv = lax.rsqrt(deg)[:N]
    y0 = dinv * x_ref[...]
    y0_ref[...] = y0
    ylo_ref[...] = y0[:, :HC]
    yhi_ref[...] = y0[:, HC:]
    dinv_ref[...] = dinv


def _enc_body(dinv_ref, s_ref, y_ref, wat_ref, ba_ref, wbt_ref, out_ref):
    dinv = dinv_ref[...]
    p = dinv * (s_ref[0] + s_ref[1] + y_ref[...])
    h = jnp.maximum(
        jnp.dot(p, wat_ref[...], preferred_element_type=jnp.float32) + ba_ref[...],
        0.0,
    )
    t = jnp.dot(h, wbt_ref[...], preferred_element_type=jnp.float32)
    out_ref[...] = dinv * t


def _mid_body(dinv_ref, s_ref, y_ref, b_ref, out_ref):
    dinv = dinv_ref[...]
    z = dinv * (s_ref[0] + s_ref[1] + y_ref[...]) + b_ref[...]
    out_ref[...] = dinv * z


def _dec_body(dinv_ref, s_ref, y_ref, wat_ref, ba_ref, wbt_ref,
              y4_ref, ylo_ref, yhi_ref):
    dinv = dinv_ref[...]
    p = dinv * (s_ref[0] + s_ref[1] + y_ref[...])
    h = jnp.maximum(
        jnp.dot(p, wat_ref[...], preferred_element_type=jnp.float32) + ba_ref[...],
        0.0,
    )
    t = dinv * jnp.dot(h, wbt_ref[...], preferred_element_type=jnp.float32)
    y4_ref[...] = t
    ylo_ref[...] = t[:, :HC]
    yhi_ref[...] = t[:, HC:]


def _final_body(dinv_ref, s_ref, y_ref, b_ref, out_ref):
    dinv = dinv_ref[...]
    out_ref[...] = dinv * (s_ref[0] + s_ref[1] + y_ref[...]) + b_ref[...]


def _row_spec(cols):
    return pl.BlockSpec((BR, cols), lambda i: (i, 0))


def _s_spec(cols):
    return pl.BlockSpec((2, BR, cols), lambda i: (0, i, 0))


def _full_spec(*shape):
    return pl.BlockSpec(shape, lambda i: (0,) * len(shape))


def kernel(x, edge_index, use_neighbors, W1, b1, W2, b2, W3, b3, W4, b4):
    src_p = edge_index[0].reshape(NW, EPW // 400, 400)
    dst_p = edge_index[1].reshape(NW, EPW // 400, 400)
    dst_pd = edge_index[1].reshape(NW, CHD, KD)
    src_p32 = edge_index[0].reshape(NW, EPW // 1000, 1000)
    dst_p32 = edge_index[1].reshape(NW, EPW // 1000, 1000)

    ones_k = jnp.ones((KD,), jnp.float32)
    zeros1 = jnp.zeros((RPS,), jnp.float32)
    zeros64 = jnp.zeros((RPS, HC), jnp.float32)
    zeros32 = jnp.zeros((RPS, L), jnp.float32)

    f32 = jnp.float32
    o_full = jax.ShapeDtypeStruct((N, C), f32)
    o_32 = jax.ShapeDtypeStruct((N, L), f32)

    deg2 = _deg(dst_pd, ones_k, zeros1)

    o_half = jax.ShapeDtypeStruct((N, HC), f32)
    y0, y0lo, y0hi, dinv = pl.pallas_call(
        _norm_body,
        out_shape=[o_full, o_half, o_half, jax.ShapeDtypeStruct((N, 1), f32)],
    )(deg2, x)

    s1 = _prop64(src_p, dst_p, y0lo, y0hi, zeros64)
    y2 = pl.pallas_call(
        _enc_body,
        grid=(GRID,),
        in_specs=[_row_spec(1), _s_spec(C), _row_spec(C),
                  _full_spec(C, 2 * C), _full_spec(1, 2 * C),
                  _full_spec(2 * C, L)],
        out_specs=_row_spec(L),
        out_shape=o_32,
    )(dinv, s1, y0, W1.T, b1[None, :], W2.T)

    s2 = _prop32(src_p32, dst_p32, y2, zeros32)
    y3 = pl.pallas_call(
        _mid_body,
        grid=(GRID,),
        in_specs=[_row_spec(1), _s_spec(L), _row_spec(L), _full_spec(1, L)],
        out_specs=_row_spec(L),
        out_shape=o_32,
    )(dinv, s2, y2, b2[None, :])

    s3 = _prop32(src_p32, dst_p32, y3, zeros32)
    y4, y4lo, y4hi = pl.pallas_call(
        _dec_body,
        grid=(GRID,),
        in_specs=[_row_spec(1), _s_spec(L), _row_spec(L),
                  _full_spec(L, 2 * C), _full_spec(1, 2 * C),
                  _full_spec(2 * C, C)],
        out_specs=[_row_spec(C), _row_spec(HC), _row_spec(HC)],
        out_shape=[o_full, o_half, o_half],
    )(dinv, s3, y3, W3.T, b3[None, :], W4.T)

    s4 = _prop64(src_p, dst_p, y4lo, y4hi, zeros64)
    recon = pl.pallas_call(
        _final_body,
        grid=(GRID,),
        in_specs=[_row_spec(1), _s_spec(C), _row_spec(C), _full_spec(1, C)],
        out_specs=_row_spec(C),
        out_shape=o_full,
    )(dinv, s4, y4, b4[None, :])
    return recon

# --- scband reference (transcript-rebuilt; emitter-appended) ---
"""Pipeline reference for scband-hybrid-autoencoder-55448027791460 (READ-ONLY COPY).

The authoritative reference and input builder live on the scoring server;
editing this copy changes nothing except your own understanding.
"""

import jax, jax.numpy as jnp
import numpy as np

N = 10000
E = 320000
C = 128
L = 32


def gcn_conv(x, src, dst, W, b, num_nodes):
    # Faithful PyG GCNConv: linear transform, add self loops, symmetric norm, sum aggregate, bias.
    loop = jnp.arange(num_nodes, dtype=src.dtype)
    s = jnp.concatenate([src, loop])
    d = jnp.concatenate([dst, loop])
    deg = jax.ops.segment_sum(jnp.ones(s.shape[0], jnp.float32), d, num_segments=num_nodes)
    dinv = jnp.where(deg > 0, jax.lax.rsqrt(deg), 0.0)
    norm = dinv[s] * dinv[d]
    h = x @ W.T
    msg = h[s] * norm[:, None]
    out = jax.ops.segment_sum(msg, d, num_segments=num_nodes)
    return out + b


def setup_inputs(seed: int = 0):
    key = jax.random.key(seed)
    ks = jax.random.split(key, 12)
    x = jax.random.normal(ks[0], (N, C), dtype=jnp.float32)
    edge_index = jax.random.randint(ks[1], (2, E), 0, N, dtype=jnp.int32)
    # encoder_conv1: C -> 2C, encoder_conv2: 2C -> L, decoder_conv1: L -> 2C, decoder_conv2: 2C -> C
    W1 = jax.random.normal(ks[2], (2 * C, C), dtype=jnp.float32) * (1.0 / np.sqrt(C))
    b1 = jnp.zeros((2 * C,), jnp.float32)
    W2 = jax.random.normal(ks[3], (L, 2 * C), dtype=jnp.float32) * (1.0 / np.sqrt(2 * C))
    b2 = jnp.zeros((L,), jnp.float32)
    W3 = jax.random.normal(ks[4], (2 * C, L), dtype=jnp.float32) * (1.0 / np.sqrt(L))
    b3 = jnp.zeros((2 * C,), jnp.float32)
    W4 = jax.random.normal(ks[5], (C, 2 * C), dtype=jnp.float32) * (1.0 / np.sqrt(2 * C))
    b4 = jnp.zeros((C,), jnp.float32)
    return {"x": x, "edge_index": edge_index, "use_neighbors": 1,
            "W1": W1, "b1": b1, "W2": W2, "b2": b2,
            "W3": W3, "b3": b3, "W4": W4, "b4": b4}


def reference(x, edge_index, use_neighbors, W1, b1, W2, b2, W3, b3, W4, b4):
    num_nodes = x.shape[0]
    src = edge_index[0]
    dst = edge_index[1]
    # use_neighbors is always 1 here -> GNN (GCN) encode/decode path
    h = jax.nn.relu(gcn_conv(x, src, dst, W1, b1, num_nodes))
    z = gcn_conv(h, src, dst, W2, b2, num_nodes)
    h2 = jax.nn.relu(gcn_conv(z, src, dst, W3, b3, num_nodes))
    recon = gcn_conv(h2, src, dst, W4, b4, num_nodes)
    return recon

if __name__ == "__main__":
    import jax
    _d = setup_inputs()
    print(jax.jit(kernel)(*tuple(_d.values())))

</pallas_src>

<mosaic_0001>
#map = affine_map<(d0, d1) -> (0, 0, 0)>
#map1 = affine_map<(d0, d1) -> (0, 0)>
module attributes {stable_mosaic.version = 14 : i64} {
  func.func @prop_kernel(%arg0: i32, %arg1: i32, %arg2: memref<32x10x1000xi32, #tpu.memory_space<hbm>>, %arg3: memref<32x10x1000xi32, #tpu.memory_space<hbm>>, %arg4: memref<10000x32xf32, #tpu.memory_space<hbm>>, %arg5: memref<640x32xf32, #tpu.memory_space<hbm>>, %arg6: memref<2x10240x32xf32, #tpu.memory_space<hbm>>, %arg7: memref<10x1000xi32, #tpu.memory_space<vmem>>, %arg8: memref<10x1000xi32, #tpu.memory_space<vmem>>, %arg9: memref<1000x32xf32, #tpu.memory_space<vmem>>, %arg10: memref<1000x32xf32, #tpu.memory_space<vmem>>, %arg11: memref<10240x32xf32, #tpu.memory_space<vmem_shared>>, %arg12: memref<!tpu.dma_semaphore, #tpu.memory_space<semaphore_mem>>, %arg13: memref<!tpu.dma_semaphore, #tpu.memory_space<semaphore_mem>>) attributes {dimension_semantics = [#tpu.dimension_semantics<core_parallel>, #tpu.dimension_semantics<subcore_parallel>], iteration_bounds = array<i64: 2, 16>, scalar_prefetch = 0 : i64, scratch_operands = 7 : i64, tpu.core_type = #tpu.core_type<sc_vector_subcore>, window_params = [{transform_indices = #map}, {transform_indices = #map}, {transform_indices = #map1}, {transform_indices = #map1}, {transform_indices = #map}]} {
    %mul3A = arith.constant 16 : i32
    %mul3A_0 = arith.muli %arg0, %mul3A : i32
    %add3A = arith.addi %mul3A_0, %arg1 : i32
    "tpu.region"() ({
      %run_scoped3A = tpu.sem_alloc : memref<!tpu.dma_semaphore, #tpu.memory_space<semaphore_mem>>
      %dma_start3A_19 = arith.constant 0 : i32
      %dma_start3A_20 = arith.constant 0 : i32
      %dma_start3A_21 = tpu.memref_slice %arg2[%add3A, %dma_start3A_19, %dma_start3A_20] : memref<32x10x1000xi32, #tpu.memory_space<hbm>> -> memref<1x10x1000xi32, #tpu.memory_space<hbm>>
      %dma_start3A_22 = tpu.memref_squeeze %dma_start3A_21 : memref<1x10x1000xi32, #tpu.memory_space<hbm>> -> memref<10x1000xi32, #tpu.memory_space<hbm>>
      %dma_start3A_23 = arith.constant 0 : i32
      %dma_start3A_24 = arith.constant 0 : i32
      %dma_start3A_25 = tpu.memref_slice %arg2[%add3A, %dma_start3A_23, %dma_start3A_24] : memref<32x10x1000xi32, #tpu.memory_space<hbm>> -> memref<1x10x1000xi32, #tpu.memory_space<hbm>>
      %dma_start3A_26 = tpu.memref_squeeze %dma_start3A_25 : memref<1x10x1000xi32, #tpu.memory_space<hbm>> -> memref<10x1000xi32, #tpu.memory_space<hbm>>
      tpu.enqueue_dma source(%dma_start3A_26 : memref<10x1000xi32, #tpu.memory_space<hbm>>) target(%arg7 : memref<10x1000xi32, #tpu.memory_space<vmem>>) target_semaphore(%run_scoped3A : memref<!tpu.dma_semaphore, #tpu.memory_space<semaphore_mem>>)
      %dma_wait3A = arith.constant 0 : i32
      %dma_wait3A_27 = arith.constant 0 : i32
      %dma_wait3A_28 = tpu.memref_slice %arg2[%add3A, %dma_wait3A, %dma_wait3A_27] : memref<32x10x1000xi32, #tpu.memory_space<hbm>> -> memref<1x10x1000xi32, #tpu.memory_space<hbm>>
      %dma_wait3A_29 = tpu.memref_squeeze %dma_wait3A_28 : memref<1x10x1000xi32, #tpu.memory_space<hbm>> -> memref<10x1000xi32, #tpu.memory_space<hbm>>
      %dma_wait3A_30 = arith.constant 0 : i32
      %dma_wait3A_31 = arith.constant 0 : i32
      %dma_wait3A_32 = tpu.memref_slice %arg2[%add3A, %dma_wait3A_30, %dma_wait3A_31] : memref<32x10x1000xi32, #tpu.memory_space<hbm>> -> memref<1x10x1000xi32, #tpu.memory_space<hbm>>
      %dma_wait3A_33 = tpu.memref_squeeze %dma_wait3A_32 : memref<1x10x1000xi32, #tpu.memory_space<hbm>> -> memref<10x1000xi32, #tpu.memory_space<hbm>>
      tpu.wait_dma2 semaphore(%run_scoped3A : memref<!tpu.dma_semaphore, #tpu.memory_space<semaphore_mem>>) src(%dma_wait3A_33 : memref<10x1000xi32, #tpu.memory_space<hbm>>) dst(%arg7 : memref<10x1000xi32, #tpu.memory_space<vmem>>)
      tpu.yield
    }) : () -> ()
    "tpu.region"() ({
      %run_scoped3A = tpu.sem_alloc : memref<!tpu.dma_semaphore, #tpu.memory_space<semaphore_mem>>
      %dma_start3A_19 = arith.constant 0 : i32
      %dma_start3A_20 = arith.constant 0 : i32
      %dma_start3A_21 = tpu.memref_slice %arg3[%add3A, %dma_start3A_19, %dma_start3A_20] : memref<32x10x1000xi32, #tpu.memory_space<hbm>> -> memref<1x10x1000xi32, #tpu.memory_space<hbm>>
      %dma_start3A_22 = tpu.memref_squeeze %dma_start3A_21 : memref<1x10x1000xi32, #tpu.memory_space<hbm>> -> memref<10x1000xi32, #tpu.memory_space<hbm>>
      %dma_start3A_23 = arith.constant 0 : i32
      %dma_start3A_24 = arith.constant 0 : i32
      %dma_start3A_25 = tpu.memref_slice %arg3[%add3A, %dma_start3A_23, %dma_start3A_24] : memref<32x10x1000xi32, #tpu.memory_space<hbm>> -> memref<1x10x1000xi32, #tpu.memory_space<hbm>>
      %dma_start3A_26 = tpu.memref_squeeze %dma_start3A_25 : memref<1x10x1000xi32, #tpu.memory_space<hbm>> -> memref<10x1000xi32, #tpu.memory_space<hbm>>
      tpu.enqueue_dma source(%dma_start3A_26 : memref<10x1000xi32, #tpu.memory_space<hbm>>) target(%arg8 : memref<10x1000xi32, #tpu.memory_space<vmem>>) target_semaphore(%run_scoped3A : memref<!tpu.dma_semaphore, #tpu.memory_space<semaphore_mem>>)
      %dma_wait3A = arith.constant 0 : i32
      %dma_wait3A_27 = arith.constant 0 : i32
      %dma_wait3A_28 = tpu.memref_slice %arg3[%add3A, %dma_wait3A, %dma_wait3A_27] : memref<32x10x1000xi32, #tpu.memory_space<hbm>> -> memref<1x10x1000xi32, #tpu.memory_space<hbm>>
      %dma_wait3A_29 = tpu.memref_squeeze %dma_wait3A_28 : memref<1x10x1000xi32, #tpu.memory_space<hbm>> -> memref<10x1000xi32, #tpu.memory_space<hbm>>
      %dma_wait3A_30 = arith.constant 0 : i32
      %dma_wait3A_31 = arith.constant 0 : i32
      %dma_wait3A_32 = tpu.memref_slice %arg3[%add3A, %dma_wait3A_30, %dma_wait3A_31] : memref<32x10x1000xi32, #tpu.memory_space<hbm>> -> memref<1x10x1000xi32, #tpu.memory_space<hbm>>
      %dma_wait3A_33 = tpu.memref_squeeze %dma_wait3A_32 : memref<1x10x1000xi32, #tpu.memory_space<hbm>> -> memref<10x1000xi32, #tpu.memory_space<hbm>>
      tpu.wait_dma2 semaphore(%run_scoped3A : memref<!tpu.dma_semaphore, #tpu.memory_space<semaphore_mem>>) src(%dma_wait3A_33 : memref<10x1000xi32, #tpu.memory_space<hbm>>) dst(%arg8 : memref<10x1000xi32, #tpu.memory_space<vmem>>)
      tpu.yield
    }) : () -> ()
    %dma_start3A = arith.constant 0 : i32
    %dma_start3A_1 = arith.constant 0 : i32
    %dma_start3A_2 = tpu.memref_slice %arg7[%dma_start3A, %dma_start3A_1] : memref<10x1000xi32, #tpu.memory_space<vmem>> -> memref<1x1000xi32, #tpu.memory_space<vmem>>
    %dma_start3A_3 = tpu.memref_squeeze %dma_start3A_2 : memref<1x1000xi32, #tpu.memory_space<vmem>> -> memref<1000xi32, #tpu.memory_space<vmem>>
    %dma_start3A_4 = arith.constant 0 : i32
    %dma_start3A_5 = arith.constant 0 : i32
    %dma_start3A_6 = tpu.memref_slice %arg4[%dma_start3A_4, %dma_start3A_5] : memref<10000x32xf32, #tpu.memory_space<hbm>> -> memref<10000x32xf32, #tpu.memory_space<hbm>>
    tpu.enqueue_indirect_dma source(%dma_start3A_6 : memref<10000x32xf32, #tpu.memory_space<hbm>>) target(%arg9 : memref<1000x32xf32, #tpu.memory_space<vmem>>) offsets(%dma_start3A_3 : memref<1000xi32, #tpu.memory_space<vmem>>) semaphore(%arg12 : memref<!tpu.dma_semaphore, #tpu.memory_space<semaphore_mem>>)
    %mul3A_7 = arith.constant 640 : i32
    %mul3A_8 = arith.muli %arg1, %mul3A_7 : i32
    "tpu.region"() ({
      %run_scoped3A = tpu.sem_alloc : memref<!tpu.dma_semaphore, #tpu.memory_space<semaphore_mem>>
      %dma_start3A_19 = arith.constant 0 : i32
      %dma_start3A_20 = tpu.memref_slice %arg11[%mul3A_8, %dma_start3A_19] : memref<10240x32xf32, #tpu.memory_space<vmem_shared>> -> memref<640x32xf32, #tpu.memory_space<vmem_shared>>
      tpu.enqueue_dma source(%arg5 : memref<640x32xf32, #tpu.memory_space<hbm>>) target(%dma_start3A_20 : memref<640x32xf32, #tpu.memory_space<vmem_shared>>) target_semaphore(%run_scoped3A : memref<!tpu.dma_semaphore, #tpu.memory_space<semaphore_mem>>)
      %dma_wait3A = arith.constant 0 : i32
      %dma_wait3A_21 = tpu.memref_slice %arg11[%mul3A_8, %dma_wait3A] : memref<10240x32xf32, #tpu.memory_space<vmem_shared>> -> memref<640x32xf32, #tpu.memory_space<vmem_shared>>
      tpu.wait_dma2 semaphore(%run_scoped3A : memref<!tpu.dma_semaphore, #tpu.memory_space<semaphore_mem>>) src(%arg5 : memref<640x32xf32, #tpu.memory_space<hbm>>) dst(%dma_wait3A_21 : memref<640x32xf32, #tpu.memory_space<vmem_shared>>)
      tpu.yield
    }) : () -> ()
    %barrier3A = arith.constant 0 : index
    tpu.barrier barrier_id(%barrier3A)
    %scan3A = arith.constant 0 : i32
    %scan3A_9 = arith.constant 0 : i32
    %scan3A_10 = arith.constant 5 : i32
    %scan3A_11 = arith.addi %scan3A_9, %scan3A_10 : i32
    %scan3A_12 = arith.constant 1 : i32
    scf.for %scan3A_19 = %scan3A_9 to %scan3A_11 step %scan3A_12  : i32 {
      %mul3A_20 = arith.constant 2 : i32
      %mul3A_21 = arith.muli %mul3A_20, %scan3A_19 : i32
      %add3A_22 = arith.constant 1 : i32
      %add3A_23 = arith.addi %mul3A_21, %add3A_22 : i32
      %dma_start3A_24 = arith.constant 0 : i32
      %dma_start3A_25 = tpu.memref_slice %arg7[%add3A_23, %dma_start3A_24] : memref<10x1000xi32, #tpu.memory_space<vmem>> -> memref<1x1000xi32, #tpu.memory_space<vmem>>
      %dma_start3A_26 = tpu.memref_squeeze %dma_start3A_25 : memref<1x1000xi32, #tpu.memory_space<vmem>> -> memref<1000xi32, #tpu.memory_space<vmem>>
      %dma_start3A_27 = arith.constant 0 : i32
      %dma_start3A_28 = arith.constant 0 : i32
      %dma_start3A_29 = tpu.memref_slice %arg4[%dma_start3A_27, %dma_start3A_28] : memref<10000x32xf32, #tpu.memory_space<hbm>> -> memref<10000x32xf32, #tpu.memory_space<hbm>>
      tpu.enqueue_indirect_dma source(%dma_start3A_29 : memref<10000x32xf32, #tpu.memory_space<hbm>>) target(%arg10 : memref<1000x32xf32, #tpu.memory_space<vmem>>) offsets(%dma_start3A_26 : memref<1000xi32, #tpu.memory_space<vmem>>) semaphore(%arg13 : memref<!tpu.dma_semaphore, #tpu.memory_space<semaphore_mem>>)
      %dma_wait3A = arith.constant 0 : i32
      %dma_wait3A_30 = tpu.memref_slice %arg7[%mul3A_21, %dma_wait3A] : memref<10x1000xi32, #tpu.memory_space<vmem>> -> memref<1x1000xi32, #tpu.memory_space<vmem>>
      %dma_wait3A_31 = tpu.memref_squeeze %dma_wait3A_30 : memref<1x1000xi32, #tpu.memory_space<vmem>> -> memref<1000xi32, #tpu.memory_space<vmem>>
      %dma_wait3A_32 = arith.constant 0 : i32
      %dma_wait3A_33 = arith.constant 0 : i32
      %dma_wait3A_34 = tpu.memref_slice %arg4[%dma_wait3A_32, %dma_wait3A_33] : memref<10000x32xf32, #tpu.memory_space<hbm>> -> memref<10000x32xf32, #tpu.memory_space<hbm>>
      tpu.wait_indirect_dma semaphore(%arg12 : memref<!tpu.dma_semaphore, #tpu.memory_space<semaphore_mem>>) src(%dma_wait3A_34 : memref<10000x32xf32, #tpu.memory_space<hbm>>) dst(%arg9 : memref<1000x32xf32, #tpu.memory_space<vmem>>)
      "tpu.region"() ({
        %run_scoped3A = tpu.sem_alloc : memref<!tpu.dma_semaphore, #tpu.memory_space<semaphore_mem>>
        %dma_start3A_49 = arith.constant 0 : i32
        %dma_start3A_50 = tpu.memref_slice %arg8[%mul3A_21, %dma_start3A_49] : memref<10x1000xi32, #tpu.memory_space<vmem>> -> memref<1x1000xi32, #tpu.memory_space<vmem>>
        %dma_start3A_51 = tpu.memref_squeeze %dma_start3A_50 : memref<1x1000xi32, #tpu.memory_space<vmem>> -> memref<1000xi32, #tpu.memory_space<vmem>>
        %dma_start3A_52 = arith.constant 0 : i32
        %dma_start3A_53 = arith.constant 0 : i32
        %dma_start3A_54 = tpu.memref_slice %arg11[%dma_start3A_52, %dma_start3A_53] : memref<10240x32xf32, #tpu.memory_space<vmem_shared>> -> memref<10240x32xf32, #tpu.memory_space<vmem_shared>>
        tpu.enqueue_indirect_dma source(%arg9 : memref<1000x32xf32, #tpu.memory_space<vmem>>) target(%dma_start3A_54 : memref<10240x32xf32, #tpu.memory_space<vmem_shared>>) offsets(%dma_start3A_51 : memref<1000xi32, #tpu.memory_space<vmem>>) semaphore(%run_scoped3A : memref<!tpu.dma_semaphore, #tpu.memory_space<semaphore_mem>>) {add = true}
        %dma_wait3A_55 = arith.constant 0 : i32
        %dma_wait3A_56 = tpu.memref_slice %arg8[%mul3A_21, %dma_wait3A_55] : memref<10x1000xi32, #tpu.memory_space<vmem>> -> memref<1x1000xi32, #tpu.memory_space<vmem>>
        %dma_wait3A_57 = tpu.memref_squeeze %dma_wait3A_56 : memref<1x1000xi32, #tpu.memory_space<vmem>> -> memref<1000xi32, #tpu.memory_space<vmem>>
        %dma_wait3A_58 = arith.constant 0 : i32
        %dma_wait3A_59 = arith.constant 0 : i32
        %dma_wait3A_60 = tpu.memref_slice %arg11[%dma_wait3A_58, %dma_wait3A_59] : memref<10240x32xf32, #tpu.memory_space<vmem_shared>> -> memref<10240x32xf32, #tpu.memory_space<vmem_shared>>
        tpu.wait_indirect_dma semaphore(%run_scoped3A : memref<!tpu.dma_semaphore, #tpu.memory_space<semaphore_mem>>) src(%arg9 : memref<1000x32xf32, #tpu.memory_space<vmem>>) dst(%dma_wait3A_60 : memref<10240x32xf32, #tpu.memory_space<vmem_shared>>)
        tpu.yield
      }) : () -> ()
      %add3A_35 = arith.constant 2 : i32
      %add3A_36 = arith.addi %mul3A_21, %add3A_35 : i32
      %lt3A = arith.constant 10 : i32
      %lt3A_37 = arith.cmpi slt, %add3A_36, %lt3A : i32
      %convert_element_type3A = arith.extui %lt3A_37 : i1 to i32
      %cond3A = arith.constant 0 : i32
      %cond3A_38 = arith.cmpi ne, %convert_element_type3A, %cond3A : i32
      scf.if %cond3A_38 {
        %add3A_49 = arith.constant 2 : i32
        %add3A_50 = arith.addi %mul3A_21, %add3A_49 : i32
        %dma_start3A_51 = arith.constant 0 : i32
        %dma_start3A_52 = tpu.memref_slice %arg7[%add3A_50, %dma_start3A_51] : memref<10x1000xi32, #tpu.memory_space<vmem>> -> memref<1x1000xi32, #tpu.memory_space<vmem>>
        %dma_start3A_53 = tpu.memref_squeeze %dma_start3A_52 : memref<1x1000xi32, #tpu.memory_space<vmem>> -> memref<1000xi32, #tpu.memory_space<vmem>>
        %dma_start3A_54 = arith.constant 0 : i32
        %dma_start3A_55 = arith.constant 0 : i32
        %dma_start3A_56 = tpu.memref_slice %arg4[%dma_start3A_54, %dma_start3A_55] : memref<10000x32xf32, #tpu.memory_space<hbm>> -> memref<10000x32xf32, #tpu.memory_space<hbm>>
        tpu.enqueue_indirect_dma source(%dma_start3A_56 : memref<10000x32xf32, #tpu.memory_space<hbm>>) target(%arg9 : memref<1000x32xf32, #tpu.memory_space<vmem>>) offsets(%dma_start3A_53 : memref<1000xi32, #tpu.memory_space<vmem>>) semaphore(%arg12 : memref<!tpu.dma_semaphore, #tpu.memory_space<semaphore_mem>>)
      } else {
      }
      %add3A_39 = arith.constant 1 : i32
      %add3A_40 = arith.addi %mul3A_21, %add3A_39 : i32
      %dma_wait3A_41 = arith.constant 0 : i32
      %dma_wait3A_42 = tpu.memref_slice %arg7[%add3A_40, %dma_wait3A_41] : memref<10x1000xi32, #tpu.memory_space<vmem>> -> memref<1x1000xi32, #tpu.memory_space<vmem>>
      %dma_wait3A_43 = tpu.memref_squeeze %dma_wait3A_42 : memref<1x1000xi32, #tpu.memory_space<vmem>> -> memref<1000xi32, #tpu.memory_space<vmem>>
      %dma_wait3A_44 = arith.constant 0 : i32
      %dma_wait3A_45 = arith.constant 0 : i32
      %dma_wait3A_46 = tpu.memref_slice %arg4[%dma_wait3A_44, %dma_wait3A_45] : memref<10000x32xf32, #tpu.memory_space<hbm>> -> memref<10000x32xf32, #tpu.memory_space<hbm>>
      tpu.wait_indirect_dma semaphore(%arg13 : memref<!tpu.dma_semaphore, #tpu.memory_space<semaphore_mem>>) src(%dma_wait3A_46 : memref<10000x32xf32, #tpu.memory_space<hbm>>) dst(%arg10 : memref<1000x32xf32, #tpu.memory_space<vmem>>)
      %add3A_47 = arith.constant 1 : i32
      %add3A_48 = arith.addi %mul3A_21, %add3A_47 : i32
      "tpu.region"() ({
        %run_scoped3A = tpu.sem_alloc : memref<!tpu.dma_semaphore, #tpu.memory_space<semaphore_mem>>
        %dma_start3A_49 = arith.constant 0 : i32
        %dma_start3A_50 = tpu.memref_slice %arg8[%add3A_48, %dma_start3A_49] : memref<10x1000xi32, #tpu.memory_space<vmem>> -> memref<1x1000xi32, #tpu.memory_space<vmem>>
        %dma_start3A_51 = tpu.memref_squeeze %dma_start3A_50 : memref<1x1000xi32, #tpu.memory_space<vmem>> -> memref<1000xi32, #tpu.memory_space<vmem>>
        %dma_start3A_52 = arith.constant 0 : i32
        %dma_start3A_53 = arith.constant 0 : i32
        %dma_start3A_54 = tpu.memref_slice %arg11[%dma_start3A_52, %dma_start3A_53] : memref<10240x32xf32, #tpu.memory_space<vmem_shared>> -> memref<10240x32xf32, #tpu.memory_space<vmem_shared>>
        tpu.enqueue_indirect_dma source(%arg10 : memref<1000x32xf32, #tpu.memory_space<vmem>>) target(%dma_start3A_54 : memref<10240x32xf32, #tpu.memory_space<vmem_shared>>) offsets(%dma_start3A_51 : memref<1000xi32, #tpu.memory_space<vmem>>) semaphore(%run_scoped3A : memref<!tpu.dma_semaphore, #tpu.memory_space<semaphore_mem>>) {add = true}
        %dma_wait3A_55 = arith.constant 0 : i32
        %dma_wait3A_56 = tpu.memref_slice %arg8[%add3A_48, %dma_wait3A_55] : memref<10x1000xi32, #tpu.memory_space<vmem>> -> memref<1x1000xi32, #tpu.memory_space<vmem>>
        %dma_wait3A_57 = tpu.memref_squeeze %dma_wait3A_56 : memref<1x1000xi32, #tpu.memory_space<vmem>> -> memref<1000xi32, #tpu.memory_space<vmem>>
        %dma_wait3A_58 = arith.constant 0 : i32
        %dma_wait3A_59 = arith.constant 0 : i32
        %dma_wait3A_60 = tpu.memref_slice %arg11[%dma_wait3A_58, %dma_wait3A_59] : memref<10240x32xf32, #tpu.memory_space<vmem_shared>> -> memref<10240x32xf32, #tpu.memory_space<vmem_shared>>
        tpu.wait_indirect_dma semaphore(%run_scoped3A : memref<!tpu.dma_semaphore, #tpu.memory_space<semaphore_mem>>) src(%arg10 : memref<1000x32xf32, #tpu.memory_space<vmem>>) dst(%dma_wait3A_60 : memref<10240x32xf32, #tpu.memory_space<vmem_shared>>)
        tpu.yield
      }) : () -> ()
    }
    %scan3A_13 = arith.constant 5 : i32
    %barrier3A_14 = arith.constant 0 : index
    tpu.barrier barrier_id(%barrier3A_14)
    %mul3A_15 = arith.constant 640 : i32
    %mul3A_16 = arith.muli %arg1, %mul3A_15 : i32
    %mul3A_17 = arith.constant 640 : i32
    %mul3A_18 = arith.muli %arg1, %mul3A_17 : i32
    "tpu.region"() ({
      %run_scoped3A = tpu.sem_alloc : memref<!tpu.dma_semaphore, #tpu.memory_space<semaphore_mem>>
      %dma_start3A_19 = arith.constant 0 : i32
      %dma_start3A_20 = tpu.memref_slice %arg6[%arg0, %mul3A_18, %dma_start3A_19] : memref<2x10240x32xf32, #tpu.memory_space<hbm>> -> memref<1x640x32xf32, #tpu.memory_space<hbm>>
      %dma_start3A_21 = tpu.memref_squeeze %dma_start3A_20 : memref<1x640x32xf32, #tpu.memory_space<hbm>> -> memref<640x32xf32, #tpu.memory_space<hbm>>
      %dma_start3A_22 = arith.constant 0 : i32
      %dma_start3A_23 = tpu.memref_slice %arg11[%mul3A_16, %dma_start3A_22] : memref<10240x32xf32, #tpu.memory_space<vmem_shared>> -> memref<640x32xf32, #tpu.memory_space<vmem_shared>>
      tpu.enqueue_dma source(%dma_start3A_23 : memref<640x32xf32, #tpu.memory_space<vmem_shared>>) target(%dma_start3A_21 : memref<640x32xf32, #tpu.memory_space<hbm>>) target_semaphore(%run_scoped3A : memref<!tpu.dma_semaphore, #tpu.memory_space<semaphore_mem>>)
      %dma_wait3A = arith.constant 0 : i32
      %dma_wait3A_24 = tpu.memref_slice %arg6[%arg0, %mul3A_18, %dma_wait3A] : memref<2x10240x32xf32, #tpu.memory_space<hbm>> -> memref<1x640x32xf32, #tpu.memory_space<hbm>>
      %dma_wait3A_25 = tpu.memref_squeeze %dma_wait3A_24 : memref<1x640x32xf32, #tpu.memory_space<hbm>> -> memref<640x32xf32, #tpu.memory_space<hbm>>
      %dma_wait3A_26 = arith.constant 0 : i32
      %dma_wait3A_27 = tpu.memref_slice %arg11[%mul3A_16, %dma_wait3A_26] : memref<10240x32xf32, #tpu.memory_space<vmem_shared>> -> memref<640x32xf32, #tpu.memory_space<vmem_shared>>
      tpu.wait_dma2 semaphore(%run_scoped3A : memref<!tpu.dma_semaphore, #tpu.memory_space<semaphore_mem>>) src(%dma_wait3A_27 : memref<640x32xf32, #tpu.memory_space<vmem_shared>>) dst(%dma_wait3A_25 : memref<640x32xf32, #tpu.memory_space<hbm>>)
      tpu.yield
    }) : () -> ()
    return
  }
}

#map = affine_map<(d0, d1) -> (0, 0, 0)>
#map1 = affine_map<(d0, d1) -> (0, 0)>
module attributes {stable_mosaic.version = 14 : i64} {
  func.func @prop_kernel(%arg0: i32, %arg1: i32, %arg2: memref<32x25x400xi32, #tpu.memory_space<hbm>>, %arg3: memref<32x25x400xi32, #tpu.memory_space<hbm>>, %arg4: memref<10000x64xf32, #tpu.memory_space<hbm>>, %arg5: memref<10000x64xf32, #tpu.memory_space<hbm>>, %arg6: memref<640x64xf32, #tpu.memory_space<hbm>>, %arg7: memref<2x10240x128xf32, #tpu.memory_space<hbm>>, %arg8: memref<25x400xi32, #tpu.memory_space<vmem>>, %arg9: memref<25x400xi32, #tpu.memory_space<vmem>>, %arg10: memref<400x64xf32, #tpu.memory_space<vmem>>, %arg11: memref<400x64xf32, #tpu.memory_space<vmem>>, %arg12: memref<10240x64xf32, #tpu.memory_space<vmem_shared>>, %arg13: memref<!tpu.dma_semaphore, #tpu.memory_space<semaphore_mem>>, %arg14: memref<!tpu.dma_semaphore, #tpu.memory_space<semaphore_mem>>) attributes {dimension_semantics = [#tpu.dimension_semantics<core_parallel>, #tpu.dimension_semantics<subcore_parallel>], iteration_bounds = array<i64: 2, 16>, scalar_prefetch = 0 : i64, scratch_operands = 7 : i64, tpu.core_type = #tpu.core_type<sc_vector_subcore>, window_params = [{transform_indices = #map}, {transform_indices = #map}, {transform_indices = #map1}, {transform_indices = #map1}, {transform_indices = #map1}, {transform_indices = #map}]} {
    %mul3A = arith.constant 16 : i32
    %mul3A_0 = arith.muli %arg0, %mul3A : i32
    %add3A = arith.addi %mul3A_0, %arg1 : i32
    "tpu.region"() ({
      %run_scoped3A_55 = tpu.sem_alloc : memref<!tpu.dma_semaphore, #tpu.memory_space<semaphore_mem>>
      %dma_start3A_56 = arith.constant 0 : i32
      %dma_start3A_57 = arith.constant 0 : i32
      %dma_start3A_58 = tpu.memref_slice %arg2[%add3A, %dma_start3A_56, %dma_start3A_57] : memref<32x25x400xi32, #tpu.memory_space<hbm>> -> memref<1x25x400xi32, #tpu.memory_space<hbm>>
      %dma_start3A_59 = tpu.memref_squeeze %dma_start3A_58 : memref<1x25x400xi32, #tpu.memory_space<hbm>> -> memref<25x400xi32, #tpu.memory_space<hbm>>
      %dma_start3A_60 = arith.constant 0 : i32
      %dma_start3A_61 = arith.constant 0 : i32
      %dma_start3A_62 = tpu.memref_slice %arg2[%add3A, %dma_start3A_60, %dma_start3A_61] : memref<32x25x400xi32, #tpu.memory_space<hbm>> -> memref<1x25x400xi32, #tpu.memory_space<hbm>>
      %dma_start3A_63 = tpu.memref_squeeze %dma_start3A_62 : memref<1x25x400xi32, #tpu.memory_space<hbm>> -> memref<25x400xi32, #tpu.memory_space<hbm>>
      tpu.enqueue_dma source(%dma_start3A_63 : memref<25x400xi32, #tpu.memory_space<hbm>>) target(%arg8 : memref<25x400xi32, #tpu.memory_space<vmem>>) target_semaphore(%run_scoped3A_55 : memref<!tpu.dma_semaphore, #tpu.memory_space<semaphore_mem>>)
      %dma_wait3A_64 = arith.constant 0 : i32
      %dma_wait3A_65 = arith.constant 0 : i32
      %dma_wait3A_66 = tpu.memref_slice %arg2[%add3A, %dma_wait3A_64, %dma_wait3A_65] : memref<32x25x400xi32, #tpu.memory_space<hbm>> -> memref<1x25x400xi32, #tpu.memory_space<hbm>>
      %dma_wait3A_67 = tpu.memref_squeeze %dma_wait3A_66 : memref<1x25x400xi32, #tpu.memory_space<hbm>> -> memref<25x400xi32, #tpu.memory_space<hbm>>
      %dma_wait3A_68 = arith.constant 0 : i32
      %dma_wait3A_69 = arith.constant 0 : i32
      %dma_wait3A_70 = tpu.memref_slice %arg2[%add3A, %dma_wait3A_68, %dma_wait3A_69] : memref<32x25x400xi32, #tpu.memory_space<hbm>> -> memref<1x25x400xi32, #tpu.memory_space<hbm>>
      %dma_wait3A_71 = tpu.memref_squeeze %dma_wait3A_70 : memref<1x25x400xi32, #tpu.memory_space<hbm>> -> memref<25x400xi32, #tpu.memory_space<hbm>>
      tpu.wait_dma2 semaphore(%run_scoped3A_55 : memref<!tpu.dma_semaphore, #tpu.memory_space<semaphore_mem>>) src(%dma_wait3A_71 : memref<25x400xi32, #tpu.memory_space<hbm>>) dst(%arg8 : memref<25x400xi32, #tpu.memory_space<vmem>>)
      tpu.yield
    }) : () -> ()
    "tpu.region"() ({
      %run_scoped3A_55 = tpu.sem_alloc : memref<!tpu.dma_semaphore, #tpu.memory_space<semaphore_mem>>
      %dma_start3A_56 = arith.constant 0 : i32
      %dma_start3A_57 = arith.constant 0 : i32
      %dma_start3A_58 = tpu.memref_slice %arg3[%add3A, %dma_start3A_56, %dma_start3A_57] : memref<32x25x400xi32, #tpu.memory_space<hbm>> -> memref<1x25x400xi32, #tpu.memory_space<hbm>>
      %dma_start3A_59 = tpu.memref_squeeze %dma_start3A_58 : memref<1x25x400xi32, #tpu.memory_space<hbm>> -> memref<25x400xi32, #tpu.memory_space<hbm>>
      %dma_start3A_60 = arith.constant 0 : i32
      %dma_start3A_61 = arith.constant 0 : i32
      %dma_start3A_62 = tpu.memref_slice %arg3[%add3A, %dma_start3A_60, %dma_start3A_61] : memref<32x25x400xi32, #tpu.memory_space<hbm>> -> memref<1x25x400xi32, #tpu.memory_space<hbm>>
      %dma_start3A_63 = tpu.memref_squeeze %dma_start3A_62 : memref<1x25x400xi32, #tpu.memory_space<hbm>> -> memref<25x400xi32, #tpu.memory_space<hbm>>
      tpu.enqueue_dma source(%dma_start3A_63 : memref<25x400xi32, #tpu.memory_space<hbm>>) target(%arg9 : memref<25x400xi32, #tpu.memory_space<vmem>>) target_semaphore(%run_scoped3A_55 : memref<!tpu.dma_semaphore, #tpu.memory_space<semaphore_mem>>)
      %dma_wait3A_64 = arith.constant 0 : i32
      %dma_wait3A_65 = arith.constant 0 : i32
      %dma_wait3A_66 = tpu.memref_slice %arg3[%add3A, %dma_wait3A_64, %dma_wait3A_65] : memref<32x25x400xi32, #tpu.memory_space<hbm>> -> memref<1x25x400xi32, #tpu.memory_space<hbm>>
      %dma_wait3A_67 = tpu.memref_squeeze %dma_wait3A_66 : memref<1x25x400xi32, #tpu.memory_space<hbm>> -> memref<25x400xi32, #tpu.memory_space<hbm>>
      %dma_wait3A_68 = arith.constant 0 : i32
      %dma_wait3A_69 = arith.constant 0 : i32
      %dma_wait3A_70 = tpu.memref_slice %arg3[%add3A, %dma_wait3A_68, %dma_wait3A_69] : memref<32x25x400xi32, #tpu.memory_space<hbm>> -> memref<1x25x400xi32, #tpu.memory_space<hbm>>
      %dma_wait3A_71 = tpu.memref_squeeze %dma_wait3A_70 : memref<1x25x400xi32, #tpu.memory_space<hbm>> -> memref<25x400xi32, #tpu.memory_space<hbm>>
      tpu.wait_dma2 semaphore(%run_scoped3A_55 : memref<!tpu.dma_semaphore, #tpu.memory_space<semaphore_mem>>) src(%dma_wait3A_71 : memref<25x400xi32, #tpu.memory_space<hbm>>) dst(%arg9 : memref<25x400xi32, #tpu.memory_space<vmem>>)
      tpu.yield
    }) : () -> ()
    %dma_start3A = arith.constant 0 : i32
    %dma_start3A_1 = arith.constant 0 : i32
    %dma_start3A_2 = tpu.memref_slice %arg8[%dma_start3A, %dma_start3A_1] : memref<25x400xi32, #tpu.memory_space<vmem>> -> memref<1x400xi32, #tpu.memory_space<vmem>>
    %dma_start3A_3 = tpu.memref_squeeze %dma_start3A_2 : memref<1x400xi32, #tpu.memory_space<vmem>> -> memref<400xi32, #tpu.memory_space<vmem>>
    %dma_start3A_4 = arith.constant 0 : i32
    %dma_start3A_5 = arith.constant 0 : i32
    %dma_start3A_6 = tpu.memref_slice %arg4[%dma_start3A_4, %dma_start3A_5] : memref<10000x64xf32, #tpu.memory_space<hbm>> -> memref<10000x64xf32, #tpu.memory_space<hbm>>
    tpu.enqueue_indirect_dma source(%dma_start3A_6 : memref<10000x64xf32, #tpu.memory_space<hbm>>) target(%arg10 : memref<400x64xf32, #tpu.memory_space<vmem>>) offsets(%dma_start3A_3 : memref<400xi32, #tpu.memory_space<vmem>>) semaphore(%arg13 : memref<!tpu.dma_semaphore, #tpu.memory_space<semaphore_mem>>)
    %mul3A_7 = arith.constant 640 : i32
    %mul3A_8 = arith.muli %arg1, %mul3A_7 : i32
    "tpu.region"() ({
      %run_scoped3A_55 = tpu.sem_alloc : memref<!tpu.dma_semaphore, #tpu.memory_space<semaphore_mem>>
      %dma_start3A_56 = arith.constant 0 : i32
      %dma_start3A_57 = tpu.memref_slice %arg12[%mul3A_8, %dma_start3A_56] : memref<10240x64xf32, #tpu.memory_space<vmem_shared>> -> memref<640x64xf32, #tpu.memory_space<vmem_shared>>
      tpu.enqueue_dma source(%arg6 : memref<640x64xf32, #tpu.memory_space<hbm>>) target(%dma_start3A_57 : memref<640x64xf32, #tpu.memory_space<vmem_shared>>) target_semaphore(%run_scoped3A_55 : memref<!tpu.dma_semaphore, #tpu.memory_space<semaphore_mem>>)
      %dma_wait3A_58 = arith.constant 0 : i32
      %dma_wait3A_59 = tpu.memref_slice %arg12[%mul3A_8, %dma_wait3A_58] : memref<10240x64xf32, #tpu.memory_space<vmem_shared>> -> memref<640x64xf32, #tpu.memory_space<vmem_shared>>
      tpu.wait_dma2 semaphore(%run_scoped3A_55 : memref<!tpu.dma_semaphore, #tpu.memory_space<semaphore_mem>>) src(%arg6 : memref<640x64xf32, #tpu.memory_space<hbm>>) dst(%dma_wait3A_59 : memref<640x64xf32, #tpu.memory_space<vmem_shared>>)
      tpu.yield
    }) : () -> ()
    %barrier3A = arith.constant 0 : index
    tpu.barrier barrier_id(%barrier3A)
    %scan3A = arith.constant 0 : i32
    %scan3A_9 = arith.constant 0 : i32
    %scan3A_10 = arith.constant 12 : i32
    %scan3A_11 = arith.addi %scan3A_9, %scan3A_10 : i32
    %scan3A_12 = arith.constant 1 : i32
    scf.for %scan3A_55 = %scan3A_9 to %scan3A_11 step %scan3A_12  : i32 {
      %mul3A_56 = arith.constant 2 : i32
      %mul3A_57 = arith.muli %mul3A_56, %scan3A_55 : i32
      %add3A_58 = arith.constant 1 : i32
      %add3A_59 = arith.addi %mul3A_57, %add3A_58 : i32
      %dma_start3A_60 = arith.constant 0 : i32
      %dma_start3A_61 = tpu.memref_slice %arg8[%add3A_59, %dma_start3A_60] : memref<25x400xi32, #tpu.memory_space<vmem>> -> memref<1x400xi32, #tpu.memory_space<vmem>>
      %dma_start3A_62 = tpu.memref_squeeze %dma_start3A_61 : memref<1x400xi32, #tpu.memory_space<vmem>> -> memref<400xi32, #tpu.memory_space<vmem>>
      %dma_start3A_63 = arith.constant 0 : i32
      %dma_start3A_64 = arith.constant 0 : i32
      %dma_start3A_65 = tpu.memref_slice %arg4[%dma_start3A_63, %dma_start3A_64] : memref<10000x64xf32, #tpu.memory_space<hbm>> -> memref<10000x64xf32, #tpu.memory_space<hbm>>
      tpu.enqueue_indirect_dma source(%dma_start3A_65 : memref<10000x64xf32, #tpu.memory_space<hbm>>) target(%arg11 : memref<400x64xf32, #tpu.memory_space<vmem>>) offsets(%dma_start3A_62 : memref<400xi32, #tpu.memory_space<vmem>>) semaphore(%arg14 : memref<!tpu.dma_semaphore, #tpu.memory_space<semaphore_mem>>)
      %dma_wait3A_66 = arith.constant 0 : i32
      %dma_wait3A_67 = tpu.memref_slice %arg8[%mul3A_57, %dma_wait3A_66] : memref<25x400xi32, #tpu.memory_space<vmem>> -> memref<1x400xi32, #tpu.memory_space<vmem>>
      %dma_wait3A_68 = tpu.memref_squeeze %dma_wait3A_67 : memref<1x400xi32, #tpu.memory_space<vmem>> -> memref<400xi32, #tpu.memory_space<vmem>>
      %dma_wait3A_69 = arith.constant 0 : i32
      %dma_wait3A_70 = arith.constant 0 : i32
      %dma_wait3A_71 = tpu.memref_slice %arg4[%dma_wait3A_69, %dma_wait3A_70] : memref<10000x64xf32, #tpu.memory_space<hbm>> -> memref<10000x64xf32, #tpu.memory_space<hbm>>
      tpu.wait_indirect_dma semaphore(%arg13 : memref<!tpu.dma_semaphore, #tpu.memory_space<semaphore_mem>>) src(%dma_wait3A_71 : memref<10000x64xf32, #tpu.memory_space<hbm>>) dst(%arg10 : memref<400x64xf32, #tpu.memory_space<vmem>>)
      "tpu.region"() ({
        %run_scoped3A_90 = tpu.sem_alloc : memref<!tpu.dma_semaphore, #tpu.memory_space<semaphore_mem>>
        %dma_start3A_91 = arith.constant 0 : i32
        %dma_start3A_92 = tpu.memref_slice %arg9[%mul3A_57, %dma_start3A_91] : memref<25x400xi32, #tpu.memory_space<vmem>> -> memref<1x400xi32, #tpu.memory_space<vmem>>
        %dma_start3A_93 = tpu.memref_squeeze %dma_start3A_92 : memref<1x400xi32, #tpu.memory_space<vmem>> -> memref<400xi32, #tpu.memory_space<vmem>>
        %dma_start3A_94 = arith.constant 0 : i32
        %dma_start3A_95 = arith.constant 0 : i32
        %dma_start3A_96 = tpu.memref_slice %arg12[%dma_start3A_94, %dma_start3A_95] : memref<10240x64xf32, #tpu.memory_space<vmem_shared>> -> memref<10240x64xf32, #tpu.memory_space<vmem_shared>>
        tpu.enqueue_indirect_dma source(%arg10 : memref<400x64xf32, #tpu.memory_space<vmem>>) target(%dma_start3A_96 : memref<10240x64xf32, #tpu.memory_space<vmem_shared>>) offsets(%dma_start3A_93 : memref<400xi32, #tpu.memory_space<vmem>>) semaphore(%run_scoped3A_90 : memref<!tpu.dma_semaphore, #tpu.memory_space<semaphore_mem>>) {add = true}
        %dma_wait3A_97 = arith.constant 0 : i32
        %dma_wait3A_98 = tpu.memref_slice %arg9[%mul3A_57, %dma_wait3A_97] : memref<25x400xi32, #tpu.memory_space<vmem>> -> memref<1x400xi32, #tpu.memory_space<vmem>>
        %dma_wait3A_99 = tpu.memref_squeeze %dma_wait3A_98 : memref<1x400xi32, #tpu.memory_space<vmem>> -> memref<400xi32, #tpu.memory_space<vmem>>
        %dma_wait3A_100 = arith.constant 0 : i32
        %dma_wait3A_101 = arith.constant 0 : i32
        %dma_wait3A_102 = tpu.memref_slice %arg12[%dma_wait3A_100, %dma_wait3A_101] : memref<10240x64xf32, #tpu.memory_space<vmem_shared>> -> memref<10240x64xf32, #tpu.memory_space<vmem_shared>>
        tpu.wait_indirect_dma semaphore(%run_scoped3A_90 : memref<!tpu.dma_semaphore, #tpu.memory_space<semaphore_mem>>) src(%arg10 : memref<400x64xf32, #tpu.memory_space<vmem>>) dst(%dma_wait3A_102 : memref<10240x64xf32, #tpu.memory_space<vmem_shared>>)
        tpu.yield
      }) : () -> ()
      %add3A_72 = arith.constant 2 : i32
      %add3A_73 = arith.addi %mul3A_57, %add3A_72 : i32
      %dma_start3A_74 = arith.constant 0 : i32
      %dma_start3A_75 = tpu.memref_slice %arg8[%add3A_73, %dma_start3A_74] : memref<25x400xi32, #tpu.memory_space<vmem>> -> memref<1x400xi32, #tpu.memory_space<vmem>>
      %dma_start3A_76 = tpu.memref_squeeze %dma_start3A_75 : memref<1x400xi32, #tpu.memory_space<vmem>> -> memref<400xi32, #tpu.memory_space<vmem>>
      %dma_start3A_77 = arith.constant 0 : i32
      %dma_start3A_78 = arith.constant 0 : i32
      %dma_start3A_79 = tpu.memref_slice %arg4[%dma_start3A_77, %dma_start3A_78] : memref<10000x64xf32, #tpu.memory_space<hbm>> -> memref<10000x64xf32, #tpu.memory_space<hbm>>
      tpu.enqueue_indirect_dma source(%dma_start3A_79 : memref<10000x64xf32, #tpu.memory_space<hbm>>) target(%arg10 : memref<400x64xf32, #tpu.memory_space<vmem>>) offsets(%dma_start3A_76 : memref<400xi32, #tpu.memory_space<vmem>>) semaphore(%arg13 : memref<!tpu.dma_semaphore, #tpu.memory_space<semaphore_mem>>)
      %add3A_80 = arith.constant 1 : i32
      %add3A_81 = arith.addi %mul3A_57, %add3A_80 : i32
      %dma_wait3A_82 = arith.constant 0 : i32
      %dma_wait3A_83 = tpu.memref_slice %arg8[%add3A_81, %dma_wait3A_82] : memref<25x400xi32, #tpu.memory_space<vmem>> -> memref<1x400xi32, #tpu.memory_space<vmem>>
      %dma_wait3A_84 = tpu.memref_squeeze %dma_wait3A_83 : memref<1x400xi32, #tpu.memory_space<vmem>> -> memref<400xi32, #tpu.memory_space<vmem>>
      %dma_wait3A_85 = arith.constant 0 : i32
      %dma_wait3A_86 = arith.constant 0 : i32
      %dma_wait3A_87 = tpu.memref_slice %arg4[%dma_wait3A_85, %dma_wait3A_86] : memref<10000x64xf32, #tpu.memory_space<hbm>> -> memref<10000x64xf32, #tpu.memory_space<hbm>>
      tpu.wait_indirect_dma semaphore(%arg14 : memref<!tpu.dma_semaphore, #tpu.memory_space<semaphore_mem>>) src(%dma_wait3A_87 : memref<10000x64xf32, #tpu.memory_space<hbm>>) dst(%arg11 : memref<400x64xf32, #tpu.memory_space<vmem>>)
      %add3A_88 = arith.constant 1 : i32
      %add3A_89 = arith.addi %mul3A_57, %add3A_88 : i32
      "tpu.region"() ({
        %run_scoped3A_90 = tpu.sem_alloc : memref<!tpu.dma_semaphore, #tpu.memory_space<semaphore_mem>>
        %dma_start3A_91 = arith.constant 0 : i32
        %dma_start3A_92 = tpu.memref_slice %arg9[%add3A_89, %dma_start3A_91] : memref<25x400xi32, #tpu.memory_space<vmem>> -> memref<1x400xi32, #tpu.memory_space<vmem>>
        %dma_start3A_93 = tpu.memref_squeeze %dma_start3A_92 : memref<1x400xi32, #tpu.memory_space<vmem>> -> memref<400xi32, #tpu.memory_space<vmem>>
        %dma_start3A_94 = arith.constant 0 : i32
        %dma_start3A_95 = arith.constant 0 : i32
        %dma_start3A_96 = tpu.memref_slice %arg12[%dma_start3A_94, %dma_start3A_95] : memref<10240x64xf32, #tpu.memory_space<vmem_shared>> -> memref<10240x64xf32, #tpu.memory_space<vmem_shared>>
        tpu.enqueue_indirect_dma source(%arg11 : memref<400x64xf32, #tpu.memory_space<vmem>>) target(%dma_start3A_96 : memref<10240x64xf32, #tpu.memory_space<vmem_shared>>) offsets(%dma_start3A_93 : memref<400xi32, #tpu.memory_space<vmem>>) semaphore(%run_scoped3A_90 : memref<!tpu.dma_semaphore, #tpu.memory_space<semaphore_mem>>) {add = true}
        %dma_wait3A_97 = arith.constant 0 : i32
        %dma_wait3A_98 = tpu.memref_slice %arg9[%add3A_89, %dma_wait3A_97] : memref<25x400xi32, #tpu.memory_space<vmem>> -> memref<1x400xi32, #tpu.memory_space<vmem>>
        %dma_wait3A_99 = tpu.memref_squeeze %dma_wait3A_98 : memref<1x400xi32, #tpu.memory_space<vmem>> -> memref<400xi32, #tpu.memory_space<vmem>>
        %dma_wait3A_100 = arith.constant 0 : i32
        %dma_wait3A_101 = arith.constant 0 : i32
        %dma_wait3A_102 = tpu.memref_slice %arg12[%dma_wait3A_100, %dma_wait3A_101] : memref<10240x64xf32, #tpu.memory_space<vmem_shared>> -> memref<10240x64xf32, #tpu.memory_space<vmem_shared>>
        tpu.wait_indirect_dma semaphore(%run_scoped3A_90 : memref<!tpu.dma_semaphore, #tpu.memory_space<semaphore_mem>>) src(%arg11 : memref<400x64xf32, #tpu.memory_space<vmem>>) dst(%dma_wait3A_102 : memref<10240x64xf32, #tpu.memory_space<vmem_shared>>)
        tpu.yield
      }) : () -> ()
    }
    %scan3A_13 = arith.constant 12 : i32
    %dma_wait3A = arith.constant 24 : i32
    %dma_wait3A_14 = arith.constant 0 : i32
    %dma_wait3A_15 = tpu.memref_slice %arg8[%dma_wait3A, %dma_wait3A_14] : memref<25x400xi32, #tpu.memory_space<vmem>> -> memref<1x400xi32, #tpu.memory_space<vmem>>
    %dma_wait3A_16 = tpu.memref_squeeze %dma_wait3A_15 : memref<1x400xi32, #tpu.memory_space<vmem>> -> memref<400xi32, #tpu.memory_space<vmem>>
    %dma_wait3A_17 = arith.constant 0 : i32
    %dma_wait3A_18 = arith.constant 0 : i32
    %dma_wait3A_19 = tpu.memref_slice %arg4[%dma_wait3A_17, %dma_wait3A_18] : memref<10000x64xf32, #tpu.memory_space<hbm>> -> memref<10000x64xf32, #tpu.memory_space<hbm>>
    tpu.wait_indirect_dma semaphore(%arg13 : memref<!tpu.dma_semaphore, #tpu.memory_space<semaphore_mem>>) src(%dma_wait3A_19 : memref<10000x64xf32, #tpu.memory_space<hbm>>) dst(%arg10 : memref<400x64xf32, #tpu.memory_space<vmem>>)
    %run_scoped3A = arith.constant 24 : i32
    "tpu.region"() ({
      %run_scoped3A_55 = tpu.sem_alloc : memref<!tpu.dma_semaphore, #tpu.memory_space<semaphore_mem>>
      %dma_start3A_56 = arith.constant 0 : i32
      %dma_start3A_57 = tpu.memref_slice %arg9[%run_scoped3A, %dma_start3A_56] : memref<25x400xi32, #tpu.memory_space<vmem>> -> memref<1x400xi32, #tpu.memory_space<vmem>>
      %dma_start3A_58 = tpu.memref_squeeze %dma_start3A_57 : memref<1x400xi32, #tpu.memory_space<vmem>> -> memref<400xi32, #tpu.memory_space<vmem>>
      %dma_start3A_59 = arith.constant 0 : i32
      %dma_start3A_60 = arith.constant 0 : i32
      %dma_start3A_61 = tpu.memref_slice %arg12[%dma_start3A_59, %dma_start3A_60] : memref<10240x64xf32, #tpu.memory_space<vmem_shared>> -> memref<10240x64xf32, #tpu.memory_space<vmem_shared>>
      tpu.enqueue_indirect_dma source(%arg10 : memref<400x64xf32, #tpu.memory_space<vmem>>) target(%dma_start3A_61 : memref<10240x64xf32, #tpu.memory_space<vmem_shared>>) offsets(%dma_start3A_58 : memref<400xi32, #tpu.memory_space<vmem>>) semaphore(%run_scoped3A_55 : memref<!tpu.dma_semaphore, #tpu.memory_space<semaphore_mem>>) {add = true}
      %dma_wait3A_62 = arith.constant 0 : i32
      %dma_wait3A_63 = tpu.memref_slice %arg9[%run_scoped3A, %dma_wait3A_62] : memref<25x400xi32, #tpu.memory_space<vmem>> -> memref<1x400xi32, #tpu.memory_space<vmem>>
      %dma_wait3A_64 = tpu.memref_squeeze %dma_wait3A_63 : memref<1x400xi32, #tpu.memory_space<vmem>> -> memref<400xi32, #tpu.memory_space<vmem>>
      %dma_wait3A_65 = arith.constant 0 : i32
      %dma_wait3A_66 = arith.constant 0 : i32
      %dma_wait3A_67 = tpu.memref_slice %arg12[%dma_wait3A_65, %dma_wait3A_66] : memref<10240x64xf32, #tpu.memory_space<vmem_shared>> -> memref<10240x64xf32, #tpu.memory_space<vmem_shared>>
      tpu.wait_indirect_dma semaphore(%run_scoped3A_55 : memref<!tpu.dma_semaphore, #tpu.memory_space<semaphore_mem>>) src(%arg10 : memref<400x64xf32, #tpu.memory_space<vmem>>) dst(%dma_wait3A_67 : memref<10240x64xf32, #tpu.memory_space<vmem_shared>>)
      tpu.yield
    }) : () -> ()
    %barrier3A_20 = arith.constant 0 : index
    tpu.barrier barrier_id(%barrier3A_20)
    %mul3A_21 = arith.constant 640 : i32
    %mul3A_22 = arith.muli %arg1, %mul3A_21 : i32
    %mul3A_23 = arith.constant 640 : i32
    %mul3A_24 = arith.muli %arg1, %mul3A_23 : i32
    "tpu.region"() ({
      %run_scoped3A_55 = tpu.sem_alloc : memref<!tpu.dma_semaphore, #tpu.memory_space<semaphore_mem>>
      %dma_start3A_56 = arith.constant 0 : i32
      %dma_start3A_57 = tpu.memref_slice %arg7[%arg0, %mul3A_24, %dma_start3A_56] : memref<2x10240x128xf32, #tpu.memory_space<hbm>> -> memref<1x640x64xf32, #tpu.memory_space<hbm>>
      %dma_start3A_58 = tpu.memref_squeeze %dma_start3A_57 : memref<1x640x64xf32, #tpu.memory_space<hbm>> -> memref<640x64xf32, #tpu.memory_space<hbm>>
      %dma_start3A_59 = arith.constant 0 : i32
      %dma_start3A_60 = tpu.memref_slice %arg12[%mul3A_22, %dma_start3A_59] : memref<10240x64xf32, #tpu.memory_space<vmem_shared>> -> memref<640x64xf32, #tpu.memory_space<vmem_shared>>
      tpu.enqueue_dma source(%dma_start3A_60 : memref<640x64xf32, #tpu.memory_space<vmem_shared>>) target(%dma_start3A_58 : memref<640x64xf32, #tpu.memory_space<hbm>>) target_semaphore(%run_scoped3A_55 : memref<!tpu.dma_semaphore, #tpu.memory_space<semaphore_mem>>)
      %dma_wait3A_61 = arith.constant 0 : i32
      %dma_wait3A_62 = tpu.memref_slice %arg7[%arg0, %mul3A_24, %dma_wait3A_61] : memref<2x10240x128xf32, #tpu.memory_space<hbm>> -> memref<1x640x64xf32, #tpu.memory_space<hbm>>
      %dma_wait3A_63 = tpu.memref_squeeze %dma_wait3A_62 : memref<1x640x64xf32, #tpu.memory_space<hbm>> -> memref<640x64xf32, #tpu.memory_space<hbm>>
      %dma_wait3A_64 = arith.constant 0 : i32
      %dma_wait3A_65 = tpu.memref_slice %arg12[%mul3A_22, %dma_wait3A_64] : memref<10240x64xf32, #tpu.memory_space<vmem_shared>> -> memref<640x64xf32, #tpu.memory_space<vmem_shared>>
      tpu.wait_dma2 semaphore(%run_scoped3A_55 : memref<!tpu.dma_semaphore, #tpu.memory_space<semaphore_mem>>) src(%dma_wait3A_65 : memref<640x64xf32, #tpu.memory_space<vmem_shared>>) dst(%dma_wait3A_63 : memref<640x64xf32, #tpu.memory_space<hbm>>)
      tpu.yield
    }) : () -> ()
    %barrier3A_25 = arith.constant 0 : index
    tpu.barrier barrier_id(%barrier3A_25)
    %dma_start3A_26 = arith.constant 0 : i32
    %dma_start3A_27 = arith.constant 0 : i32
    %dma_start3A_28 = tpu.memref_slice %arg8[%dma_start3A_26, %dma_start3A_27] : memref<25x400xi32, #tpu.memory_space<vmem>> -> memref<1x400xi32, #tpu.memory_space<vmem>>
    %dma_start3A_29 = tpu.memref_squeeze %dma_start3A_28 : memref<1x400xi32, #tpu.memory_space<vmem>> -> memref<400xi32, #tpu.memory_space<vmem>>
    %dma_start3A_30 = arith.constant 0 : i32
    %dma_start3A_31 = arith.constant 0 : i32
    %dma_start3A_32 = tpu.memref_slice %arg5[%dma_start3A_30, %dma_start3A_31] : memref<10000x64xf32, #tpu.memory_space<hbm>> -> memref<10000x64xf32, #tpu.memory_space<hbm>>
    tpu.enqueue_indirect_dma source(%dma_start3A_32 : memref<10000x64xf32, #tpu.memory_space<hbm>>) target(%arg10 : memref<400x64xf32, #tpu.memory_space<vmem>>) offsets(%dma_start3A_29 : memref<400xi32, #tpu.memory_space<vmem>>) semaphore(%arg13 : memref<!tpu.dma_semaphore, #tpu.memory_space<semaphore_mem>>)
    %mul3A_33 = arith.constant 640 : i32
    %mul3A_34 = arith.muli %arg1, %mul3A_33 : i32
    "tpu.region"() ({
      %run_scoped3A_55 = tpu.sem_alloc : memref<!tpu.dma_semaphore, #tpu.memory_space<semaphore_mem>>
      %dma_start3A_56 = arith.constant 0 : i32
      %dma_start3A_57 = tpu.memref_slice %arg12[%mul3A_34, %dma_start3A_56] : memref<10240x64xf32, #tpu.memory_space<vmem_shared>> -> memref<640x64xf32, #tpu.memory_space<vmem_shared>>
      tpu.enqueue_dma source(%arg6 : memref<640x64xf32, #tpu.memory_space<hbm>>) target(%dma_start3A_57 : memref<640x64xf32, #tpu.memory_space<vmem_shared>>) target_semaphore(%run_scoped3A_55 : memref<!tpu.dma_semaphore, #tpu.memory_space<semaphore_mem>>)
      %dma_wait3A_58 = arith.constant 0 : i32
      %dma_wait3A_59 = tpu.memref_slice %arg12[%mul3A_34, %dma_wait3A_58] : memref<10240x64xf32, #tpu.memory_space<vmem_shared>> -> memref<640x64xf32, #tpu.memory_space<vmem_shared>>
      tpu.wait_dma2 semaphore(%run_scoped3A_55 : memref<!tpu.dma_semaphore, #tpu.memory_space<semaphore_mem>>) src(%arg6 : memref<640x64xf32, #tpu.memory_space<hbm>>) dst(%dma_wait3A_59 : memref<640x64xf32, #tpu.memory_space<vmem_shared>>)
      tpu.yield
    }) : () -> ()
    %barrier3A_35 = arith.constant 0 : index
    tpu.barrier barrier_id(%barrier3A_35)
    %scan3A_36 = arith.constant 0 : i32
    %scan3A_37 = arith.constant 0 : i32
    %scan3A_38 = arith.constant 12 : i32
    %scan3A_39 = arith.addi %scan3A_37, %scan3A_38 : i32
    %scan3A_40 = arith.constant 1 : i32
    scf.for %scan3A_55 = %scan3A_37 to %scan3A_39 step %scan3A_40  : i32 {
      %mul3A_56 = arith.constant 2 : i32
      %mul3A_57 = arith.muli %mul3A_56, %scan3A_55 : i32
      %add3A_58 = arith.constant 1 : i32
      %add3A_59 = arith.addi %mul3A_57, %add3A_58 : i32
      %dma_start3A_60 = arith.constant 0 : i32
      %dma_start3A_61 = tpu.memref_slice %arg8[%add3A_59, %dma_start3A_60] : memref<25x400xi32, #tpu.memory_space<vmem>> -> memref<1x400xi32, #tpu.memory_space<vmem>>
      %dma_start3A_62 = tpu.memref_squeeze %dma_start3A_61 : memref<1x400xi32, #tpu.memory_space<vmem>> -> memref<400xi32, #tpu.memory_space<vmem>>
      %dma_start3A_63 = arith.constant 0 : i32
      %dma_start3A_64 = arith.constant 0 : i32
      %dma_start3A_65 = tpu.memref_slice %arg5[%dma_start3A_63, %dma_start3A_64] : memref<10000x64xf32, #tpu.memory_space<hbm>> -> memref<10000x64xf32, #tpu.memory_space<hbm>>
      tpu.enqueue_indirect_dma source(%dma_start3A_65 : memref<10000x64xf32, #tpu.memory_space<hbm>>) target(%arg11 : memref<400x64xf32, #tpu.memory_space<vmem>>) offsets(%dma_start3A_62 : memref<400xi32, #tpu.memory_space<vmem>>) semaphore(%arg14 : memref<!tpu.dma_semaphore, #tpu.memory_space<semaphore_mem>>)
      %dma_wait3A_66 = arith.constant 0 : i32
      %dma_wait3A_67 = tpu.memref_slice %arg8[%mul3A_57, %dma_wait3A_66] : memref<25x400xi32, #tpu.memory_space<vmem>> -> memref<1x400xi32, #tpu.memory_space<vmem>>
      %dma_wait3A_68 = tpu.memref_squeeze %dma_wait3A_67 : memref<1x400xi32, #tpu.memory_space<vmem>> -> memref<400xi32, #tpu.memory_space<vmem>>
      %dma_wait3A_69 = arith.constant 0 : i32
      %dma_wait3A_70 = arith.constant 0 : i32
      %dma_wait3A_71 = tpu.memref_slice %arg5[%dma_wait3A_69, %dma_wait3A_70] : memref<10000x64xf32, #tpu.memory_space<hbm>> -> memref<10000x64xf32, #tpu.memory_space<hbm>>
      tpu.wait_indirect_dma semaphore(%arg13 : memref<!tpu.dma_semaphore, #tpu.memory_space<semaphore_mem>>) src(%dma_wait3A_71 : memref<10000x64xf32, #tpu.memory_space<hbm>>) dst(%arg10 : memref<400x64xf32, #tpu.memory_space<vmem>>)
      "tpu.region"() ({
        %run_scoped3A_90 = tpu.sem_alloc : memref<!tpu.dma_semaphore, #tpu.memory_space<semaphore_mem>>
        %dma_start3A_91 = arith.constant 0 : i32
        %dma_start3A_92 = tpu.memref_slice %arg9[%mul3A_57, %dma_start3A_91] : memref<25x400xi32, #tpu.memory_space<vmem>> -> memref<1x400xi32, #tpu.memory_space<vmem>>
        %dma_start3A_93 = tpu.memref_squeeze %dma_start3A_92 : memref<1x400xi32, #tpu.memory_space<vmem>> -> memref<400xi32, #tpu.memory_space<vmem>>
        %dma_start3A_94 = arith.constant 0 : i32
        %dma_start3A_95 = arith.constant 0 : i32
        %dma_start3A_96 = tpu.memref_slice %arg12[%dma_start3A_94, %dma_start3A_95] : memref<10240x64xf32, #tpu.memory_space<vmem_shared>> -> memref<10240x64xf32, #tpu.memory_space<vmem_shared>>
        tpu.enqueue_indirect_dma source(%arg10 : memref<400x64xf32, #tpu.memory_space<vmem>>) target(%dma_start3A_96 : memref<10240x64xf32, #tpu.memory_space<vmem_shared>>) offsets(%dma_start3A_93 : memref<400xi32, #tpu.memory_space<vmem>>) semaphore(%run_scoped3A_90 : memref<!tpu.dma_semaphore, #tpu.memory_space<semaphore_mem>>) {add = true}
        %dma_wait3A_97 = arith.constant 0 : i32
        %dma_wait3A_98 = tpu.memref_slice %arg9[%mul3A_57, %dma_wait3A_97] : memref<25x400xi32, #tpu.memory_space<vmem>> -> memref<1x400xi32, #tpu.memory_space<vmem>>
        %dma_wait3A_99 = tpu.memref_squeeze %dma_wait3A_98 : memref<1x400xi32, #tpu.memory_space<vmem>> -> memref<400xi32, #tpu.memory_space<vmem>>
        %dma_wait3A_100 = arith.constant 0 : i32
        %dma_wait3A_101 = arith.constant 0 : i32
        %dma_wait3A_102 = tpu.memref_slice %arg12[%dma_wait3A_100, %dma_wait3A_101] : memref<10240x64xf32, #tpu.memory_space<vmem_shared>> -> memref<10240x64xf32, #tpu.memory_space<vmem_shared>>
        tpu.wait_indirect_dma semaphore(%run_scoped3A_90 : memref<!tpu.dma_semaphore, #tpu.memory_space<semaphore_mem>>) src(%arg10 : memref<400x64xf32, #tpu.memory_space<vmem>>) dst(%dma_wait3A_102 : memref<10240x64xf32, #tpu.memory_space<vmem_shared>>)
        tpu.yield
      }) : () -> ()
      %add3A_72 = arith.constant 2 : i32
      %add3A_73 = arith.addi %mul3A_57, %add3A_72 : i32
      %dma_start3A_74 = arith.constant 0 : i32
      %dma_start3A_75 = tpu.memref_slice %arg8[%add3A_73, %dma_start3A_74] : memref<25x400xi32, #tpu.memory_space<vmem>> -> memref<1x400xi32, #tpu.memory_space<vmem>>
      %dma_start3A_76 = tpu.memref_squeeze %dma_start3A_75 : memref<1x400xi32, #tpu.memory_space<vmem>> -> memref<400xi32, #tpu.memory_space<vmem>>
      %dma_start3A_77 = arith.constant 0 : i32
      %dma_start3A_78 = arith.constant 0 : i32
      %dma_start3A_79 = tpu.memref_slice %arg5[%dma_start3A_77, %dma_start3A_78] : memref<10000x64xf32, #tpu.memory_space<hbm>> -> memref<10000x64xf32, #tpu.memory_space<hbm>>
      tpu.enqueue_indirect_dma source(%dma_start3A_79 : memref<10000x64xf32, #tpu.memory_space<hbm>>) target(%arg10 : memref<400x64xf32, #tpu.memory_space<vmem>>) offsets(%dma_start3A_76 : memref<400xi32, #tpu.memory_space<vmem>>) semaphore(%arg13 : memref<!tpu.dma_semaphore, #tpu.memory_space<semaphore_mem>>)
      %add3A_80 = arith.constant 1 : i32
      %add3A_81 = arith.addi %mul3A_57, %add3A_80 : i32
      %dma_wait3A_82 = arith.constant 0 : i32
      %dma_wait3A_83 = tpu.memref_slice %arg8[%add3A_81, %dma_wait3A_82] : memref<25x400xi32, #tpu.memory_space<vmem>> -> memref<1x400xi32, #tpu.memory_space<vmem>>
      %dma_wait3A_84 = tpu.memref_squeeze %dma_wait3A_83 : memref<1x400xi32, #tpu.memory_space<vmem>> -> memref<400xi32, #tpu.memory_space<vmem>>
      %dma_wait3A_85 = arith.constant 0 : i32
      %dma_wait3A_86 = arith.constant 0 : i32
      %dma_wait3A_87 = tpu.memref_slice %arg5[%dma_wait3A_85, %dma_wait3A_86] : memref<10000x64xf32, #tpu.memory_space<hbm>> -> memref<10000x64xf32, #tpu.memory_space<hbm>>
      tpu.wait_indirect_dma semaphore(%arg14 : memref<!tpu.dma_semaphore, #tpu.memory_space<semaphore_mem>>) src(%dma_wait3A_87 : memref<10000x64xf32, #tpu.memory_space<hbm>>) dst(%arg11 : memref<400x64xf32, #tpu.memory_space<vmem>>)
      %add3A_88 = arith.constant 1 : i32
      %add3A_89 = arith.addi %mul3A_57, %add3A_88 : i32
      "tpu.region"() ({
        %run_scoped3A_90 = tpu.sem_alloc : memref<!tpu.dma_semaphore, #tpu.memory_space<semaphore_mem>>
        %dma_start3A_91 = arith.constant 0 : i32
        %dma_start3A_92 = tpu.memref_slice %arg9[%add3A_89, %dma_start3A_91] : memref<25x400xi32, #tpu.memory_space<vmem>> -> memref<1x400xi32, #tpu.memory_space<vmem>>
        %dma_start3A_93 = tpu.memref_squeeze %dma_start3A_92 : memref<1x400xi32, #tpu.memory_space<vmem>> -> memref<400xi32, #tpu.memory_space<vmem>>
        %dma_start3A_94 = arith.constant 0 : i32
        %dma_start3A_95 = arith.constant 0 : i32
        %dma_start3A_96 = tpu.memref_slice %arg12[%dma_start3A_94, %dma_start3A_95] : memref<10240x64xf32, #tpu.memory_space<vmem_shared>> -> memref<10240x64xf32, #tpu.memory_space<vmem_shared>>
        tpu.enqueue_indirect_dma source(%arg11 : memref<400x64xf32, #tpu.memory_space<vmem>>) target(%dma_start3A_96 : memref<10240x64xf32, #tpu.memory_space<vmem_shared>>) offsets(%dma_start3A_93 : memref<400xi32, #tpu.memory_space<vmem>>) semaphore(%run_scoped3A_90 : memref<!tpu.dma_semaphore, #tpu.memory_space<semaphore_mem>>) {add = true}
        %dma_wait3A_97 = arith.constant 0 : i32
        %dma_wait3A_98 = tpu.memref_slice %arg9[%add3A_89, %dma_wait3A_97] : memref<25x400xi32, #tpu.memory_space<vmem>> -> memref<1x400xi32, #tpu.memory_space<vmem>>
        %dma_wait3A_99 = tpu.memref_squeeze %dma_wait3A_98 : memref<1x400xi32, #tpu.memory_space<vmem>> -> memref<400xi32, #tpu.memory_space<vmem>>
        %dma_wait3A_100 = arith.constant 0 : i32
        %dma_wait3A_101 = arith.constant 0 : i32
        %dma_wait3A_102 = tpu.memref_slice %arg12[%dma_wait3A_100, %dma_wait3A_101] : memref<10240x64xf32, #tpu.memory_space<vmem_shared>> -> memref<10240x64xf32, #tpu.memory_space<vmem_shared>>
        tpu.wait_indirect_dma semaphore(%run_scoped3A_90 : memref<!tpu.dma_semaphore, #tpu.memory_space<semaphore_mem>>) src(%arg11 : memref<400x64xf32, #tpu.memory_space<vmem>>) dst(%dma_wait3A_102 : memref<10240x64xf32, #tpu.memory_space<vmem_shared>>)
        tpu.yield
      }) : () -> ()
    }
    %scan3A_41 = arith.constant 12 : i32
    %dma_wait3A_42 = arith.constant 24 : i32
    %dma_wait3A_43 = arith.constant 0 : i32
    %dma_wait3A_44 = tpu.memref_slice %arg8[%dma_wait3A_42, %dma_wait3A_43] : memref<25x400xi32, #tpu.memory_space<vmem>> -> memref<1x400xi32, #tpu.memory_space<vmem>>
    %dma_wait3A_45 = tpu.memref_squeeze %dma_wait3A_44 : memref<1x400xi32, #tpu.memory_space<vmem>> -> memref<400xi32, #tpu.memory_space<vmem>>
    %dma_wait3A_46 = arith.constant 0 : i32
    %dma_wait3A_47 = arith.constant 0 : i32
    %dma_wait3A_48 = tpu.memref_slice %arg5[%dma_wait3A_46, %dma_wait3A_47] : memref<10000x64xf32, #tpu.memory_space<hbm>> -> memref<10000x64xf32, #tpu.memory_space<hbm>>
    tpu.wait_indirect_dma semaphore(%arg13 : memref<!tpu.dma_semaphore, #tpu.memory_space<semaphore_mem>>) src(%dma_wait3A_48 : memref<10000x64xf32, #tpu.memory_space<hbm>>) dst(%arg10 : memref<400x64xf32, #tpu.memory_space<vmem>>)
    %run_scoped3A_49 = arith.constant 24 : i32
    "tpu.region"() ({
      %run_scoped3A_55 = tpu.sem_alloc : memref<!tpu.dma_semaphore, #tpu.memory_space<semaphore_mem>>
      %dma_start3A_56 = arith.constant 0 : i32
      %dma_start3A_57 = tpu.memref_slice %arg9[%run_scoped3A_49, %dma_start3A_56] : memref<25x400xi32, #tpu.memory_space<vmem>> -> memref<1x400xi32, #tpu.memory_space<vmem>>
      %dma_start3A_58 = tpu.memref_squeeze %dma_start3A_57 : memref<1x400xi32, #tpu.memory_space<vmem>> -> memref<400xi32, #tpu.memory_space<vmem>>
      %dma_start3A_59 = arith.constant 0 : i32
      %dma_start3A_60 = arith.constant 0 : i32
      %dma_start3A_61 = tpu.memref_slice %arg12[%dma_start3A_59, %dma_start3A_60] : memref<10240x64xf32, #tpu.memory_space<vmem_shared>> -> memref<10240x64xf32, #tpu.memory_space<vmem_shared>>
      tpu.enqueue_indirect_dma source(%arg10 : memref<400x64xf32, #tpu.memory_space<vmem>>) target(%dma_start3A_61 : memref<10240x64xf32, #tpu.memory_space<vmem_shared>>) offsets(%dma_start3A_58 : memref<400xi32, #tpu.memory_space<vmem>>) semaphore(%run_scoped3A_55 : memref<!tpu.dma_semaphore, #tpu.memory_space<semaphore_mem>>) {add = true}
      %dma_wait3A_62 = arith.constant 0 : i32
      %dma_wait3A_63 = tpu.memref_slice %arg9[%run_scoped3A_49, %dma_wait3A_62] : memref<25x400xi32, #tpu.memory_space<vmem>> -> memref<1x400xi32, #tpu.memory_space<vmem>>
      %dma_wait3A_64 = tpu.memref_squeeze %dma_wait3A_63 : memref<1x400xi32, #tpu.memory_space<vmem>> -> memref<400xi32, #tpu.memory_space<vmem>>
      %dma_wait3A_65 = arith.constant 0 : i32
      %dma_wait3A_66 = arith.constant 0 : i32
      %dma_wait3A_67 = tpu.memref_slice %arg12[%dma_wait3A_65, %dma_wait3A_66] : memref<10240x64xf32, #tpu.memory_space<vmem_shared>> -> memref<10240x64xf32, #tpu.memory_space<vmem_shared>>
      tpu.wait_indirect_dma semaphore(%run_scoped3A_55 : memref<!tpu.dma_semaphore, #tpu.memory_space<semaphore_mem>>) src(%arg10 : memref<400x64xf32, #tpu.memory_space<vmem>>) dst(%dma_wait3A_67 : memref<10240x64xf32, #tpu.memory_space<vmem_shared>>)
      tpu.yield
    }) : () -> ()
    %barrier3A_50 = arith.constant 0 : index
    tpu.barrier barrier_id(%barrier3A_50)
    %mul3A_51 = arith.constant 640 : i32
    %mul3A_52 = arith.muli %arg1, %mul3A_51 : i32
    %mul3A_53 = arith.constant 640 : i32
    %mul3A_54 = arith.muli %arg1, %mul3A_53 : i32
    "tpu.region"() ({
      %run_scoped3A_55 = tpu.sem_alloc : memref<!tpu.dma_semaphore, #tpu.memory_space<semaphore_mem>>
      %dma_start3A_56 = arith.constant 64 : i32
      %dma_start3A_57 = tpu.memref_slice %arg7[%arg0, %mul3A_54, %dma_start3A_56] : memref<2x10240x128xf32, #tpu.memory_space<hbm>> -> memref<1x640x64xf32, #tpu.memory_space<hbm>>
      %dma_start3A_58 = tpu.memref_squeeze %dma_start3A_57 : memref<1x640x64xf32, #tpu.memory_space<hbm>> -> memref<640x64xf32, #tpu.memory_space<hbm>>
      %dma_start3A_59 = arith.constant 0 : i32
      %dma_start3A_60 = tpu.memref_slice %arg12[%mul3A_52, %dma_start3A_59] : memref<10240x64xf32, #tpu.memory_space<vmem_shared>> -> memref<640x64xf32, #tpu.memory_space<vmem_shared>>
      tpu.enqueue_dma source(%dma_start3A_60 : memref<640x64xf32, #tpu.memory_space<vmem_shared>>) target(%dma_start3A_58 : memref<640x64xf32, #tpu.memory_space<hbm>>) target_semaphore(%run_scoped3A_55 : memref<!tpu.dma_semaphore, #tpu.memory_space<semaphore_mem>>)
      %dma_wait3A_61 = arith.constant 64 : i32
      %dma_wait3A_62 = tpu.memref_slice %arg7[%arg0, %mul3A_54, %dma_wait3A_61] : memref<2x10240x128xf32, #tpu.memory_space<hbm>> -> memref<1x640x64xf32, #tpu.memory_space<hbm>>
      %dma_wait3A_63 = tpu.memref_squeeze %dma_wait3A_62 : memref<1x640x64xf32, #tpu.memory_space<hbm>> -> memref<640x64xf32, #tpu.memory_space<hbm>>
      %dma_wait3A_64 = arith.constant 0 : i32
      %dma_wait3A_65 = tpu.memref_slice %arg12[%mul3A_52, %dma_wait3A_64] : memref<10240x64xf32, #tpu.memory_space<vmem_shared>> -> memref<640x64xf32, #tpu.memory_space<vmem_shared>>
      tpu.wait_dma2 semaphore(%run_scoped3A_55 : memref<!tpu.dma_semaphore, #tpu.memory_space<semaphore_mem>>) src(%dma_wait3A_65 : memref<640x64xf32, #tpu.memory_space<vmem_shared>>) dst(%dma_wait3A_63 : memref<640x64xf32, #tpu.memory_space<hbm>>)
      tpu.yield
    }) : () -> ()
    return
  }
}

#map = affine_map<(d0, d1) -> (0, 0, 0)>
#map1 = affine_map<(d0, d1) -> (0)>
#map2 = affine_map<(d0, d1) -> (0, 0)>
module attributes {stable_mosaic.version = 14 : i64} {
  func.func @deg_kernel(%arg0: i32, %arg1: i32, %arg2: memref<32x5x2000xi32, #tpu.memory_space<hbm>>, %arg3: memref<2000xf32, #tpu.memory_space<hbm>>, %arg4: memref<640xf32, #tpu.memory_space<hbm>>, %arg5: memref<2x10240xf32, #tpu.memory_space<hbm>>, %arg6: memref<5x2000xi32, #tpu.memory_space<vmem>>, %arg7: memref<2000xf32, #tpu.memory_space<vmem>>, %arg8: memref<10240xf32, #tpu.memory_space<vmem_shared>>) attributes {dimension_semantics = [#tpu.dimension_semantics<core_parallel>, #tpu.dimension_semantics<subcore_parallel>], iteration_bounds = array<i64: 2, 16>, scalar_prefetch = 0 : i64, scratch_operands = 3 : i64, tpu.core_type = #tpu.core_type<sc_vector_subcore>, window_params = [{transform_indices = #map}, {transform_indices = #map1}, {transform_indices = #map1}, {transform_indices = #map2}]} {
    %mul3A = arith.constant 16 : i32
    %mul3A_0 = arith.muli %arg0, %mul3A : i32
    %add3A = arith.addi %mul3A_0, %arg1 : i32
    %mul3A_1 = arith.constant 640 : i32
    %mul3A_2 = arith.muli %arg1, %mul3A_1 : i32
    "tpu.region"() ({
      %run_scoped3A = tpu.sem_alloc : memref<!tpu.dma_semaphore, #tpu.memory_space<semaphore_mem>>
      %dma_start3A = tpu.memref_slice %arg8[%mul3A_2] : memref<10240xf32, #tpu.memory_space<vmem_shared>> -> memref<640xf32, #tpu.memory_space<vmem_shared>>
      tpu.enqueue_dma source(%arg4 : memref<640xf32, #tpu.memory_space<hbm>>) target(%dma_start3A : memref<640xf32, #tpu.memory_space<vmem_shared>>) target_semaphore(%run_scoped3A : memref<!tpu.dma_semaphore, #tpu.memory_space<semaphore_mem>>)
      %dma_wait3A = tpu.memref_slice %arg8[%mul3A_2] : memref<10240xf32, #tpu.memory_space<vmem_shared>> -> memref<640xf32, #tpu.memory_space<vmem_shared>>
      tpu.wait_dma2 semaphore(%run_scoped3A : memref<!tpu.dma_semaphore, #tpu.memory_space<semaphore_mem>>) src(%arg4 : memref<640xf32, #tpu.memory_space<hbm>>) dst(%dma_wait3A : memref<640xf32, #tpu.memory_space<vmem_shared>>)
      tpu.yield
    }) : () -> ()
    "tpu.region"() ({
      %run_scoped3A = tpu.sem_alloc : memref<!tpu.dma_semaphore, #tpu.memory_space<semaphore_mem>>
      tpu.enqueue_dma source(%arg3 : memref<2000xf32, #tpu.memory_space<hbm>>) target(%arg7 : memref<2000xf32, #tpu.memory_space<vmem>>) target_semaphore(%run_scoped3A : memref<!tpu.dma_semaphore, #tpu.memory_space<semaphore_mem>>)
      tpu.wait_dma2 semaphore(%run_scoped3A : memref<!tpu.dma_semaphore, #tpu.memory_space<semaphore_mem>>) src(%arg3 : memref<2000xf32, #tpu.memory_space<hbm>>) dst(%arg7 : memref<2000xf32, #tpu.memory_space<vmem>>)
      tpu.yield
    }) : () -> ()
    "tpu.region"() ({
      %run_scoped3A = tpu.sem_alloc : memref<!tpu.dma_semaphore, #tpu.memory_space<semaphore_mem>>
      %dma_start3A = arith.constant 0 : i32
      %dma_start3A_13 = arith.constant 0 : i32
      %dma_start3A_14 = tpu.memref_slice %arg2[%add3A, %dma_start3A, %dma_start3A_13] : memref<32x5x2000xi32, #tpu.memory_space<hbm>> -> memref<1x5x2000xi32, #tpu.memory_space<hbm>>
      %dma_start3A_15 = tpu.memref_squeeze %dma_start3A_14 : memref<1x5x2000xi32, #tpu.memory_space<hbm>> -> memref<5x2000xi32, #tpu.memory_space<hbm>>
      %dma_start3A_16 = arith.constant 0 : i32
      %dma_start3A_17 = arith.constant 0 : i32
      %dma_start3A_18 = tpu.memref_slice %arg2[%add3A, %dma_start3A_16, %dma_start3A_17] : memref<32x5x2000xi32, #tpu.memory_space<hbm>> -> memref<1x5x2000xi32, #tpu.memory_space<hbm>>
      %dma_start3A_19 = tpu.memref_squeeze %dma_start3A_18 : memref<1x5x2000xi32, #tpu.memory_space<hbm>> -> memref<5x2000xi32, #tpu.memory_space<hbm>>
      tpu.enqueue_dma source(%dma_start3A_19 : memref<5x2000xi32, #tpu.memory_space<hbm>>) target(%arg6 : memref<5x2000xi32, #tpu.memory_space<vmem>>) target_semaphore(%run_scoped3A : memref<!tpu.dma_semaphore, #tpu.memory_space<semaphore_mem>>)
      %dma_wait3A = arith.constant 0 : i32
      %dma_wait3A_20 = arith.constant 0 : i32
      %dma_wait3A_21 = tpu.memref_slice %arg2[%add3A, %dma_wait3A, %dma_wait3A_20] : memref<32x5x2000xi32, #tpu.memory_space<hbm>> -> memref<1x5x2000xi32, #tpu.memory_space<hbm>>
      %dma_wait3A_22 = tpu.memref_squeeze %dma_wait3A_21 : memref<1x5x2000xi32, #tpu.memory_space<hbm>> -> memref<5x2000xi32, #tpu.memory_space<hbm>>
      %dma_wait3A_23 = arith.constant 0 : i32
      %dma_wait3A_24 = arith.constant 0 : i32
      %dma_wait3A_25 = tpu.memref_slice %arg2[%add3A, %dma_wait3A_23, %dma_wait3A_24] : memref<32x5x2000xi32, #tpu.memory_space<hbm>> -> memref<1x5x2000xi32, #tpu.memory_space<hbm>>
      %dma_wait3A_26 = tpu.memref_squeeze %dma_wait3A_25 : memref<1x5x2000xi32, #tpu.memory_space<hbm>> -> memref<5x2000xi32, #tpu.memory_space<hbm>>
      tpu.wait_dma2 semaphore(%run_scoped3A : memref<!tpu.dma_semaphore, #tpu.memory_space<semaphore_mem>>) src(%dma_wait3A_26 : memref<5x2000xi32, #tpu.memory_space<hbm>>) dst(%arg6 : memref<5x2000xi32, #tpu.memory_space<vmem>>)
      tpu.yield
    }) : () -> ()
    %barrier3A = arith.constant 0 : index
    tpu.barrier barrier_id(%barrier3A)
    %scan3A = arith.constant 0 : i32
    %scan3A_3 = arith.constant 0 : i32
    %scan3A_4 = arith.constant 5 : i32
    %scan3A_5 = arith.addi %scan3A_3, %scan3A_4 : i32
    %scan3A_6 = arith.constant 1 : i32
    scf.for %scan3A_13 = %scan3A_3 to %scan3A_5 step %scan3A_6  : i32 {
      "tpu.region"() ({
        %run_scoped3A = tpu.sem_alloc : memref<!tpu.dma_semaphore, #tpu.memory_space<semaphore_mem>>
        %dma_start3A = arith.constant 0 : i32
        %dma_start3A_14 = tpu.memref_slice %arg6[%scan3A_13, %dma_start3A] : memref<5x2000xi32, #tpu.memory_space<vmem>> -> memref<1x2000xi32, #tpu.memory_space<vmem>>
        %dma_start3A_15 = tpu.memref_squeeze %dma_start3A_14 : memref<1x2000xi32, #tpu.memory_space<vmem>> -> memref<2000xi32, #tpu.memory_space<vmem>>
        %dma_start3A_16 = arith.constant 0 : i32
        %dma_start3A_17 = tpu.memref_slice %arg8[%dma_start3A_16] : memref<10240xf32, #tpu.memory_space<vmem_shared>> -> memref<10240xf32, #tpu.memory_space<vmem_shared>>
        tpu.enqueue_indirect_dma source(%arg7 : memref<2000xf32, #tpu.memory_space<vmem>>) target(%dma_start3A_17 : memref<10240xf32, #tpu.memory_space<vmem_shared>>) offsets(%dma_start3A_15 : memref<2000xi32, #tpu.memory_space<vmem>>) semaphore(%run_scoped3A : memref<!tpu.dma_semaphore, #tpu.memory_space<semaphore_mem>>) {add = true}
        %dma_wait3A = arith.constant 0 : i32
        %dma_wait3A_18 = tpu.memref_slice %arg6[%scan3A_13, %dma_wait3A] : memref<5x2000xi32, #tpu.memory_space<vmem>> -> memref<1x2000xi32, #tpu.memory_space<vmem>>
        %dma_wait3A_19 = tpu.memref_squeeze %dma_wait3A_18 : memref<1x2000xi32, #tpu.memory_space<vmem>> -> memref<2000xi32, #tpu.memory_space<vmem>>
        %dma_wait3A_20 = arith.constant 0 : i32
        %dma_wait3A_21 = tpu.memref_slice %arg8[%dma_wait3A_20] : memref<10240xf32, #tpu.memory_space<vmem_shared>> -> memref<10240xf32, #tpu.memory_space<vmem_shared>>
        tpu.wait_indirect_dma semaphore(%run_scoped3A : memref<!tpu.dma_semaphore, #tpu.memory_space<semaphore_mem>>) src(%arg7 : memref<2000xf32, #tpu.memory_space<vmem>>) dst(%dma_wait3A_21 : memref<10240xf32, #tpu.memory_space<vmem_shared>>)
        tpu.yield
      }) : () -> ()
    }
    %scan3A_7 = arith.constant 5 : i32
    %barrier3A_8 = arith.constant 0 : index
    tpu.barrier barrier_id(%barrier3A_8)
    %mul3A_9 = arith.constant 640 : i32
    %mul3A_10 = arith.muli %arg1, %mul3A_9 : i32
    %mul3A_11 = arith.constant 640 : i32
    %mul3A_12 = arith.muli %arg1, %mul3A_11 : i32
    "tpu.region"() ({
      %run_scoped3A = tpu.sem_alloc : memref<!tpu.dma_semaphore, #tpu.memory_space<semaphore_mem>>
      %dma_start3A = tpu.memref_slice %arg5[%arg0, %mul3A_12] : memref<2x10240xf32, #tpu.memory_space<hbm>> -> memref<1x640xf32, #tpu.memory_space<hbm>>
      %dma_start3A_13 = tpu.memref_squeeze %dma_start3A : memref<1x640xf32, #tpu.memory_space<hbm>> -> memref<640xf32, #tpu.memory_space<hbm>>
      %dma_start3A_14 = tpu.memref_slice %arg8[%mul3A_10] : memref<10240xf32, #tpu.memory_space<vmem_shared>> -> memref<640xf32, #tpu.memory_space<vmem_shared>>
      tpu.enqueue_dma source(%dma_start3A_14 : memref<640xf32, #tpu.memory_space<vmem_shared>>) target(%dma_start3A_13 : memref<640xf32, #tpu.memory_space<hbm>>) target_semaphore(%run_scoped3A : memref<!tpu.dma_semaphore, #tpu.memory_space<semaphore_mem>>)
      %dma_wait3A = tpu.memref_slice %arg5[%arg0, %mul3A_12] : memref<2x10240xf32, #tpu.memory_space<hbm>> -> memref<1x640xf32, #tpu.memory_space<hbm>>
      %dma_wait3A_15 = tpu.memref_squeeze %dma_wait3A : memref<1x640xf32, #tpu.memory_space<hbm>> -> memref<640xf32, #tpu.memory_space<hbm>>
      %dma_wait3A_16 = tpu.memref_slice %arg8[%mul3A_10] : memref<10240xf32, #tpu.memory_space<vmem_shared>> -> memref<640xf32, #tpu.memory_space<vmem_shared>>
      tpu.wait_dma2 semaphore(%run_scoped3A : memref<!tpu.dma_semaphore, #tpu.memory_space<semaphore_mem>>) src(%dma_wait3A_16 : memref<640xf32, #tpu.memory_space<vmem_shared>>) dst(%dma_wait3A_15 : memref<640xf32, #tpu.memory_space<hbm>>)
      tpu.yield
    }) : () -> ()
    return
  }
}

#map = affine_map<(d0, d1) -> (0, 0, 0)>
#map1 = affine_map<(d0, d1) -> (0, 0)>
module attributes {stable_mosaic.version = 14 : i64} {
  func.func @prop_kernel(%arg0: i32, %arg1: i32, %arg2: memref<32x10x1000xi32, #tpu.memory_space<hbm>>, %arg3: memref<32x10x1000xi32, #tpu.memory_space<hbm>>, %arg4: memref<10000x32xf32, #tpu.memory_space<hbm>>, %arg5: memref<640x32xf32, #tpu.memory_space<hbm>>, %arg6: memref<2x10240x32xf32, #tpu.memory_space<hbm>>, %arg7: memref<10x1000xi32, #tpu.memory_space<vmem>>, %arg8: memref<10x1000xi32, #tpu.memory_space<vmem>>, %arg9: memref<1000x32xf32, #tpu.memory_space<vmem>>, %arg10: memref<1000x32xf32, #tpu.memory_space<vmem>>, %arg11: memref<10240x32xf32, #tpu.memory_space<vmem_shared>>, %arg12: memref<!tpu.dma_semaphore, #tpu.memory_space<semaphore_mem>>, %arg13: memref<!tpu.dma_semaphore, #tpu.memory_space<semaphore_mem>>) attributes {dimension_semantics = [#tpu.dimension_semantics<core_parallel>, #tpu.dimension_semantics<subcore_parallel>], iteration_bounds = array<i64: 2, 16>, scalar_prefetch = 0 : i64, scratch_operands = 7 : i64, tpu.core_type = #tpu.core_type<sc_vector_subcore>, window_params = [{transform_indices = #map}, {transform_indices = #map}, {transform_indices = #map1}, {transform_indices = #map1}, {transform_indices = #map}]} {
    %mul3A = arith.constant 16 : i32
    %mul3A_0 = arith.muli %arg0, %mul3A : i32
    %add3A = arith.addi %mul3A_0, %arg1 : i32
    "tpu.region"() ({
      %run_scoped3A = tpu.sem_alloc : memref<!tpu.dma_semaphore, #tpu.memory_space<semaphore_mem>>
      %dma_start3A_19 = arith.constant 0 : i32
      %dma_start3A_20 = arith.constant 0 : i32
      %dma_start3A_21 = tpu.memref_slice %arg2[%add3A, %dma_start3A_19, %dma_start3A_20] : memref<32x10x1000xi32, #tpu.memory_space<hbm>> -> memref<1x10x1000xi32, #tpu.memory_space<hbm>>
      %dma_start3A_22 = tpu.memref_squeeze %dma_start3A_21 : memref<1x10x1000xi32, #tpu.memory_space<hbm>> -> memref<10x1000xi32, #tpu.memory_space<hbm>>
      %dma_start3A_23 = arith.constant 0 : i32
      %dma_start3A_24 = arith.constant 0 : i32
      %dma_start3A_25 = tpu.memref_slice %arg2[%add3A, %dma_start3A_23, %dma_start3A_24] : memref<32x10x1000xi32, #tpu.memory_space<hbm>> -> memref<1x10x1000xi32, #tpu.memory_space<hbm>>
      %dma_start3A_26 = tpu.memref_squeeze %dma_start3A_25 : memref<1x10x1000xi32, #tpu.memory_space<hbm>> -> memref<10x1000xi32, #tpu.memory_space<hbm>>
      tpu.enqueue_dma source(%dma_start3A_26 : memref<10x1000xi32, #tpu.memory_space<hbm>>) target(%arg7 : memref<10x1000xi32, #tpu.memory_space<vmem>>) target_semaphore(%run_scoped3A : memref<!tpu.dma_semaphore, #tpu.memory_space<semaphore_mem>>)
      %dma_wait3A = arith.constant 0 : i32
      %dma_wait3A_27 = arith.constant 0 : i32
      %dma_wait3A_28 = tpu.memref_slice %arg2[%add3A, %dma_wait3A, %dma_wait3A_27] : memref<32x10x1000xi32, #tpu.memory_space<hbm>> -> memref<1x10x1000xi32, #tpu.memory_space<hbm>>
      %dma_wait3A_29 = tpu.memref_squeeze %dma_wait3A_28 : memref<1x10x1000xi32, #tpu.memory_space<hbm>> -> memref<10x1000xi32, #tpu.memory_space<hbm>>
      %dma_wait3A_30 = arith.constant 0 : i32
      %dma_wait3A_31 = arith.constant 0 : i32
      %dma_wait3A_32 = tpu.memref_slice %arg2[%add3A, %dma_wait3A_30, %dma_wait3A_31] : memref<32x10x1000xi32, #tpu.memory_space<hbm>> -> memref<1x10x1000xi32, #tpu.memory_space<hbm>>
      %dma_wait3A_33 = tpu.memref_squeeze %dma_wait3A_32 : memref<1x10x1000xi32, #tpu.memory_space<hbm>> -> memref<10x1000xi32, #tpu.memory_space<hbm>>
      tpu.wait_dma2 semaphore(%run_scoped3A : memref<!tpu.dma_semaphore, #tpu.memory_space<semaphore_mem>>) src(%dma_wait3A_33 : memref<10x1000xi32, #tpu.memory_space<hbm>>) dst(%arg7 : memref<10x1000xi32, #tpu.memory_space<vmem>>)
      tpu.yield
    }) : () -> ()
    "tpu.region"() ({
      %run_scoped3A = tpu.sem_alloc : memref<!tpu.dma_semaphore, #tpu.memory_space<semaphore_mem>>
      %dma_start3A_19 = arith.constant 0 : i32
      %dma_start3A_20 = arith.constant 0 : i32
      %dma_start3A_21 = tpu.memref_slice %arg3[%add3A, %dma_start3A_19, %dma_start3A_20] : memref<32x10x1000xi32, #tpu.memory_space<hbm>> -> memref<1x10x1000xi32, #tpu.memory_space<hbm>>
      %dma_start3A_22 = tpu.memref_squeeze %dma_start3A_21 : memref<1x10x1000xi32, #tpu.memory_space<hbm>> -> memref<10x1000xi32, #tpu.memory_space<hbm>>
      %dma_start3A_23 = arith.constant 0 : i32
      %dma_start3A_24 = arith.constant 0 : i32
      %dma_start3A_25 = tpu.memref_slice %arg3[%add3A, %dma_start3A_23, %dma_start3A_24] : memref<32x10x1000xi32, #tpu.memory_space<hbm>> -> memref<1x10x1000xi32, #tpu.memory_space<hbm>>
      %dma_start3A_26 = tpu.memref_squeeze %dma_start3A_25 : memref<1x10x1000xi32, #tpu.memory_space<hbm>> -> memref<10x1000xi32, #tpu.memory_space<hbm>>
      tpu.enqueue_dma source(%dma_start3A_26 : memref<10x1000xi32, #tpu.memory_space<hbm>>) target(%arg8 : memref<10x1000xi32, #tpu.memory_space<vmem>>) target_semaphore(%run_scoped3A : memref<!tpu.dma_semaphore, #tpu.memory_space<semaphore_mem>>)
      %dma_wait3A = arith.constant 0 : i32
      %dma_wait3A_27 = arith.constant 0 : i32
      %dma_wait3A_28 = tpu.memref_slice %arg3[%add3A, %dma_wait3A, %dma_wait3A_27] : memref<32x10x1000xi32, #tpu.memory_space<hbm>> -> memref<1x10x1000xi32, #tpu.memory_space<hbm>>
      %dma_wait3A_29 = tpu.memref_squeeze %dma_wait3A_28 : memref<1x10x1000xi32, #tpu.memory_space<hbm>> -> memref<10x1000xi32, #tpu.memory_space<hbm>>
      %dma_wait3A_30 = arith.constant 0 : i32
      %dma_wait3A_31 = arith.constant 0 : i32
      %dma_wait3A_32 = tpu.memref_slice %arg3[%add3A, %dma_wait3A_30, %dma_wait3A_31] : memref<32x10x1000xi32, #tpu.memory_space<hbm>> -> memref<1x10x1000xi32, #tpu.memory_space<hbm>>
      %dma_wait3A_33 = tpu.memref_squeeze %dma_wait3A_32 : memref<1x10x1000xi32, #tpu.memory_space<hbm>> -> memref<10x1000xi32, #tpu.memory_space<hbm>>
      tpu.wait_dma2 semaphore(%run_scoped3A : memref<!tpu.dma_semaphore, #tpu.memory_space<semaphore_mem>>) src(%dma_wait3A_33 : memref<10x1000xi32, #tpu.memory_space<hbm>>) dst(%arg8 : memref<10x1000xi32, #tpu.memory_space<vmem>>)
      tpu.yield
    }) : () -> ()
    %dma_start3A = arith.constant 0 : i32
    %dma_start3A_1 = arith.constant 0 : i32
    %dma_start3A_2 = tpu.memref_slice %arg7[%dma_start3A, %dma_start3A_1] : memref<10x1000xi32, #tpu.memory_space<vmem>> -> memref<1x1000xi32, #tpu.memory_space<vmem>>
    %dma_start3A_3 = tpu.memref_squeeze %dma_start3A_2 : memref<1x1000xi32, #tpu.memory_space<vmem>> -> memref<1000xi32, #tpu.memory_space<vmem>>
    %dma_start3A_4 = arith.constant 0 : i32
    %dma_start3A_5 = arith.constant 0 : i32
    %dma_start3A_6 = tpu.memref_slice %arg4[%dma_start3A_4, %dma_start3A_5] : memref<10000x32xf32, #tpu.memory_space<hbm>> -> memref<10000x32xf32, #tpu.memory_space<hbm>>
    tpu.enqueue_indirect_dma source(%dma_start3A_6 : memref<10000x32xf32, #tpu.memory_space<hbm>>) target(%arg9 : memref<1000x32xf32, #tpu.memory_space<vmem>>) offsets(%dma_start3A_3 : memref<1000xi32, #tpu.memory_space<vmem>>) semaphore(%arg12 : memref<!tpu.dma_semaphore, #tpu.memory_space<semaphore_mem>>)
    %mul3A_7 = arith.constant 640 : i32
    %mul3A_8 = arith.muli %arg1, %mul3A_7 : i32
    "tpu.region"() ({
      %run_scoped3A = tpu.sem_alloc : memref<!tpu.dma_semaphore, #tpu.memory_space<semaphore_mem>>
      %dma_start3A_19 = arith.constant 0 : i32
      %dma_start3A_20 = tpu.memref_slice %arg11[%mul3A_8, %dma_start3A_19] : memref<10240x32xf32, #tpu.memory_space<vmem_shared>> -> memref<640x32xf32, #tpu.memory_space<vmem_shared>>
      tpu.enqueue_dma source(%arg5 : memref<640x32xf32, #tpu.memory_space<hbm>>) target(%dma_start3A_20 : memref<640x32xf32, #tpu.memory_space<vmem_shared>>) target_semaphore(%run_scoped3A : memref<!tpu.dma_semaphore, #tpu.memory_space<semaphore_mem>>)
      %dma_wait3A = arith.constant 0 : i32
      %dma_wait3A_21 = tpu.memref_slice %arg11[%mul3A_8, %dma_wait3A] : memref<10240x32xf32, #tpu.memory_space<vmem_shared>> -> memref<640x32xf32, #tpu.memory_space<vmem_shared>>
      tpu.wait_dma2 semaphore(%run_scoped3A : memref<!tpu.dma_semaphore, #tpu.memory_space<semaphore_mem>>) src(%arg5 : memref<640x32xf32, #tpu.memory_space<hbm>>) dst(%dma_wait3A_21 : memref<640x32xf32, #tpu.memory_space<vmem_shared>>)
      tpu.yield
    }) : () -> ()
    %barrier3A = arith.constant 0 : index
    tpu.barrier barrier_id(%barrier3A)
    %scan3A = arith.constant 0 : i32
    %scan3A_9 = arith.constant 0 : i32
    %scan3A_10 = arith.constant 5 : i32
    %scan3A_11 = arith.addi %scan3A_9, %scan3A_10 : i32
    %scan3A_12 = arith.constant 1 : i32
    scf.for %scan3A_19 = %scan3A_9 to %scan3A_11 step %scan3A_12  : i32 {
      %mul3A_20 = arith.constant 2 : i32
      %mul3A_21 = arith.muli %mul3A_20, %scan3A_19 : i32
      %add3A_22 = arith.constant 1 : i32
      %add3A_23 = arith.addi %mul3A_21, %add3A_22 : i32
      %dma_start3A_24 = arith.constant 0 : i32
      %dma_start3A_25 = tpu.memref_slice %arg7[%add3A_23, %dma_start3A_24] : memref<10x1000xi32, #tpu.memory_space<vmem>> -> memref<1x1000xi32, #tpu.memory_space<vmem>>
      %dma_start3A_26 = tpu.memref_squeeze %dma_start3A_25 : memref<1x1000xi32, #tpu.memory_space<vmem>> -> memref<1000xi32, #tpu.memory_space<vmem>>
      %dma_start3A_27 = arith.constant 0 : i32
      %dma_start3A_28 = arith.constant 0 : i32
      %dma_start3A_29 = tpu.memref_slice %arg4[%dma_start3A_27, %dma_start3A_28] : memref<10000x32xf32, #tpu.memory_space<hbm>> -> memref<10000x32xf32, #tpu.memory_space<hbm>>
      tpu.enqueue_indirect_dma source(%dma_start3A_29 : memref<10000x32xf32, #tpu.memory_space<hbm>>) target(%arg10 : memref<1000x32xf32, #tpu.memory_space<vmem>>) offsets(%dma_start3A_26 : memref<1000xi32, #tpu.memory_space<vmem>>) semaphore(%arg13 : memref<!tpu.dma_semaphore, #tpu.memory_space<semaphore_mem>>)
      %dma_wait3A = arith.constant 0 : i32
      %dma_wait3A_30 = tpu.memref_slice %arg7[%mul3A_21, %dma_wait3A] : memref<10x1000xi32, #tpu.memory_space<vmem>> -> memref<1x1000xi32, #tpu.memory_space<vmem>>
      %dma_wait3A_31 = tpu.memref_squeeze %dma_wait3A_30 : memref<1x1000xi32, #tpu.memory_space<vmem>> -> memref<1000xi32, #tpu.memory_space<vmem>>
      %dma_wait3A_32 = arith.constant 0 : i32
      %dma_wait3A_33 = arith.constant 0 : i32
      %dma_wait3A_34 = tpu.memref_slice %arg4[%dma_wait3A_32, %dma_wait3A_33] : memref<10000x32xf32, #tpu.memory_space<hbm>> -> memref<10000x32xf32, #tpu.memory_space<hbm>>
      tpu.wait_indirect_dma semaphore(%arg12 : memref<!tpu.dma_semaphore, #tpu.memory_space<semaphore_mem>>) src(%dma_wait3A_34 : memref<10000x32xf32, #tpu.memory_space<hbm>>) dst(%arg9 : memref<1000x32xf32, #tpu.memory_space<vmem>>)
      "tpu.region"() ({
        %run_scoped3A = tpu.sem_alloc : memref<!tpu.dma_semaphore, #tpu.memory_space<semaphore_mem>>
        %dma_start3A_49 = arith.constant 0 : i32
        %dma_start3A_50 = tpu.memref_slice %arg8[%mul3A_21, %dma_start3A_49] : memref<10x1000xi32, #tpu.memory_space<vmem>> -> memref<1x1000xi32, #tpu.memory_space<vmem>>
        %dma_start3A_51 = tpu.memref_squeeze %dma_start3A_50 : memref<1x1000xi32, #tpu.memory_space<vmem>> -> memref<1000xi32, #tpu.memory_space<vmem>>
        %dma_start3A_52 = arith.constant 0 : i32
        %dma_start3A_53 = arith.constant 0 : i32
        %dma_start3A_54 = tpu.memref_slice %arg11[%dma_start3A_52, %dma_start3A_53] : memref<10240x32xf32, #tpu.memory_space<vmem_shared>> -> memref<10240x32xf32, #tpu.memory_space<vmem_shared>>
        tpu.enqueue_indirect_dma source(%arg9 : memref<1000x32xf32, #tpu.memory_space<vmem>>) target(%dma_start3A_54 : memref<10240x32xf32, #tpu.memory_space<vmem_shared>>) offsets(%dma_start3A_51 : memref<1000xi32, #tpu.memory_space<vmem>>) semaphore(%run_scoped3A : memref<!tpu.dma_semaphore, #tpu.memory_space<semaphore_mem>>) {add = true}
        %dma_wait3A_55 = arith.constant 0 : i32
        %dma_wait3A_56 = tpu.memref_slice %arg8[%mul3A_21, %dma_wait3A_55] : memref<10x1000xi32, #tpu.memory_space<vmem>> -> memref<1x1000xi32, #tpu.memory_space<vmem>>
        %dma_wait3A_57 = tpu.memref_squeeze %dma_wait3A_56 : memref<1x1000xi32, #tpu.memory_space<vmem>> -> memref<1000xi32, #tpu.memory_space<vmem>>
        %dma_wait3A_58 = arith.constant 0 : i32
        %dma_wait3A_59 = arith.constant 0 : i32
        %dma_wait3A_60 = tpu.memref_slice %arg11[%dma_wait3A_58, %dma_wait3A_59] : memref<10240x32xf32, #tpu.memory_space<vmem_shared>> -> memref<10240x32xf32, #tpu.memory_space<vmem_shared>>
        tpu.wait_indirect_dma semaphore(%run_scoped3A : memref<!tpu.dma_semaphore, #tpu.memory_space<semaphore_mem>>) src(%arg9 : memref<1000x32xf32, #tpu.memory_space<vmem>>) dst(%dma_wait3A_60 : memref<10240x32xf32, #tpu.memory_space<vmem_shared>>)
        tpu.yield
      }) : () -> ()
      %add3A_35 = arith.constant 2 : i32
      %add3A_36 = arith.addi %mul3A_21, %add3A_35 : i32
      %lt3A = arith.constant 10 : i32
      %lt3A_37 = arith.cmpi slt, %add3A_36, %lt3A : i32
      %convert_element_type3A = arith.extui %lt3A_37 : i1 to i32
      %cond3A = arith.constant 0 : i32
      %cond3A_38 = arith.cmpi ne, %convert_element_type3A, %cond3A : i32
      scf.if %cond3A_38 {
        %add3A_49 = arith.constant 2 : i32
        %add3A_50 = arith.addi %mul3A_21, %add3A_49 : i32
        %dma_start3A_51 = arith.constant 0 : i32
        %dma_start3A_52 = tpu.memref_slice %arg7[%add3A_50, %dma_start3A_51] : memref<10x1000xi32, #tpu.memory_space<vmem>> -> memref<1x1000xi32, #tpu.memory_space<vmem>>
        %dma_start3A_53 = tpu.memref_squeeze %dma_start3A_52 : memref<1x1000xi32, #tpu.memory_space<vmem>> -> memref<1000xi32, #tpu.memory_space<vmem>>
        %dma_start3A_54 = arith.constant 0 : i32
        %dma_start3A_55 = arith.constant 0 : i32
        %dma_start3A_56 = tpu.memref_slice %arg4[%dma_start3A_54, %dma_start3A_55] : memref<10000x32xf32, #tpu.memory_space<hbm>> -> memref<10000x32xf32, #tpu.memory_space<hbm>>
        tpu.enqueue_indirect_dma source(%dma_start3A_56 : memref<10000x32xf32, #tpu.memory_space<hbm>>) target(%arg9 : memref<1000x32xf32, #tpu.memory_space<vmem>>) offsets(%dma_start3A_53 : memref<1000xi32, #tpu.memory_space<vmem>>) semaphore(%arg12 : memref<!tpu.dma_semaphore, #tpu.memory_space<semaphore_mem>>)
      } else {
      }
      %add3A_39 = arith.constant 1 : i32
      %add3A_40 = arith.addi %mul3A_21, %add3A_39 : i32
      %dma_wait3A_41 = arith.constant 0 : i32
      %dma_wait3A_42 = tpu.memref_slice %arg7[%add3A_40, %dma_wait3A_41] : memref<10x1000xi32, #tpu.memory_space<vmem>> -> memref<1x1000xi32, #tpu.memory_space<vmem>>
      %dma_wait3A_43 = tpu.memref_squeeze %dma_wait3A_42 : memref<1x1000xi32, #tpu.memory_space<vmem>> -> memref<1000xi32, #tpu.memory_space<vmem>>
      %dma_wait3A_44 = arith.constant 0 : i32
      %dma_wait3A_45 = arith.constant 0 : i32
      %dma_wait3A_46 = tpu.memref_slice %arg4[%dma_wait3A_44, %dma_wait3A_45] : memref<10000x32xf32, #tpu.memory_space<hbm>> -> memref<10000x32xf32, #tpu.memory_space<hbm>>
      tpu.wait_indirect_dma semaphore(%arg13 : memref<!tpu.dma_semaphore, #tpu.memory_space<semaphore_mem>>) src(%dma_wait3A_46 : memref<10000x32xf32, #tpu.memory_space<hbm>>) dst(%arg10 : memref<1000x32xf32, #tpu.memory_space<vmem>>)
      %add3A_47 = arith.constant 1 : i32
      %add3A_48 = arith.addi %mul3A_21, %add3A_47 : i32
      "tpu.region"() ({
        %run_scoped3A = tpu.sem_alloc : memref<!tpu.dma_semaphore, #tpu.memory_space<semaphore_mem>>
        %dma_start3A_49 = arith.constant 0 : i32
        %dma_start3A_50 = tpu.memref_slice %arg8[%add3A_48, %dma_start3A_49] : memref<10x1000xi32, #tpu.memory_space<vmem>> -> memref<1x1000xi32, #tpu.memory_space<vmem>>
        %dma_start3A_51 = tpu.memref_squeeze %dma_start3A_50 : memref<1x1000xi32, #tpu.memory_space<vmem>> -> memref<1000xi32, #tpu.memory_space<vmem>>
        %dma_start3A_52 = arith.constant 0 : i32
        %dma_start3A_53 = arith.constant 0 : i32
        %dma_start3A_54 = tpu.memref_slice %arg11[%dma_start3A_52, %dma_start3A_53] : memref<10240x32xf32, #tpu.memory_space<vmem_shared>> -> memref<10240x32xf32, #tpu.memory_space<vmem_shared>>
        tpu.enqueue_indirect_dma source(%arg10 : memref<1000x32xf32, #tpu.memory_space<vmem>>) target(%dma_start3A_54 : memref<10240x32xf32, #tpu.memory_space<vmem_shared>>) offsets(%dma_start3A_51 : memref<1000xi32, #tpu.memory_space<vmem>>) semaphore(%run_scoped3A : memref<!tpu.dma_semaphore, #tpu.memory_space<semaphore_mem>>) {add = true}
        %dma_wait3A_55 = arith.constant 0 : i32
        %dma_wait3A_56 = tpu.memref_slice %arg8[%add3A_48, %dma_wait3A_55] : memref<10x1000xi32, #tpu.memory_space<vmem>> -> memref<1x1000xi32, #tpu.memory_space<vmem>>
        %dma_wait3A_57 = tpu.memref_squeeze %dma_wait3A_56 : memref<1x1000xi32, #tpu.memory_space<vmem>> -> memref<1000xi32, #tpu.memory_space<vmem>>
        %dma_wait3A_58 = arith.constant 0 : i32
        %dma_wait3A_59 = arith.constant 0 : i32
        %dma_wait3A_60 = tpu.memref_slice %arg11[%dma_wait3A_58, %dma_wait3A_59] : memref<10240x32xf32, #tpu.memory_space<vmem_shared>> -> memref<10240x32xf32, #tpu.memory_space<vmem_shared>>
        tpu.wait_indirect_dma semaphore(%run_scoped3A : memref<!tpu.dma_semaphore, #tpu.memory_space<semaphore_mem>>) src(%arg10 : memref<1000x32xf32, #tpu.memory_space<vmem>>) dst(%dma_wait3A_60 : memref<10240x32xf32, #tpu.memory_space<vmem_shared>>)
        tpu.yield
      }) : () -> ()
    }
    %scan3A_13 = arith.constant 5 : i32
    %barrier3A_14 = arith.constant 0 : index
    tpu.barrier barrier_id(%barrier3A_14)
    %mul3A_15 = arith.constant 640 : i32
    %mul3A_16 = arith.muli %arg1, %mul3A_15 : i32
    %mul3A_17 = arith.constant 640 : i32
    %mul3A_18 = arith.muli %arg1, %mul3A_17 : i32
    "tpu.region"() ({
      %run_scoped3A = tpu.sem_alloc : memref<!tpu.dma_semaphore, #tpu.memory_space<semaphore_mem>>
      %dma_start3A_19 = arith.constant 0 : i32
      %dma_start3A_20 = tpu.memref_slice %arg6[%arg0, %mul3A_18, %dma_start3A_19] : memref<2x10240x32xf32, #tpu.memory_space<hbm>> -> memref<1x640x32xf32, #tpu.memory_space<hbm>>
      %dma_start3A_21 = tpu.memref_squeeze %dma_start3A_20 : memref<1x640x32xf32, #tpu.memory_space<hbm>> -> memref<640x32xf32, #tpu.memory_space<hbm>>
      %dma_start3A_22 = arith.constant 0 : i32
      %dma_start3A_23 = tpu.memref_slice %arg11[%mul3A_16, %dma_start3A_22] : memref<10240x32xf32, #tpu.memory_space<vmem_shared>> -> memref<640x32xf32, #tpu.memory_space<vmem_shared>>
      tpu.enqueue_dma source(%dma_start3A_23 : memref<640x32xf32, #tpu.memory_space<vmem_shared>>) target(%dma_start3A_21 : memref<640x32xf32, #tpu.memory_space<hbm>>) target_semaphore(%run_scoped3A : memref<!tpu.dma_semaphore, #tpu.memory_space<semaphore_mem>>)
      %dma_wait3A = arith.constant 0 : i32
      %dma_wait3A_24 = tpu.memref_slice %arg6[%arg0, %mul3A_18, %dma_wait3A] : memref<2x10240x32xf32, #tpu.memory_space<hbm>> -> memref<1x640x32xf32, #tpu.memory_space<hbm>>
      %dma_wait3A_25 = tpu.memref_squeeze %dma_wait3A_24 : memref<1x640x32xf32, #tpu.memory_space<hbm>> -> memref<640x32xf32, #tpu.memory_space<hbm>>
      %dma_wait3A_26 = arith.constant 0 : i32
      %dma_wait3A_27 = tpu.memref_slice %arg11[%mul3A_16, %dma_wait3A_26] : memref<10240x32xf32, #tpu.memory_space<vmem_shared>> -> memref<640x32xf32, #tpu.memory_space<vmem_shared>>
      tpu.wait_dma2 semaphore(%run_scoped3A : memref<!tpu.dma_semaphore, #tpu.memory_space<semaphore_mem>>) src(%dma_wait3A_27 : memref<640x32xf32, #tpu.memory_space<vmem_shared>>) dst(%dma_wait3A_25 : memref<640x32xf32, #tpu.memory_space<hbm>>)
      tpu.yield
    }) : () -> ()
    return
  }
}

#map = affine_map<(d0, d1) -> (0, 0, 0)>
#map1 = affine_map<(d0, d1) -> (0, 0)>
module attributes {stable_mosaic.version = 14 : i64} {
  func.func @prop_kernel(%arg0: i32, %arg1: i32, %arg2: memref<32x25x400xi32, #tpu.memory_space<hbm>>, %arg3: memref<32x25x400xi32, #tpu.memory_space<hbm>>, %arg4: memref<10000x64xf32, #tpu.memory_space<hbm>>, %arg5: memref<10000x64xf32, #tpu.memory_space<hbm>>, %arg6: memref<640x64xf32, #tpu.memory_space<hbm>>, %arg7: memref<2x10240x128xf32, #tpu.memory_space<hbm>>, %arg8: memref<25x400xi32, #tpu.memory_space<vmem>>, %arg9: memref<25x400xi32, #tpu.memory_space<vmem>>, %arg10: memref<400x64xf32, #tpu.memory_space<vmem>>, %arg11: memref<400x64xf32, #tpu.memory_space<vmem>>, %arg12: memref<10240x64xf32, #tpu.memory_space<vmem_shared>>, %arg13: memref<!tpu.dma_semaphore, #tpu.memory_space<semaphore_mem>>, %arg14: memref<!tpu.dma_semaphore, #tpu.memory_space<semaphore_mem>>) attributes {dimension_semantics = [#tpu.dimension_semantics<core_parallel>, #tpu.dimension_semantics<subcore_parallel>], iteration_bounds = array<i64: 2, 16>, scalar_prefetch = 0 : i64, scratch_operands = 7 : i64, tpu.core_type = #tpu.core_type<sc_vector_subcore>, window_params = [{transform_indices = #map}, {transform_indices = #map}, {transform_indices = #map1}, {transform_indices = #map1}, {transform_indices = #map1}, {transform_indices = #map}]} {
    %mul3A = arith.constant 16 : i32
    %mul3A_0 = arith.muli %arg0, %mul3A : i32
    %add3A = arith.addi %mul3A_0, %arg1 : i32
    "tpu.region"() ({
      %run_scoped3A_55 = tpu.sem_alloc : memref<!tpu.dma_semaphore, #tpu.memory_space<semaphore_mem>>
      %dma_start3A_56 = arith.constant 0 : i32
      %dma_start3A_57 = arith.constant 0 : i32
      %dma_start3A_58 = tpu.memref_slice %arg2[%add3A, %dma_start3A_56, %dma_start3A_57] : memref<32x25x400xi32, #tpu.memory_space<hbm>> -> memref<1x25x400xi32, #tpu.memory_space<hbm>>
      %dma_start3A_59 = tpu.memref_squeeze %dma_start3A_58 : memref<1x25x400xi32, #tpu.memory_space<hbm>> -> memref<25x400xi32, #tpu.memory_space<hbm>>
      %dma_start3A_60 = arith.constant 0 : i32
      %dma_start3A_61 = arith.constant 0 : i32
      %dma_start3A_62 = tpu.memref_slice %arg2[%add3A, %dma_start3A_60, %dma_start3A_61] : memref<32x25x400xi32, #tpu.memory_space<hbm>> -> memref<1x25x400xi32, #tpu.memory_space<hbm>>
      %dma_start3A_63 = tpu.memref_squeeze %dma_start3A_62 : memref<1x25x400xi32, #tpu.memory_space<hbm>> -> memref<25x400xi32, #tpu.memory_space<hbm>>
      tpu.enqueue_dma source(%dma_start3A_63 : memref<25x400xi32, #tpu.memory_space<hbm>>) target(%arg8 : memref<25x400xi32, #tpu.memory_space<vmem>>) target_semaphore(%run_scoped3A_55 : memref<!tpu.dma_semaphore, #tpu.memory_space<semaphore_mem>>)
      %dma_wait3A_64 = arith.constant 0 : i32
      %dma_wait3A_65 = arith.constant 0 : i32
      %dma_wait3A_66 = tpu.memref_slice %arg2[%add3A, %dma_wait3A_64, %dma_wait3A_65] : memref<32x25x400xi32, #tpu.memory_space<hbm>> -> memref<1x25x400xi32, #tpu.memory_space<hbm>>
      %dma_wait3A_67 = tpu.memref_squeeze %dma_wait3A_66 : memref<1x25x400xi32, #tpu.memory_space<hbm>> -> memref<25x400xi32, #tpu.memory_space<hbm>>
      %dma_wait3A_68 = arith.constant 0 : i32
      %dma_wait3A_69 = arith.constant 0 : i32
      %dma_wait3A_70 = tpu.memref_slice %arg2[%add3A, %dma_wait3A_68, %dma_wait3A_69] : memref<32x25x400xi32, #tpu.memory_space<hbm>> -> memref<1x25x400xi32, #tpu.memory_space<hbm>>
      %dma_wait3A_71 = tpu.memref_squeeze %dma_wait3A_70 : memref<1x25x400xi32, #tpu.memory_space<hbm>> -> memref<25x400xi32, #tpu.memory_space<hbm>>
      tpu.wait_dma2 semaphore(%run_scoped3A_55 : memref<!tpu.dma_semaphore, #tpu.memory_space<semaphore_mem>>) src(%dma_wait3A_71 : memref<25x400xi32, #tpu.memory_space<hbm>>) dst(%arg8 : memref<25x400xi32, #tpu.memory_space<vmem>>)
      tpu.yield
    }) : () -> ()
    "tpu.region"() ({
      %run_scoped3A_55 = tpu.sem_alloc : memref<!tpu.dma_semaphore, #tpu.memory_space<semaphore_mem>>
      %dma_start3A_56 = arith.constant 0 : i32
      %dma_start3A_57 = arith.constant 0 : i32
      %dma_start3A_58 = tpu.memref_slice %arg3[%add3A, %dma_start3A_56, %dma_start3A_57] : memref<32x25x400xi32, #tpu.memory_space<hbm>> -> memref<1x25x400xi32, #tpu.memory_space<hbm>>
      %dma_start3A_59 = tpu.memref_squeeze %dma_start3A_58 : memref<1x25x400xi32, #tpu.memory_space<hbm>> -> memref<25x400xi32, #tpu.memory_space<hbm>>
      %dma_start3A_60 = arith.constant 0 : i32
      %dma_start3A_61 = arith.constant 0 : i32
      %dma_start3A_62 = tpu.memref_slice %arg3[%add3A, %dma_start3A_60, %dma_start3A_61] : memref<32x25x400xi32, #tpu.memory_space<hbm>> -> memref<1x25x400xi32, #tpu.memory_space<hbm>>
      %dma_start3A_63 = tpu.memref_squeeze %dma_start3A_62 : memref<1x25x400xi32, #tpu.memory_space<hbm>> -> memref<25x400xi32, #tpu.memory_space<hbm>>
      tpu.enqueue_dma source(%dma_start3A_63 : memref<25x400xi32, #tpu.memory_space<hbm>>) target(%arg9 : memref<25x400xi32, #tpu.memory_space<vmem>>) target_semaphore(%run_scoped3A_55 : memref<!tpu.dma_semaphore, #tpu.memory_space<semaphore_mem>>)
      %dma_wait3A_64 = arith.constant 0 : i32
      %dma_wait3A_65 = arith.constant 0 : i32
      %dma_wait3A_66 = tpu.memref_slice %arg3[%add3A, %dma_wait3A_64, %dma_wait3A_65] : memref<32x25x400xi32, #tpu.memory_space<hbm>> -> memref<1x25x400xi32, #tpu.memory_space<hbm>>
      %dma_wait3A_67 = tpu.memref_squeeze %dma_wait3A_66 : memref<1x25x400xi32, #tpu.memory_space<hbm>> -> memref<25x400xi32, #tpu.memory_space<hbm>>
      %dma_wait3A_68 = arith.constant 0 : i32
      %dma_wait3A_69 = arith.constant 0 : i32
      %dma_wait3A_70 = tpu.memref_slice %arg3[%add3A, %dma_wait3A_68, %dma_wait3A_69] : memref<32x25x400xi32, #tpu.memory_space<hbm>> -> memref<1x25x400xi32, #tpu.memory_space<hbm>>
      %dma_wait3A_71 = tpu.memref_squeeze %dma_wait3A_70 : memref<1x25x400xi32, #tpu.memory_space<hbm>> -> memref<25x400xi32, #tpu.memory_space<hbm>>
      tpu.wait_dma2 semaphore(%run_scoped3A_55 : memref<!tpu.dma_semaphore, #tpu.memory_space<semaphore_mem>>) src(%dma_wait3A_71 : memref<25x400xi32, #tpu.memory_space<hbm>>) dst(%arg9 : memref<25x400xi32, #tpu.memory_space<vmem>>)
      tpu.yield
    }) : () -> ()
    %dma_start3A = arith.constant 0 : i32
    %dma_start3A_1 = arith.constant 0 : i32
    %dma_start3A_2 = tpu.memref_slice %arg8[%dma_start3A, %dma_start3A_1] : memref<25x400xi32, #tpu.memory_space<vmem>> -> memref<1x400xi32, #tpu.memory_space<vmem>>
    %dma_start3A_3 = tpu.memref_squeeze %dma_start3A_2 : memref<1x400xi32, #tpu.memory_space<vmem>> -> memref<400xi32, #tpu.memory_space<vmem>>
    %dma_start3A_4 = arith.constant 0 : i32
    %dma_start3A_5 = arith.constant 0 : i32
    %dma_start3A_6 = tpu.memref_slice %arg4[%dma_start3A_4, %dma_start3A_5] : memref<10000x64xf32, #tpu.memory_space<hbm>> -> memref<10000x64xf32, #tpu.memory_space<hbm>>
    tpu.enqueue_indirect_dma source(%dma_start3A_6 : memref<10000x64xf32, #tpu.memory_space<hbm>>) target(%arg10 : memref<400x64xf32, #tpu.memory_space<vmem>>) offsets(%dma_start3A_3 : memref<400xi32, #tpu.memory_space<vmem>>) semaphore(%arg13 : memref<!tpu.dma_semaphore, #tpu.memory_space<semaphore_mem>>)
    %mul3A_7 = arith.constant 640 : i32
    %mul3A_8 = arith.muli %arg1, %mul3A_7 : i32
    "tpu.region"() ({
      %run_scoped3A_55 = tpu.sem_alloc : memref<!tpu.dma_semaphore, #tpu.memory_space<semaphore_mem>>
      %dma_start3A_56 = arith.constant 0 : i32
      %dma_start3A_57 = tpu.memref_slice %arg12[%mul3A_8, %dma_start3A_56] : memref<10240x64xf32, #tpu.memory_space<vmem_shared>> -> memref<640x64xf32, #tpu.memory_space<vmem_shared>>
      tpu.enqueue_dma source(%arg6 : memref<640x64xf32, #tpu.memory_space<hbm>>) target(%dma_start3A_57 : memref<640x64xf32, #tpu.memory_space<vmem_shared>>) target_semaphore(%run_scoped3A_55 : memref<!tpu.dma_semaphore, #tpu.memory_space<semaphore_mem>>)
      %dma_wait3A_58 = arith.constant 0 : i32
      %dma_wait3A_59 = tpu.memref_slice %arg12[%mul3A_8, %dma_wait3A_58] : memref<10240x64xf32, #tpu.memory_space<vmem_shared>> -> memref<640x64xf32, #tpu.memory_space<vmem_shared>>
      tpu.wait_dma2 semaphore(%run_scoped3A_55 : memref<!tpu.dma_semaphore, #tpu.memory_space<semaphore_mem>>) src(%arg6 : memref<640x64xf32, #tpu.memory_space<hbm>>) dst(%dma_wait3A_59 : memref<640x64xf32, #tpu.memory_space<vmem_shared>>)
      tpu.yield
    }) : () -> ()
    %barrier3A = arith.constant 0 : index
    tpu.barrier barrier_id(%barrier3A)
    %scan3A = arith.constant 0 : i32
    %scan3A_9 = arith.constant 0 : i32
    %scan3A_10 = arith.constant 12 : i32
    %scan3A_11 = arith.addi %scan3A_9, %scan3A_10 : i32
    %scan3A_12 = arith.constant 1 : i32
    scf.for %scan3A_55 = %scan3A_9 to %scan3A_11 step %scan3A_12  : i32 {
      %mul3A_56 = arith.constant 2 : i32
      %mul3A_57 = arith.muli %mul3A_56, %scan3A_55 : i32
      %add3A_58 = arith.constant 1 : i32
      %add3A_59 = arith.addi %mul3A_57, %add3A_58 : i32
      %dma_start3A_60 = arith.constant 0 : i32
      %dma_start3A_61 = tpu.memref_slice %arg8[%add3A_59, %dma_start3A_60] : memref<25x400xi32, #tpu.memory_space<vmem>> -> memref<1x400xi32, #tpu.memory_space<vmem>>
      %dma_start3A_62 = tpu.memref_squeeze %dma_start3A_61 : memref<1x400xi32, #tpu.memory_space<vmem>> -> memref<400xi32, #tpu.memory_space<vmem>>
      %dma_start3A_63 = arith.constant 0 : i32
      %dma_start3A_64 = arith.constant 0 : i32
      %dma_start3A_65 = tpu.memref_slice %arg4[%dma_start3A_63, %dma_start3A_64] : memref<10000x64xf32, #tpu.memory_space<hbm>> -> memref<10000x64xf32, #tpu.memory_space<hbm>>
      tpu.enqueue_indirect_dma source(%dma_start3A_65 : memref<10000x64xf32, #tpu.memory_space<hbm>>) target(%arg11 : memref<400x64xf32, #tpu.memory_space<vmem>>) offsets(%dma_start3A_62 : memref<400xi32, #tpu.memory_space<vmem>>) semaphore(%arg14 : memref<!tpu.dma_semaphore, #tpu.memory_space<semaphore_mem>>)
      %dma_wait3A_66 = arith.constant 0 : i32
      %dma_wait3A_67 = tpu.memref_slice %arg8[%mul3A_57, %dma_wait3A_66] : memref<25x400xi32, #tpu.memory_space<vmem>> -> memref<1x400xi32, #tpu.memory_space<vmem>>
      %dma_wait3A_68 = tpu.memref_squeeze %dma_wait3A_67 : memref<1x400xi32, #tpu.memory_space<vmem>> -> memref<400xi32, #tpu.memory_space<vmem>>
      %dma_wait3A_69 = arith.constant 0 : i32
      %dma_wait3A_70 = arith.constant 0 : i32
      %dma_wait3A_71 = tpu.memref_slice %arg4[%dma_wait3A_69, %dma_wait3A_70] : memref<10000x64xf32, #tpu.memory_space<hbm>> -> memref<10000x64xf32, #tpu.memory_space<hbm>>
      tpu.wait_indirect_dma semaphore(%arg13 : memref<!tpu.dma_semaphore, #tpu.memory_space<semaphore_mem>>) src(%dma_wait3A_71 : memref<10000x64xf32, #tpu.memory_space<hbm>>) dst(%arg10 : memref<400x64xf32, #tpu.memory_space<vmem>>)
      "tpu.region"() ({
        %run_scoped3A_90 = tpu.sem_alloc : memref<!tpu.dma_semaphore, #tpu.memory_space<semaphore_mem>>
        %dma_start3A_91 = arith.constant 0 : i32
        %dma_start3A_92 = tpu.memref_slice %arg9[%mul3A_57, %dma_start3A_91] : memref<25x400xi32, #tpu.memory_space<vmem>> -> memref<1x400xi32, #tpu.memory_space<vmem>>
        %dma_start3A_93 = tpu.memref_squeeze %dma_start3A_92 : memref<1x400xi32, #tpu.memory_space<vmem>> -> memref<400xi32, #tpu.memory_space<vmem>>
        %dma_start3A_94 = arith.constant 0 : i32
        %dma_start3A_95 = arith.constant 0 : i32
        %dma_start3A_96 = tpu.memref_slice %arg12[%dma_start3A_94, %dma_start3A_95] : memref<10240x64xf32, #tpu.memory_space<vmem_shared>> -> memref<10240x64xf32, #tpu.memory_space<vmem_shared>>
        tpu.enqueue_indirect_dma source(%arg10 : memref<400x64xf32, #tpu.memory_space<vmem>>) target(%dma_start3A_96 : memref<10240x64xf32, #tpu.memory_space<vmem_shared>>) offsets(%dma_start3A_93 : memref<400xi32, #tpu.memory_space<vmem>>) semaphore(%run_scoped3A_90 : memref<!tpu.dma_semaphore, #tpu.memory_space<semaphore_mem>>) {add = true}
        %dma_wait3A_97 = arith.constant 0 : i32
        %dma_wait3A_98 = tpu.memref_slice %arg9[%mul3A_57, %dma_wait3A_97] : memref<25x400xi32, #tpu.memory_space<vmem>> -> memref<1x400xi32, #tpu.memory_space<vmem>>
        %dma_wait3A_99 = tpu.memref_squeeze %dma_wait3A_98 : memref<1x400xi32, #tpu.memory_space<vmem>> -> memref<400xi32, #tpu.memory_space<vmem>>
        %dma_wait3A_100 = arith.constant 0 : i32
        %dma_wait3A_101 = arith.constant 0 : i32
        %dma_wait3A_102 = tpu.memref_slice %arg12[%dma_wait3A_100, %dma_wait3A_101] : memref<10240x64xf32, #tpu.memory_space<vmem_shared>> -> memref<10240x64xf32, #tpu.memory_space<vmem_shared>>
        tpu.wait_indirect_dma semaphore(%run_scoped3A_90 : memref<!tpu.dma_semaphore, #tpu.memory_space<semaphore_mem>>) src(%arg10 : memref<400x64xf32, #tpu.memory_space<vmem>>) dst(%dma_wait3A_102 : memref<10240x64xf32, #tpu.memory_space<vmem_shared>>)
        tpu.yield
      }) : () -> ()
      %add3A_72 = arith.constant 2 : i32
      %add3A_73 = arith.addi %mul3A_57, %add3A_72 : i32
      %dma_start3A_74 = arith.constant 0 : i32
      %dma_start3A_75 = tpu.memref_slice %arg8[%add3A_73, %dma_start3A_74] : memref<25x400xi32, #tpu.memory_space<vmem>> -> memref<1x400xi32, #tpu.memory_space<vmem>>
      %dma_start3A_76 = tpu.memref_squeeze %dma_start3A_75 : memref<1x400xi32, #tpu.memory_space<vmem>> -> memref<400xi32, #tpu.memory_space<vmem>>
      %dma_start3A_77 = arith.constant 0 : i32
      %dma_start3A_78 = arith.constant 0 : i32
      %dma_start3A_79 = tpu.memref_slice %arg4[%dma_start3A_77, %dma_start3A_78] : memref<10000x64xf32, #tpu.memory_space<hbm>> -> memref<10000x64xf32, #tpu.memory_space<hbm>>
      tpu.enqueue_indirect_dma source(%dma_start3A_79 : memref<10000x64xf32, #tpu.memory_space<hbm>>) target(%arg10 : memref<400x64xf32, #tpu.memory_space<vmem>>) offsets(%dma_start3A_76 : memref<400xi32, #tpu.memory_space<vmem>>) semaphore(%arg13 : memref<!tpu.dma_semaphore, #tpu.memory_space<semaphore_mem>>)
      %add3A_80 = arith.constant 1 : i32
      %add3A_81 = arith.addi %mul3A_57, %add3A_80 : i32
      %dma_wait3A_82 = arith.constant 0 : i32
      %dma_wait3A_83 = tpu.memref_slice %arg8[%add3A_81, %dma_wait3A_82] : memref<25x400xi32, #tpu.memory_space<vmem>> -> memref<1x400xi32, #tpu.memory_space<vmem>>
      %dma_wait3A_84 = tpu.memref_squeeze %dma_wait3A_83 : memref<1x400xi32, #tpu.memory_space<vmem>> -> memref<400xi32, #tpu.memory_space<vmem>>
      %dma_wait3A_85 = arith.constant 0 : i32
      %dma_wait3A_86 = arith.constant 0 : i32
      %dma_wait3A_87 = tpu.memref_slice %arg4[%dma_wait3A_85, %dma_wait3A_86] : memref<10000x64xf32, #tpu.memory_space<hbm>> -> memref<10000x64xf32, #tpu.memory_space<hbm>>
      tpu.wait_indirect_dma semaphore(%arg14 : memref<!tpu.dma_semaphore, #tpu.memory_space<semaphore_mem>>) src(%dma_wait3A_87 : memref<10000x64xf32, #tpu.memory_space<hbm>>) dst(%arg11 : memref<400x64xf32, #tpu.memory_space<vmem>>)
      %add3A_88 = arith.constant 1 : i32
      %add3A_89 = arith.addi %mul3A_57, %add3A_88 : i32
      "tpu.region"() ({
        %run_scoped3A_90 = tpu.sem_alloc : memref<!tpu.dma_semaphore, #tpu.memory_space<semaphore_mem>>
        %dma_start3A_91 = arith.constant 0 : i32
        %dma_start3A_92 = tpu.memref_slice %arg9[%add3A_89, %dma_start3A_91] : memref<25x400xi32, #tpu.memory_space<vmem>> -> memref<1x400xi32, #tpu.memory_space<vmem>>
        %dma_start3A_93 = tpu.memref_squeeze %dma_start3A_92 : memref<1x400xi32, #tpu.memory_space<vmem>> -> memref<400xi32, #tpu.memory_space<vmem>>
        %dma_start3A_94 = arith.constant 0 : i32
        %dma_start3A_95 = arith.constant 0 : i32
        %dma_start3A_96 = tpu.memref_slice %arg12[%dma_start3A_94, %dma_start3A_95] : memref<10240x64xf32, #tpu.memory_space<vmem_shared>> -> memref<10240x64xf32, #tpu.memory_space<vmem_shared>>
        tpu.enqueue_indirect_dma source(%arg11 : memref<400x64xf32, #tpu.memory_space<vmem>>) target(%dma_start3A_96 : memref<10240x64xf32, #tpu.memory_space<vmem_shared>>) offsets(%dma_start3A_93 : memref<400xi32, #tpu.memory_space<vmem>>) semaphore(%run_scoped3A_90 : memref<!tpu.dma_semaphore, #tpu.memory_space<semaphore_mem>>) {add = true}
        %dma_wait3A_97 = arith.constant 0 : i32
        %dma_wait3A_98 = tpu.memref_slice %arg9[%add3A_89, %dma_wait3A_97] : memref<25x400xi32, #tpu.memory_space<vmem>> -> memref<1x400xi32, #tpu.memory_space<vmem>>
        %dma_wait3A_99 = tpu.memref_squeeze %dma_wait3A_98 : memref<1x400xi32, #tpu.memory_space<vmem>> -> memref<400xi32, #tpu.memory_space<vmem>>
        %dma_wait3A_100 = arith.constant 0 : i32
        %dma_wait3A_101 = arith.constant 0 : i32
        %dma_wait3A_102 = tpu.memref_slice %arg12[%dma_wait3A_100, %dma_wait3A_101] : memref<10240x64xf32, #tpu.memory_space<vmem_shared>> -> memref<10240x64xf32, #tpu.memory_space<vmem_shared>>
        tpu.wait_indirect_dma semaphore(%run_scoped3A_90 : memref<!tpu.dma_semaphore, #tpu.memory_space<semaphore_mem>>) src(%arg11 : memref<400x64xf32, #tpu.memory_space<vmem>>) dst(%dma_wait3A_102 : memref<10240x64xf32, #tpu.memory_space<vmem_shared>>)
        tpu.yield
      }) : () -> ()
    }
    %scan3A_13 = arith.constant 12 : i32
    %dma_wait3A = arith.constant 24 : i32
    %dma_wait3A_14 = arith.constant 0 : i32
    %dma_wait3A_15 = tpu.memref_slice %arg8[%dma_wait3A, %dma_wait3A_14] : memref<25x400xi32, #tpu.memory_space<vmem>> -> memref<1x400xi32, #tpu.memory_space<vmem>>
    %dma_wait3A_16 = tpu.memref_squeeze %dma_wait3A_15 : memref<1x400xi32, #tpu.memory_space<vmem>> -> memref<400xi32, #tpu.memory_space<vmem>>
    %dma_wait3A_17 = arith.constant 0 : i32
    %dma_wait3A_18 = arith.constant 0 : i32
    %dma_wait3A_19 = tpu.memref_slice %arg4[%dma_wait3A_17, %dma_wait3A_18] : memref<10000x64xf32, #tpu.memory_space<hbm>> -> memref<10000x64xf32, #tpu.memory_space<hbm>>
    tpu.wait_indirect_dma semaphore(%arg13 : memref<!tpu.dma_semaphore, #tpu.memory_space<semaphore_mem>>) src(%dma_wait3A_19 : memref<10000x64xf32, #tpu.memory_space<hbm>>) dst(%arg10 : memref<400x64xf32, #tpu.memory_space<vmem>>)
    %run_scoped3A = arith.constant 24 : i32
    "tpu.region"() ({
      %run_scoped3A_55 = tpu.sem_alloc : memref<!tpu.dma_semaphore, #tpu.memory_space<semaphore_mem>>
      %dma_start3A_56 = arith.constant 0 : i32
      %dma_start3A_57 = tpu.memref_slice %arg9[%run_scoped3A, %dma_start3A_56] : memref<25x400xi32, #tpu.memory_space<vmem>> -> memref<1x400xi32, #tpu.memory_space<vmem>>
      %dma_start3A_58 = tpu.memref_squeeze %dma_start3A_57 : memref<1x400xi32, #tpu.memory_space<vmem>> -> memref<400xi32, #tpu.memory_space<vmem>>
      %dma_start3A_59 = arith.constant 0 : i32
      %dma_start3A_60 = arith.constant 0 : i32
      %dma_start3A_61 = tpu.memref_slice %arg12[%dma_start3A_59, %dma_start3A_60] : memref<10240x64xf32, #tpu.memory_space<vmem_shared>> -> memref<10240x64xf32, #tpu.memory_space<vmem_shared>>
      tpu.enqueue_indirect_dma source(%arg10 : memref<400x64xf32, #tpu.memory_space<vmem>>) target(%dma_start3A_61 : memref<10240x64xf32, #tpu.memory_space<vmem_shared>>) offsets(%dma_start3A_58 : memref<400xi32, #tpu.memory_space<vmem>>) semaphore(%run_scoped3A_55 : memref<!tpu.dma_semaphore, #tpu.memory_space<semaphore_mem>>) {add = true}
      %dma_wait3A_62 = arith.constant 0 : i32
      %dma_wait3A_63 = tpu.memref_slice %arg9[%run_scoped3A, %dma_wait3A_62] : memref<25x400xi32, #tpu.memory_space<vmem>> -> memref<1x400xi32, #tpu.memory_space<vmem>>
      %dma_wait3A_64 = tpu.memref_squeeze %dma_wait3A_63 : memref<1x400xi32, #tpu.memory_space<vmem>> -> memref<400xi32, #tpu.memory_space<vmem>>
      %dma_wait3A_65 = arith.constant 0 : i32
      %dma_wait3A_66 = arith.constant 0 : i32
      %dma_wait3A_67 = tpu.memref_slice %arg12[%dma_wait3A_65, %dma_wait3A_66] : memref<10240x64xf32, #tpu.memory_space<vmem_shared>> -> memref<10240x64xf32, #tpu.memory_space<vmem_shared>>
      tpu.wait_indirect_dma semaphore(%run_scoped3A_55 : memref<!tpu.dma_semaphore, #tpu.memory_space<semaphore_mem>>) src(%arg10 : memref<400x64xf32, #tpu.memory_space<vmem>>) dst(%dma_wait3A_67 : memref<10240x64xf32, #tpu.memory_space<vmem_shared>>)
      tpu.yield
    }) : () -> ()
    %barrier3A_20 = arith.constant 0 : index
    tpu.barrier barrier_id(%barrier3A_20)
    %mul3A_21 = arith.constant 640 : i32
    %mul3A_22 = arith.muli %arg1, %mul3A_21 : i32
    %mul3A_23 = arith.constant 640 : i32
    %mul3A_24 = arith.muli %arg1, %mul3A_23 : i32
    "tpu.region"() ({
      %run_scoped3A_55 = tpu.sem_alloc : memref<!tpu.dma_semaphore, #tpu.memory_space<semaphore_mem>>
      %dma_start3A_56 = arith.constant 0 : i32
      %dma_start3A_57 = tpu.memref_slice %arg7[%arg0, %mul3A_24, %dma_start3A_56] : memref<2x10240x128xf32, #tpu.memory_space<hbm>> -> memref<1x640x64xf32, #tpu.memory_space<hbm>>
      %dma_start3A_58 = tpu.memref_squeeze %dma_start3A_57 : memref<1x640x64xf32, #tpu.memory_space<hbm>> -> memref<640x64xf32, #tpu.memory_space<hbm>>
      %dma_start3A_59 = arith.constant 0 : i32
      %dma_start3A_60 = tpu.memref_slice %arg12[%mul3A_22, %dma_start3A_59] : memref<10240x64xf32, #tpu.memory_space<vmem_shared>> -> memref<640x64xf32, #tpu.memory_space<vmem_shared>>
      tpu.enqueue_dma source(%dma_start3A_60 : memref<640x64xf32, #tpu.memory_space<vmem_shared>>) target(%dma_start3A_58 : memref<640x64xf32, #tpu.memory_space<hbm>>) target_semaphore(%run_scoped3A_55 : memref<!tpu.dma_semaphore, #tpu.memory_space<semaphore_mem>>)
      %dma_wait3A_61 = arith.constant 0 : i32
      %dma_wait3A_62 = tpu.memref_slice %arg7[%arg0, %mul3A_24, %dma_wait3A_61] : memref<2x10240x128xf32, #tpu.memory_space<hbm>> -> memref<1x640x64xf32, #tpu.memory_space<hbm>>
      %dma_wait3A_63 = tpu.memref_squeeze %dma_wait3A_62 : memref<1x640x64xf32, #tpu.memory_space<hbm>> -> memref<640x64xf32, #tpu.memory_space<hbm>>
      %dma_wait3A_64 = arith.constant 0 : i32
      %dma_wait3A_65 = tpu.memref_slice %arg12[%mul3A_22, %dma_wait3A_64] : memref<10240x64xf32, #tpu.memory_space<vmem_shared>> -> memref<640x64xf32, #tpu.memory_space<vmem_shared>>
      tpu.wait_dma2 semaphore(%run_scoped3A_55 : memref<!tpu.dma_semaphore, #tpu.memory_space<semaphore_mem>>) src(%dma_wait3A_65 : memref<640x64xf32, #tpu.memory_space<vmem_shared>>) dst(%dma_wait3A_63 : memref<640x64xf32, #tpu.memory_space<hbm>>)
      tpu.yield
    }) : () -> ()
    %barrier3A_25 = arith.constant 0 : index
    tpu.barrier barrier_id(%barrier3A_25)
    %dma_start3A_26 = arith.constant 0 : i32
    %dma_start3A_27 = arith.constant 0 : i32
    %dma_start3A_28 = tpu.memref_slice %arg8[%dma_start3A_26, %dma_start3A_27] : memref<25x400xi32, #tpu.memory_space<vmem>> -> memref<1x400xi32, #tpu.memory_space<vmem>>
    %dma_start3A_29 = tpu.memref_squeeze %dma_start3A_28 : memref<1x400xi32, #tpu.memory_space<vmem>> -> memref<400xi32, #tpu.memory_space<vmem>>
    %dma_start3A_30 = arith.constant 0 : i32
    %dma_start3A_31 = arith.constant 0 : i32
    %dma_start3A_32 = tpu.memref_slice %arg5[%dma_start3A_30, %dma_start3A_31] : memref<10000x64xf32, #tpu.memory_space<hbm>> -> memref<10000x64xf32, #tpu.memory_space<hbm>>
    tpu.enqueue_indirect_dma source(%dma_start3A_32 : memref<10000x64xf32, #tpu.memory_space<hbm>>) target(%arg10 : memref<400x64xf32, #tpu.memory_space<vmem>>) offsets(%dma_start3A_29 : memref<400xi32, #tpu.memory_space<vmem>>) semaphore(%arg13 : memref<!tpu.dma_semaphore, #tpu.memory_space<semaphore_mem>>)
    %mul3A_33 = arith.constant 640 : i32
    %mul3A_34 = arith.muli %arg1, %mul3A_33 : i32
    "tpu.region"() ({
      %run_scoped3A_55 = tpu.sem_alloc : memref<!tpu.dma_semaphore, #tpu.memory_space<semaphore_mem>>
      %dma_start3A_56 = arith.constant 0 : i32
      %dma_start3A_57 = tpu.memref_slice %arg12[%mul3A_34, %dma_start3A_56] : memref<10240x64xf32, #tpu.memory_space<vmem_shared>> -> memref<640x64xf32, #tpu.memory_space<vmem_shared>>
      tpu.enqueue_dma source(%arg6 : memref<640x64xf32, #tpu.memory_space<hbm>>) target(%dma_start3A_57 : memref<640x64xf32, #tpu.memory_space<vmem_shared>>) target_semaphore(%run_scoped3A_55 : memref<!tpu.dma_semaphore, #tpu.memory_space<semaphore_mem>>)
      %dma_wait3A_58 = arith.constant 0 : i32
      %dma_wait3A_59 = tpu.memref_slice %arg12[%mul3A_34, %dma_wait3A_58] : memref<10240x64xf32, #tpu.memory_space<vmem_shared>> -> memref<640x64xf32, #tpu.memory_space<vmem_shared>>
      tpu.wait_dma2 semaphore(%run_scoped3A_55 : memref<!tpu.dma_semaphore, #tpu.memory_space<semaphore_mem>>) src(%arg6 : memref<640x64xf32, #tpu.memory_space<hbm>>) dst(%dma_wait3A_59 : memref<640x64xf32, #tpu.memory_space<vmem_shared>>)
      tpu.yield
    }) : () -> ()
    %barrier3A_35 = arith.constant 0 : index
    tpu.barrier barrier_id(%barrier3A_35)
    %scan3A_36 = arith.constant 0 : i32
    %scan3A_37 = arith.constant 0 : i32
    %scan3A_38 = arith.constant 12 : i32
    %scan3A_39 = arith.addi %scan3A_37, %scan3A_38 : i32
    %scan3A_40 = arith.constant 1 : i32
    scf.for %scan3A_55 = %scan3A_37 to %scan3A_39 step %scan3A_40  : i32 {
      %mul3A_56 = arith.constant 2 : i32
      %mul3A_57 = arith.muli %mul3A_56, %scan3A_55 : i32
      %add3A_58 = arith.constant 1 : i32
      %add3A_59 = arith.addi %mul3A_57, %add3A_58 : i32
      %dma_start3A_60 = arith.constant 0 : i32
      %dma_start3A_61 = tpu.memref_slice %arg8[%add3A_59, %dma_start3A_60] : memref<25x400xi32, #tpu.memory_space<vmem>> -> memref<1x400xi32, #tpu.memory_space<vmem>>
      %dma_start3A_62 = tpu.memref_squeeze %dma_start3A_61 : memref<1x400xi32, #tpu.memory_space<vmem>> -> memref<400xi32, #tpu.memory_space<vmem>>
      %dma_start3A_63 = arith.constant 0 : i32
      %dma_start3A_64 = arith.constant 0 : i32
      %dma_start3A_65 = tpu.memref_slice %arg5[%dma_start3A_63, %dma_start3A_64] : memref<10000x64xf32, #tpu.memory_space<hbm>> -> memref<10000x64xf32, #tpu.memory_space<hbm>>
      tpu.enqueue_indirect_dma source(%dma_start3A_65 : memref<10000x64xf32, #tpu.memory_space<hbm>>) target(%arg11 : memref<400x64xf32, #tpu.memory_space<vmem>>) offsets(%dma_start3A_62 : memref<400xi32, #tpu.memory_space<vmem>>) semaphore(%arg14 : memref<!tpu.dma_semaphore, #tpu.memory_space<semaphore_mem>>)
      %dma_wait3A_66 = arith.constant 0 : i32
      %dma_wait3A_67 = tpu.memref_slice %arg8[%mul3A_57, %dma_wait3A_66] : memref<25x400xi32, #tpu.memory_space<vmem>> -> memref<1x400xi32, #tpu.memory_space<vmem>>
      %dma_wait3A_68 = tpu.memref_squeeze %dma_wait3A_67 : memref<1x400xi32, #tpu.memory_space<vmem>> -> memref<400xi32, #tpu.memory_space<vmem>>
      %dma_wait3A_69 = arith.constant 0 : i32
      %dma_wait3A_70 = arith.constant 0 : i32
      %dma_wait3A_71 = tpu.memref_slice %arg5[%dma_wait3A_69, %dma_wait3A_70] : memref<10000x64xf32, #tpu.memory_space<hbm>> -> memref<10000x64xf32, #tpu.memory_space<hbm>>
      tpu.wait_indirect_dma semaphore(%arg13 : memref<!tpu.dma_semaphore, #tpu.memory_space<semaphore_mem>>) src(%dma_wait3A_71 : memref<10000x64xf32, #tpu.memory_space<hbm>>) dst(%arg10 : memref<400x64xf32, #tpu.memory_space<vmem>>)
      "tpu.region"() ({
        %run_scoped3A_90 = tpu.sem_alloc : memref<!tpu.dma_semaphore, #tpu.memory_space<semaphore_mem>>
        %dma_start3A_91 = arith.constant 0 : i32
        %dma_start3A_92 = tpu.memref_slice %arg9[%mul3A_57, %dma_start3A_91] : memref<25x400xi32, #tpu.memory_space<vmem>> -> memref<1x400xi32, #tpu.memory_space<vmem>>
        %dma_start3A_93 = tpu.memref_squeeze %dma_start3A_92 : memref<1x400xi32, #tpu.memory_space<vmem>> -> memref<400xi32, #tpu.memory_space<vmem>>
        %dma_start3A_94 = arith.constant 0 : i32
        %dma_start3A_95 = arith.constant 0 : i32
        %dma_start3A_96 = tpu.memref_slice %arg12[%dma_start3A_94, %dma_start3A_95] : memref<10240x64xf32, #tpu.memory_space<vmem_shared>> -> memref<10240x64xf32, #tpu.memory_space<vmem_shared>>
        tpu.enqueue_indirect_dma source(%arg10 : memref<400x64xf32, #tpu.memory_space<vmem>>) target(%dma_start3A_96 : memref<10240x64xf32, #tpu.memory_space<vmem_shared>>) offsets(%dma_start3A_93 : memref<400xi32, #tpu.memory_space<vmem>>) semaphore(%run_scoped3A_90 : memref<!tpu.dma_semaphore, #tpu.memory_space<semaphore_mem>>) {add = true}
        %dma_wait3A_97 = arith.constant 0 : i32
        %dma_wait3A_98 = tpu.memref_slice %arg9[%mul3A_57, %dma_wait3A_97] : memref<25x400xi32, #tpu.memory_space<vmem>> -> memref<1x400xi32, #tpu.memory_space<vmem>>
        %dma_wait3A_99 = tpu.memref_squeeze %dma_wait3A_98 : memref<1x400xi32, #tpu.memory_space<vmem>> -> memref<400xi32, #tpu.memory_space<vmem>>
        %dma_wait3A_100 = arith.constant 0 : i32
        %dma_wait3A_101 = arith.constant 0 : i32
        %dma_wait3A_102 = tpu.memref_slice %arg12[%dma_wait3A_100, %dma_wait3A_101] : memref<10240x64xf32, #tpu.memory_space<vmem_shared>> -> memref<10240x64xf32, #tpu.memory_space<vmem_shared>>
        tpu.wait_indirect_dma semaphore(%run_scoped3A_90 : memref<!tpu.dma_semaphore, #tpu.memory_space<semaphore_mem>>) src(%arg10 : memref<400x64xf32, #tpu.memory_space<vmem>>) dst(%dma_wait3A_102 : memref<10240x64xf32, #tpu.memory_space<vmem_shared>>)
        tpu.yield
      }) : () -> ()
      %add3A_72 = arith.constant 2 : i32
      %add3A_73 = arith.addi %mul3A_57, %add3A_72 : i32
      %dma_start3A_74 = arith.constant 0 : i32
      %dma_start3A_75 = tpu.memref_slice %arg8[%add3A_73, %dma_start3A_74] : memref<25x400xi32, #tpu.memory_space<vmem>> -> memref<1x400xi32, #tpu.memory_space<vmem>>
      %dma_start3A_76 = tpu.memref_squeeze %dma_start3A_75 : memref<1x400xi32, #tpu.memory_space<vmem>> -> memref<400xi32, #tpu.memory_space<vmem>>
      %dma_start3A_77 = arith.constant 0 : i32
      %dma_start3A_78 = arith.constant 0 : i32
      %dma_start3A_79 = tpu.memref_slice %arg5[%dma_start3A_77, %dma_start3A_78] : memref<10000x64xf32, #tpu.memory_space<hbm>> -> memref<10000x64xf32, #tpu.memory_space<hbm>>
      tpu.enqueue_indirect_dma source(%dma_start3A_79 : memref<10000x64xf32, #tpu.memory_space<hbm>>) target(%arg10 : memref<400x64xf32, #tpu.memory_space<vmem>>) offsets(%dma_start3A_76 : memref<400xi32, #tpu.memory_space<vmem>>) semaphore(%arg13 : memref<!tpu.dma_semaphore, #tpu.memory_space<semaphore_mem>>)
      %add3A_80 = arith.constant 1 : i32
      %add3A_81 = arith.addi %mul3A_57, %add3A_80 : i32
      %dma_wait3A_82 = arith.constant 0 : i32
      %dma_wait3A_83 = tpu.memref_slice %arg8[%add3A_81, %dma_wait3A_82] : memref<25x400xi32, #tpu.memory_space<vmem>> -> memref<1x400xi32, #tpu.memory_space<vmem>>
      %dma_wait3A_84 = tpu.memref_squeeze %dma_wait3A_83 : memref<1x400xi32, #tpu.memory_space<vmem>> -> memref<400xi32, #tpu.memory_space<vmem>>
      %dma_wait3A_85 = arith.constant 0 : i32
      %dma_wait3A_86 = arith.constant 0 : i32
      %dma_wait3A_87 = tpu.memref_slice %arg5[%dma_wait3A_85, %dma_wait3A_86] : memref<10000x64xf32, #tpu.memory_space<hbm>> -> memref<10000x64xf32, #tpu.memory_space<hbm>>
      tpu.wait_indirect_dma semaphore(%arg14 : memref<!tpu.dma_semaphore, #tpu.memory_space<semaphore_mem>>) src(%dma_wait3A_87 : memref<10000x64xf32, #tpu.memory_space<hbm>>) dst(%arg11 : memref<400x64xf32, #tpu.memory_space<vmem>>)
      %add3A_88 = arith.constant 1 : i32
      %add3A_89 = arith.addi %mul3A_57, %add3A_88 : i32
      "tpu.region"() ({
        %run_scoped3A_90 = tpu.sem_alloc : memref<!tpu.dma_semaphore, #tpu.memory_space<semaphore_mem>>
        %dma_start3A_91 = arith.constant 0 : i32
        %dma_start3A_92 = tpu.memref_slice %arg9[%add3A_89, %dma_start3A_91] : memref<25x400xi32, #tpu.memory_space<vmem>> -> memref<1x400xi32, #tpu.memory_space<vmem>>
        %dma_start3A_93 = tpu.memref_squeeze %dma_start3A_92 : memref<1x400xi32, #tpu.memory_space<vmem>> -> memref<400xi32, #tpu.memory_space<vmem>>
        %dma_start3A_94 = arith.constant 0 : i32
        %dma_start3A_95 = arith.constant 0 : i32
        %dma_start3A_96 = tpu.memref_slice %arg12[%dma_start3A_94, %dma_start3A_95] : memref<10240x64xf32, #tpu.memory_space<vmem_shared>> -> memref<10240x64xf32, #tpu.memory_space<vmem_shared>>
        tpu.enqueue_indirect_dma source(%arg11 : memref<400x64xf32, #tpu.memory_space<vmem>>) target(%dma_start3A_96 : memref<10240x64xf32, #tpu.memory_space<vmem_shared>>) offsets(%dma_start3A_93 : memref<400xi32, #tpu.memory_space<vmem>>) semaphore(%run_scoped3A_90 : memref<!tpu.dma_semaphore, #tpu.memory_space<semaphore_mem>>) {add = true}
        %dma_wait3A_97 = arith.constant 0 : i32
        %dma_wait3A_98 = tpu.memref_slice %arg9[%add3A_89, %dma_wait3A_97] : memref<25x400xi32, #tpu.memory_space<vmem>> -> memref<1x400xi32, #tpu.memory_space<vmem>>
        %dma_wait3A_99 = tpu.memref_squeeze %dma_wait3A_98 : memref<1x400xi32, #tpu.memory_space<vmem>> -> memref<400xi32, #tpu.memory_space<vmem>>
        %dma_wait3A_100 = arith.constant 0 : i32
        %dma_wait3A_101 = arith.constant 0 : i32
        %dma_wait3A_102 = tpu.memref_slice %arg12[%dma_wait3A_100, %dma_wait3A_101] : memref<10240x64xf32, #tpu.memory_space<vmem_shared>> -> memref<10240x64xf32, #tpu.memory_space<vmem_shared>>
        tpu.wait_indirect_dma semaphore(%run_scoped3A_90 : memref<!tpu.dma_semaphore, #tpu.memory_space<semaphore_mem>>) src(%arg11 : memref<400x64xf32, #tpu.memory_space<vmem>>) dst(%dma_wait3A_102 : memref<10240x64xf32, #tpu.memory_space<vmem_shared>>)
        tpu.yield
      }) : () -> ()
    }
    %scan3A_41 = arith.constant 12 : i32
    %dma_wait3A_42 = arith.constant 24 : i32
    %dma_wait3A_43 = arith.constant 0 : i32
    %dma_wait3A_44 = tpu.memref_slice %arg8[%dma_wait3A_42, %dma_wait3A_43] : memref<25x400xi32, #tpu.memory_space<vmem>> -> memref<1x400xi32, #tpu.memory_space<vmem>>
    %dma_wait3A_45 = tpu.memref_squeeze %dma_wait3A_44 : memref<1x400xi32, #tpu.memory_space<vmem>> -> memref<400xi32, #tpu.memory_space<vmem>>
    %dma_wait3A_46 = arith.constant 0 : i32
    %dma_wait3A_47 = arith.constant 0 : i32
    %dma_wait3A_48 = tpu.memref_slice %arg5[%dma_wait3A_46, %dma_wait3A_47] : memref<10000x64xf32, #tpu.memory_space<hbm>> -> memref<10000x64xf32, #tpu.memory_space<hbm>>
    tpu.wait_indirect_dma semaphore(%arg13 : memref<!tpu.dma_semaphore, #tpu.memory_space<semaphore_mem>>) src(%dma_wait3A_48 : memref<10000x64xf32, #tpu.memory_space<hbm>>) dst(%arg10 : memref<400x64xf32, #tpu.memory_space<vmem>>)
    %run_scoped3A_49 = arith.constant 24 : i32
    "tpu.region"() ({
      %run_scoped3A_55 = tpu.sem_alloc : memref<!tpu.dma_semaphore, #tpu.memory_space<semaphore_mem>>
      %dma_start3A_56 = arith.constant 0 : i32
      %dma_start3A_57 = tpu.memref_slice %arg9[%run_scoped3A_49, %dma_start3A_56] : memref<25x400xi32, #tpu.memory_space<vmem>> -> memref<1x400xi32, #tpu.memory_space<vmem>>
      %dma_start3A_58 = tpu.memref_squeeze %dma_start3A_57 : memref<1x400xi32, #tpu.memory_space<vmem>> -> memref<400xi32, #tpu.memory_space<vmem>>
      %dma_start3A_59 = arith.constant 0 : i32
      %dma_start3A_60 = arith.constant 0 : i32
      %dma_start3A_61 = tpu.memref_slice %arg12[%dma_start3A_59, %dma_start3A_60] : memref<10240x64xf32, #tpu.memory_space<vmem_shared>> -> memref<10240x64xf32, #tpu.memory_space<vmem_shared>>
      tpu.enqueue_indirect_dma source(%arg10 : memref<400x64xf32, #tpu.memory_space<vmem>>) target(%dma_start3A_61 : memref<10240x64xf32, #tpu.memory_space<vmem_shared>>) offsets(%dma_start3A_58 : memref<400xi32, #tpu.memory_space<vmem>>) semaphore(%run_scoped3A_55 : memref<!tpu.dma_semaphore, #tpu.memory_space<semaphore_mem>>) {add = true}
      %dma_wait3A_62 = arith.constant 0 : i32
      %dma_wait3A_63 = tpu.memref_slice %arg9[%run_scoped3A_49, %dma_wait3A_62] : memref<25x400xi32, #tpu.memory_space<vmem>> -> memref<1x400xi32, #tpu.memory_space<vmem>>
      %dma_wait3A_64 = tpu.memref_squeeze %dma_wait3A_63 : memref<1x400xi32, #tpu.memory_space<vmem>> -> memref<400xi32, #tpu.memory_space<vmem>>
      %dma_wait3A_65 = arith.constant 0 : i32
      %dma_wait3A_66 = arith.constant 0 : i32
      %dma_wait3A_67 = tpu.memref_slice %arg12[%dma_wait3A_65, %dma_wait3A_66] : memref<10240x64xf32, #tpu.memory_space<vmem_shared>> -> memref<10240x64xf32, #tpu.memory_space<vmem_shared>>
      tpu.wait_indirect_dma semaphore(%run_scoped3A_55 : memref<!tpu.dma_semaphore, #tpu.memory_space<semaphore_mem>>) src(%arg10 : memref<400x64xf32, #tpu.memory_space<vmem>>) dst(%dma_wait3A_67 : memref<10240x64xf32, #tpu.memory_space<vmem_shared>>)
      tpu.yield
    }) : () -> ()
    %barrier3A_50 = arith.constant 0 : index
    tpu.barrier barrier_id(%barrier3A_50)
    %mul3A_51 = arith.constant 640 : i32
    %mul3A_52 = arith.muli %arg1, %mul3A_51 : i32
    %mul3A_53 = arith.constant 640 : i32
    %mul3A_54 = arith.muli %arg1, %mul3A_53 : i32
    "tpu.region"() ({
      %run_scoped3A_55 = tpu.sem_alloc : memref<!tpu.dma_semaphore, #tpu.memory_space<semaphore_mem>>
      %dma_start3A_56 = arith.constant 64 : i32
      %dma_start3A_57 = tpu.memref_slice %arg7[%arg0, %mul3A_54, %dma_start3A_56] : memref<2x10240x128xf32, #tpu.memory_space<hbm>> -> memref<1x640x64xf32, #tpu.memory_space<hbm>>
      %dma_start3A_58 = tpu.memref_squeeze %dma_start3A_57 : memref<1x640x64xf32, #tpu.memory_space<hbm>> -> memref<640x64xf32, #tpu.memory_space<hbm>>
      %dma_start3A_59 = arith.constant 0 : i32
      %dma_start3A_60 = tpu.memref_slice %arg12[%mul3A_52, %dma_start3A_59] : memref<10240x64xf32, #tpu.memory_space<vmem_shared>> -> memref<640x64xf32, #tpu.memory_space<vmem_shared>>
      tpu.enqueue_dma source(%dma_start3A_60 : memref<640x64xf32, #tpu.memory_space<vmem_shared>>) target(%dma_start3A_58 : memref<640x64xf32, #tpu.memory_space<hbm>>) target_semaphore(%run_scoped3A_55 : memref<!tpu.dma_semaphore, #tpu.memory_space<semaphore_mem>>)
      %dma_wait3A_61 = arith.constant 64 : i32
      %dma_wait3A_62 = tpu.memref_slice %arg7[%arg0, %mul3A_54, %dma_wait3A_61] : memref<2x10240x128xf32, #tpu.memory_space<hbm>> -> memref<1x640x64xf32, #tpu.memory_space<hbm>>
      %dma_wait3A_63 = tpu.memref_squeeze %dma_wait3A_62 : memref<1x640x64xf32, #tpu.memory_space<hbm>> -> memref<640x64xf32, #tpu.memory_space<hbm>>
      %dma_wait3A_64 = arith.constant 0 : i32
      %dma_wait3A_65 = tpu.memref_slice %arg12[%mul3A_52, %dma_wait3A_64] : memref<10240x64xf32, #tpu.memory_space<vmem_shared>> -> memref<640x64xf32, #tpu.memory_space<vmem_shared>>
      tpu.wait_dma2 semaphore(%run_scoped3A_55 : memref<!tpu.dma_semaphore, #tpu.memory_space<semaphore_mem>>) src(%dma_wait3A_65 : memref<640x64xf32, #tpu.memory_space<vmem_shared>>) dst(%dma_wait3A_63 : memref<640x64xf32, #tpu.memory_space<hbm>>)
      tpu.yield
    }) : () -> ()
    return
  }
}

module attributes {stable_mosaic.version = 14 : i64} {
  func.func @_enc_body(%arg0: i32, %arg1: memref<2000x1xf32, #tpu.memory_space<vmem>>, %arg2: memref<2x2000x128xf32, #tpu.memory_space<vmem>>, %arg3: memref<2000x128xf32, #tpu.memory_space<vmem>>, %arg4: memref<128x256xf32, #tpu.memory_space<vmem>>, %arg5: memref<1x256xf32, #tpu.memory_space<vmem>>, %arg6: memref<256x32xf32, #tpu.memory_space<vmem>>, %arg7: memref<2000x32xf32, #tpu.memory_space<vmem>>) attributes {dimension_semantics = [#tpu.dimension_semantics<arbitrary>], iteration_bounds = array<i64: 5>, scalar_prefetch = 0 : i64, scratch_operands = 0 : i64, tpu.core_type = #tpu.core_type<tc>, window_params = [{transform_indices = @transform_0, window_bounds = array<i64: 2000, 1>}, {transform_indices = @transform_1, window_bounds = array<i64: 2, 2000, 128>}, {transform_indices = @transform_2, window_bounds = array<i64: 2000, 128>}, {pipeline_mode = #tpu.pipeline_mode<synchronous>, transform_indices = @transform_3, window_bounds = array<i64: 128, 256>}, {pipeline_mode = #tpu.pipeline_mode<synchronous>, transform_indices = @transform_4, window_bounds = array<i64: 1, 256>}, {pipeline_mode = #tpu.pipeline_mode<synchronous>, transform_indices = @transform_5, window_bounds = array<i64: 256, 32>}, {transform_indices = @transform_6, window_bounds = array<i64: 2000, 32>}]} {
    %get3A = arith.constant 0 : index
    %get3A_0 = arith.constant 0 : index
    %get3A_1 = vector.load %arg1[%get3A, %get3A_0] : memref<2000x1xf32, #tpu.memory_space<vmem>>, vector<2000x1xf32>
    %get3A_2 = arith.constant 0 : index
    %get3A_3 = arith.constant 0 : index
    %get3A_4 = arith.constant 0 : index
    %get3A_5 = vector.load %arg2[%get3A_2, %get3A_3, %get3A_4] : memref<2x2000x128xf32, #tpu.memory_space<vmem>>, vector<1x2000x128xf32>
    %get3A_6 = vector.shape_cast %get3A_5 : vector<1x2000x128xf32> to vector<2000x128xf32>
    %get3A_7 = arith.constant 1 : index
    %get3A_8 = arith.constant 0 : index
    %get3A_9 = arith.constant 0 : index
    %get3A_10 = vector.load %arg2[%get3A_7, %get3A_8, %get3A_9] : memref<2x2000x128xf32, #tpu.memory_space<vmem>>, vector<1x2000x128xf32>
    %get3A_11 = vector.shape_cast %get3A_10 : vector<1x2000x128xf32> to vector<2000x128xf32>
    %add3A = arith.addf %get3A_6, %get3A_11 : vector<2000x128xf32>
    %get3A_12 = arith.constant 0 : index
    %get3A_13 = arith.constant 0 : index
    %get3A_14 = vector.load %arg3[%get3A_12, %get3A_13] : memref<2000x128xf32, #tpu.memory_space<vmem>>, vector<2000x128xf32>
    %add3A_15 = arith.addf %add3A, %get3A_14 : vector<2000x128xf32>
    %mul3A = vector.broadcast %get3A_1 : vector<2000x1xf32> to vector<2000x128xf32>
    %mul3A_16 = arith.mulf %mul3A, %add3A_15 : vector<2000x128xf32>
    %get3A_17 = arith.constant 0 : index
    %get3A_18 = arith.constant 0 : index
    %get3A_19 = vector.load %arg4[%get3A_17, %get3A_18] : memref<128x256xf32, #tpu.memory_space<vmem>>, vector<128x256xf32>
    %dot_general3A = arith.constant dense<0.000000e+00> : vector<2000x256xf32>
    %dot_general3A_20 = tpu.matmul %mul3A_16, %get3A_19, %dot_general3A {dimension_numbers = #tpu.dot_dimension_numbers<[1], [0], [0], [1], [0, 0, 1, 1], [], []>, transpose_lhs_hint = false} : vector<2000x128xf32>, vector<128x256xf32>, vector<2000x256xf32> -> vector<2000x256xf32>
    %get3A_21 = arith.constant 0 : index
    %get3A_22 = arith.constant 0 : index
    %get3A_23 = vector.load %arg5[%get3A_21, %get3A_22] : memref<1x256xf32, #tpu.memory_space<vmem>>, vector<1x256xf32>
    %add3A_24 = vector.broadcast %get3A_23 : vector<1x256xf32> to vector<2000x256xf32>
    %add3A_25 = arith.addf %dot_general3A_20, %add3A_24 : vector<2000x256xf32>
    %max3A = arith.constant 0.000000e+00 : f32
    %max3A_26 = vector.broadcast %max3A : f32 to vector<2000x256xf32>
    %max3A_27 = arith.maximumf %add3A_25, %max3A_26 : vector<2000x256xf32>
    %get3A_28 = arith.constant 0 : index
    %get3A_29 = arith.constant 0 : index
    %get3A_30 = vector.load %arg6[%get3A_28, %get3A_29] : memref<256x32xf32, #tpu.memory_space<vmem>>, vector<256x32xf32>
    %dot_general3A_31 = arith.constant dense<0.000000e+00> : vector<2000x32xf32>
    %dot_general3A_32 = tpu.matmul %max3A_27, %get3A_30, %dot_general3A_31 {dimension_numbers = #tpu.dot_dimension_numbers<[1], [0], [0], [1], [0, 0, 1, 1], [], []>, transpose_lhs_hint = false} : vector<2000x256xf32>, vector<256x32xf32>, vector<2000x32xf32> -> vector<2000x32xf32>
    %mul3A_33 = vector.broadcast %get3A_1 : vector<2000x1xf32> to vector<2000x32xf32>
    %mul3A_34 = arith.mulf %mul3A_33, %dot_general3A_32 : vector<2000x32xf32>
    %swap3A = arith.constant 0 : index
    %swap3A_35 = arith.constant 0 : index
    %swap3A_36 = vector.load %arg7[%swap3A, %swap3A_35] : memref<2000x32xf32, #tpu.memory_space<vmem>>, vector<2000x32xf32>
    tpu.vector_store %arg7[%swap3A, %swap3A_35], %mul3A_34 {strides = array<i32>} : memref<2000x32xf32, #tpu.memory_space<vmem>>, vector<2000x32xf32>,
    return
  }
  func.func @transform_0(%arg0: i32) -> (i32, i32) {
    %c0_i32 = arith.constant 0 : i32
    %c0_i32_0 = arith.constant 0 : i32
    return %arg0, %c0_i32 : i32, i32
  }
  func.func @transform_1(%arg0: i32) -> (i32, i32, i32) {
    %c0_i32 = arith.constant 0 : i32
    %c0_i32_0 = arith.constant 0 : i32
    %c0_i32_1 = arith.constant 0 : i32
    return %c0_i32, %arg0, %c0_i32_0 : i32, i32, i32
  }
  func.func @transform_2(%arg0: i32) -> (i32, i32) {
    %c0_i32 = arith.constant 0 : i32
    %c0_i32_0 = arith.constant 0 : i32
    return %arg0, %c0_i32 : i32, i32
  }
  func.func @transform_3(%arg0: i32) -> (i32, i32) {
    %c0_i32 = arith.constant 0 : i32
    %c0_i32_0 = arith.constant 0 : i32
    %c0_i32_1 = arith.constant 0 : i32
    return %c0_i32, %c0_i32_0 : i32, i32
  }
  func.func @transform_4(%arg0: i32) -> (i32, i32) {
    %c0_i32 = arith.constant 0 : i32
    %c0_i32_0 = arith.constant 0 : i32
    %c0_i32_1 = arith.constant 0 : i32
    return %c0_i32, %c0_i32_0 : i32, i32
  }
  func.func @transform_5(%arg0: i32) -> (i32, i32) {
    %c0_i32 = arith.constant 0 : i32
    %c0_i32_0 = arith.constant 0 : i32
    %c0_i32_1 = arith.constant 0 : i32
    return %c0_i32, %c0_i32_0 : i32, i32
  }
  func.func @transform_6(%arg0: i32) -> (i32, i32) {
    %c0_i32 = arith.constant 0 : i32
    %c0_i32_0 = arith.constant 0 : i32
    return %arg0, %c0_i32 : i32, i32
  }
}

module attributes {stable_mosaic.version = 14 : i64} {
  func.func @_norm_body(%arg0: memref<2x10240xf32, #tpu.memory_space<vmem>>, %arg1: memref<10000x128xf32, #tpu.memory_space<vmem>>, %arg2: memref<10000x128xf32, #tpu.memory_space<vmem>>, %arg3: memref<10000x64xf32, #tpu.memory_space<vmem>>, %arg4: memref<10000x64xf32, #tpu.memory_space<vmem>>, %arg5: memref<10000x1xf32, #tpu.memory_space<vmem>>) attributes {dimension_semantics = [], scalar_prefetch = 0 : i64, scratch_operands = 0 : i64, tpu.core_type = #tpu.core_type<tc>} {
    %broadcast_in_dim3A = arith.constant 1.000000e+00 : f32
    %broadcast_in_dim3A_0 = vector.broadcast %broadcast_in_dim3A : f32 to vector<2x1xf32>
    %get3A = arith.constant 0 : index
    %get3A_1 = arith.constant 0 : index
    %get3A_2 = vector.load %arg0[%get3A, %get3A_1] : memref<2x10240xf32, #tpu.memory_space<vmem>>, vector<2x10240xf32>
    %dot_general3A = arith.constant dense<0.000000e+00> : vector<10240x1xf32>
    %dot_general3A_3 = tpu.matmul %get3A_2, %broadcast_in_dim3A_0, %dot_general3A {dimension_numbers = #tpu.dot_dimension_numbers<[0], [0], [1], [1], [0, 1, 1, 1], [], []>, transpose_lhs_hint = false} : vector<2x10240xf32>, vector<2x1xf32>, vector<10240x1xf32> -> vector<10240x1xf32>
    %add3A = arith.constant 1.000000e+00 : f32
    %add3A_4 = vector.broadcast %add3A : f32 to vector<10240x1xf32>
    %add3A_5 = arith.addf %dot_general3A_3, %add3A_4 : vector<10240x1xf32>
    %rsqrt3A = math.rsqrt %add3A_5 : vector<10240x1xf32>
    %slice3A = vector.extract_strided_slice %rsqrt3A {offsets = [0, 0], sizes = [10000, 1], strides = [1, 1]} : vector<10240x1xf32> to vector<10000x1xf32>
    %get3A_6 = arith.constant 0 : index
    %get3A_7 = arith.constant 0 : index
    %get3A_8 = vector.load %arg1[%get3A_6, %get3A_7] : memref<10000x128xf32, #tpu.memory_space<vmem>>, vector<10000x128xf32>
    %mul3A = vector.broadcast %slice3A : vector<10000x1xf32> to vector<10000x128xf32>
    %mul3A_9 = arith.mulf %mul3A, %get3A_8 : vector<10000x128xf32>
    %swap3A = arith.constant 0 : index
    %swap3A_10 = arith.constant 0 : index
    %swap3A_11 = vector.load %arg2[%swap3A, %swap3A_10] : memref<10000x128xf32, #tpu.memory_space<vmem>>, vector<10000x128xf32>
    tpu.vector_store %arg2[%swap3A, %swap3A_10], %mul3A_9 {strides = array<i32>} : memref<10000x128xf32, #tpu.memory_space<vmem>>, vector<10000x128xf32>,
    %slice3A_12 = vector.extract_strided_slice %mul3A_9 {offsets = [0, 0], sizes = [10000, 64], strides = [1, 1]} : vector<10000x128xf32> to vector<10000x64xf32>
    %swap3A_13 = arith.constant 0 : index
    %swap3A_14 = arith.constant 0 : index
    %swap3A_15 = vector.load %arg3[%swap3A_13, %swap3A_14] : memref<10000x64xf32, #tpu.memory_space<vmem>>, vector<10000x64xf32>
    tpu.vector_store %arg3[%swap3A_13, %swap3A_14], %slice3A_12 {strides = array<i32>} : memref<10000x64xf32, #tpu.memory_space<vmem>>, vector<10000x64xf32>,
    %slice3A_16 = vector.extract_strided_slice %mul3A_9 {offsets = [0, 64], sizes = [10000, 64], strides = [1, 1]} : vector<10000x128xf32> to vector<10000x64xf32>
    %swap3A_17 = arith.constant 0 : index
    %swap3A_18 = arith.constant 0 : index
    %swap3A_19 = vector.load %arg4[%swap3A_17, %swap3A_18] : memref<10000x64xf32, #tpu.memory_space<vmem>>, vector<10000x64xf32>
    tpu.vector_store %arg4[%swap3A_17, %swap3A_18], %slice3A_16 {strides = array<i32>} : memref<10000x64xf32, #tpu.memory_space<vmem>>, vector<10000x64xf32>,
    %swap3A_20 = arith.constant 0 : index
    %swap3A_21 = arith.constant 0 : index
    %swap3A_22 = vector.load %arg5[%swap3A_20, %swap3A_21] : memref<10000x1xf32, #tpu.memory_space<vmem>>, vector<10000x1xf32>
    tpu.vector_store %arg5[%swap3A_20, %swap3A_21], %slice3A {strides = array<i32>} : memref<10000x1xf32, #tpu.memory_space<vmem>>, vector<10000x1xf32>,
    return
  }
}

module attributes {stable_mosaic.version = 14 : i64} {
  func.func @_mid_body(%arg0: i32, %arg1: memref<2000x1xf32, #tpu.memory_space<vmem>>, %arg2: memref<2x2000x32xf32, #tpu.memory_space<vmem>>, %arg3: memref<2000x32xf32, #tpu.memory_space<vmem>>, %arg4: memref<1x32xf32, #tpu.memory_space<vmem>>, %arg5: memref<2000x32xf32, #tpu.memory_space<vmem>>) attributes {dimension_semantics = [#tpu.dimension_semantics<arbitrary>], iteration_bounds = array<i64: 5>, scalar_prefetch = 0 : i64, scratch_operands = 0 : i64, tpu.core_type = #tpu.core_type<tc>, window_params = [{transform_indices = @transform_0, window_bounds = array<i64: 2000, 1>}, {transform_indices = @transform_1, window_bounds = array<i64: 2, 2000, 32>}, {transform_indices = @transform_2, window_bounds = array<i64: 2000, 32>}, {pipeline_mode = #tpu.pipeline_mode<synchronous>, transform_indices = @transform_3, window_bounds = array<i64: 1, 32>}, {transform_indices = @transform_4, window_bounds = array<i64: 2000, 32>}]} {
    %get3A = arith.constant 0 : index
    %get3A_0 = arith.constant 0 : index
    %get3A_1 = vector.load %arg1[%get3A, %get3A_0] : memref<2000x1xf32, #tpu.memory_space<vmem>>, vector<2000x1xf32>
    %get3A_2 = arith.constant 0 : index
    %get3A_3 = arith.constant 0 : index
    %get3A_4 = arith.constant 0 : index
    %get3A_5 = vector.load %arg2[%get3A_2, %get3A_3, %get3A_4] : memref<2x2000x32xf32, #tpu.memory_space<vmem>>, vector<1x2000x32xf32>
    %get3A_6 = vector.shape_cast %get3A_5 : vector<1x2000x32xf32> to vector<2000x32xf32>
    %get3A_7 = arith.constant 1 : index
    %get3A_8 = arith.constant 0 : index
    %get3A_9 = arith.constant 0 : index
    %get3A_10 = vector.load %arg2[%get3A_7, %get3A_8, %get3A_9] : memref<2x2000x32xf32, #tpu.memory_space<vmem>>, vector<1x2000x32xf32>
    %get3A_11 = vector.shape_cast %get3A_10 : vector<1x2000x32xf32> to vector<2000x32xf32>
    %add3A = arith.addf %get3A_6, %get3A_11 : vector<2000x32xf32>
    %get3A_12 = arith.constant 0 : index
    %get3A_13 = arith.constant 0 : index
    %get3A_14 = vector.load %arg3[%get3A_12, %get3A_13] : memref<2000x32xf32, #tpu.memory_space<vmem>>, vector<2000x32xf32>
    %add3A_15 = arith.addf %add3A, %get3A_14 : vector<2000x32xf32>
    %mul3A = vector.broadcast %get3A_1 : vector<2000x1xf32> to vector<2000x32xf32>
    %mul3A_16 = arith.mulf %mul3A, %add3A_15 : vector<2000x32xf32>
    %get3A_17 = arith.constant 0 : index
    %get3A_18 = arith.constant 0 : index
    %get3A_19 = vector.load %arg4[%get3A_17, %get3A_18] : memref<1x32xf32, #tpu.memory_space<vmem>>, vector<1x32xf32>
    %add3A_20 = vector.broadcast %get3A_19 : vector<1x32xf32> to vector<2000x32xf32>
    %add3A_21 = arith.addf %mul3A_16, %add3A_20 : vector<2000x32xf32>
    %mul3A_22 = vector.broadcast %get3A_1 : vector<2000x1xf32> to vector<2000x32xf32>
    %mul3A_23 = arith.mulf %mul3A_22, %add3A_21 : vector<2000x32xf32>
    %swap3A = arith.constant 0 : index
    %swap3A_24 = arith.constant 0 : index
    %swap3A_25 = vector.load %arg5[%swap3A, %swap3A_24] : memref<2000x32xf32, #tpu.memory_space<vmem>>, vector<2000x32xf32>
    tpu.vector_store %arg5[%swap3A, %swap3A_24], %mul3A_23 {strides = array<i32>} : memref<2000x32xf32, #tpu.memory_space<vmem>>, vector<2000x32xf32>,
    return
  }
  func.func @transform_0(%arg0: i32) -> (i32, i32) {
    %c0_i32 = arith.constant 0 : i32
    %c0_i32_0 = arith.constant 0 : i32
    return %arg0, %c0_i32 : i32, i32
  }
  func.func @transform_1(%arg0: i32) -> (i32, i32, i32) {
    %c0_i32 = arith.constant 0 : i32
    %c0_i32_0 = arith.constant 0 : i32
    %c0_i32_1 = arith.constant 0 : i32
    return %c0_i32, %arg0, %c0_i32_0 : i32, i32, i32
  }
  func.func @transform_2(%arg0: i32) -> (i32, i32) {
    %c0_i32 = arith.constant 0 : i32
    %c0_i32_0 = arith.constant 0 : i32
    return %arg0, %c0_i32 : i32, i32
  }
  func.func @transform_3(%arg0: i32) -> (i32, i32) {
    %c0_i32 = arith.constant 0 : i32
    %c0_i32_0 = arith.constant 0 : i32
    %c0_i32_1 = arith.constant 0 : i32
    return %c0_i32, %c0_i32_0 : i32, i32
  }
  func.func @transform_4(%arg0: i32) -> (i32, i32) {
    %c0_i32 = arith.constant 0 : i32
    %c0_i32_0 = arith.constant 0 : i32
    return %arg0, %c0_i32 : i32, i32
  }
}

module attributes {stable_mosaic.version = 14 : i64} {
  func.func @_final_body(%arg0: i32, %arg1: memref<2000x1xf32, #tpu.memory_space<vmem>>, %arg2: memref<2x2000x128xf32, #tpu.memory_space<vmem>>, %arg3: memref<2000x128xf32, #tpu.memory_space<vmem>>, %arg4: memref<1x128xf32, #tpu.memory_space<vmem>>, %arg5: memref<2000x128xf32, #tpu.memory_space<vmem>>) attributes {dimension_semantics = [#tpu.dimension_semantics<arbitrary>], iteration_bounds = array<i64: 5>, scalar_prefetch = 0 : i64, scratch_operands = 0 : i64, tpu.core_type = #tpu.core_type<tc>, window_params = [{transform_indices = @transform_0, window_bounds = array<i64: 2000, 1>}, {transform_indices = @transform_1, window_bounds = array<i64: 2, 2000, 128>}, {transform_indices = @transform_2, window_bounds = array<i64: 2000, 128>}, {pipeline_mode = #tpu.pipeline_mode<synchronous>, transform_indices = @transform_3, window_bounds = array<i64: 1, 128>}, {transform_indices = @transform_4, window_bounds = array<i64: 2000, 128>}]} {
    %get3A = arith.constant 0 : index
    %get3A_0 = arith.constant 0 : index
    %get3A_1 = vector.load %arg1[%get3A, %get3A_0] : memref<2000x1xf32, #tpu.memory_space<vmem>>, vector<2000x1xf32>
    %get3A_2 = arith.constant 0 : index
    %get3A_3 = arith.constant 0 : index
    %get3A_4 = arith.constant 0 : index
    %get3A_5 = vector.load %arg2[%get3A_2, %get3A_3, %get3A_4] : memref<2x2000x128xf32, #tpu.memory_space<vmem>>, vector<1x2000x128xf32>
    %get3A_6 = vector.shape_cast %get3A_5 : vector<1x2000x128xf32> to vector<2000x128xf32>
    %get3A_7 = arith.constant 1 : index
    %get3A_8 = arith.constant 0 : index
    %get3A_9 = arith.constant 0 : index
    %get3A_10 = vector.load %arg2[%get3A_7, %get3A_8, %get3A_9] : memref<2x2000x128xf32, #tpu.memory_space<vmem>>, vector<1x2000x128xf32>
    %get3A_11 = vector.shape_cast %get3A_10 : vector<1x2000x128xf32> to vector<2000x128xf32>
    %add3A = arith.addf %get3A_6, %get3A_11 : vector<2000x128xf32>
    %get3A_12 = arith.constant 0 : index
    %get3A_13 = arith.constant 0 : index
    %get3A_14 = vector.load %arg3[%get3A_12, %get3A_13] : memref<2000x128xf32, #tpu.memory_space<vmem>>, vector<2000x128xf32>
    %add3A_15 = arith.addf %add3A, %get3A_14 : vector<2000x128xf32>
    %mul3A = vector.broadcast %get3A_1 : vector<2000x1xf32> to vector<2000x128xf32>
    %mul3A_16 = arith.mulf %mul3A, %add3A_15 : vector<2000x128xf32>
    %get3A_17 = arith.constant 0 : index
    %get3A_18 = arith.constant 0 : index
    %get3A_19 = vector.load %arg4[%get3A_17, %get3A_18] : memref<1x128xf32, #tpu.memory_space<vmem>>, vector<1x128xf32>
    %add3A_20 = vector.broadcast %get3A_19 : vector<1x128xf32> to vector<2000x128xf32>
    %add3A_21 = arith.addf %mul3A_16, %add3A_20 : vector<2000x128xf32>
    %swap3A = arith.constant 0 : index
    %swap3A_22 = arith.constant 0 : index
    %swap3A_23 = vector.load %arg5[%swap3A, %swap3A_22] : memref<2000x128xf32, #tpu.memory_space<vmem>>, vector<2000x128xf32>
    tpu.vector_store %arg5[%swap3A, %swap3A_22], %add3A_21 {strides = array<i32>} : memref<2000x128xf32, #tpu.memory_space<vmem>>, vector<2000x128xf32>,
    return
  }
  func.func @transform_0(%arg0: i32) -> (i32, i32) {
    %c0_i32 = arith.constant 0 : i32
    %c0_i32_0 = arith.constant 0 : i32
    return %arg0, %c0_i32 : i32, i32
  }
  func.func @transform_1(%arg0: i32) -> (i32, i32, i32) {
    %c0_i32 = arith.constant 0 : i32
    %c0_i32_0 = arith.constant 0 : i32
    %c0_i32_1 = arith.constant 0 : i32
    return %c0_i32, %arg0, %c0_i32_0 : i32, i32, i32
  }
  func.func @transform_2(%arg0: i32) -> (i32, i32) {
    %c0_i32 = arith.constant 0 : i32
    %c0_i32_0 = arith.constant 0 : i32
    return %arg0, %c0_i32 : i32, i32
  }
  func.func @transform_3(%arg0: i32) -> (i32, i32) {
    %c0_i32 = arith.constant 0 : i32
    %c0_i32_0 = arith.constant 0 : i32
    %c0_i32_1 = arith.constant 0 : i32
    return %c0_i32, %c0_i32_0 : i32, i32
  }
  func.func @transform_4(%arg0: i32) -> (i32, i32) {
    %c0_i32 = arith.constant 0 : i32
    %c0_i32_0 = arith.constant 0 : i32
    return %arg0, %c0_i32 : i32, i32
  }
}

module attributes {stable_mosaic.version = 14 : i64} {
  func.func @_dec_body(%arg0: i32, %arg1: memref<2000x1xf32, #tpu.memory_space<vmem>>, %arg2: memref<2x2000x32xf32, #tpu.memory_space<vmem>>, %arg3: memref<2000x32xf32, #tpu.memory_space<vmem>>, %arg4: memref<32x256xf32, #tpu.memory_space<vmem>>, %arg5: memref<1x256xf32, #tpu.memory_space<vmem>>, %arg6: memref<256x128xf32, #tpu.memory_space<vmem>>, %arg7: memref<2000x128xf32, #tpu.memory_space<vmem>>, %arg8: memref<2000x64xf32, #tpu.memory_space<vmem>>, %arg9: memref<2000x64xf32, #tpu.memory_space<vmem>>) attributes {dimension_semantics = [#tpu.dimension_semantics<arbitrary>], iteration_bounds = array<i64: 5>, scalar_prefetch = 0 : i64, scratch_operands = 0 : i64, tpu.core_type = #tpu.core_type<tc>, window_params = [{transform_indices = @transform_0, window_bounds = array<i64: 2000, 1>}, {transform_indices = @transform_1, window_bounds = array<i64: 2, 2000, 32>}, {transform_indices = @transform_2, window_bounds = array<i64: 2000, 32>}, {pipeline_mode = #tpu.pipeline_mode<synchronous>, transform_indices = @transform_3, window_bounds = array<i64: 32, 256>}, {pipeline_mode = #tpu.pipeline_mode<synchronous>, transform_indices = @transform_4, window_bounds = array<i64: 1, 256>}, {pipeline_mode = #tpu.pipeline_mode<synchronous>, transform_indices = @transform_5, window_bounds = array<i64: 256, 128>}, {transform_indices = @transform_6, window_bounds = array<i64: 2000, 128>}, {transform_indices = @transform_7, window_bounds = array<i64: 2000, 64>}, {transform_indices = @transform_8, window_bounds = array<i64: 2000, 64>}]} {
    %get3A = arith.constant 0 : index
    %get3A_0 = arith.constant 0 : index
    %get3A_1 = vector.load %arg1[%get3A, %get3A_0] : memref<2000x1xf32, #tpu.memory_space<vmem>>, vector<2000x1xf32>
    %get3A_2 = arith.constant 0 : index
    %get3A_3 = arith.constant 0 : index
    %get3A_4 = arith.constant 0 : index
    %get3A_5 = vector.load %arg2[%get3A_2, %get3A_3, %get3A_4] : memref<2x2000x32xf32, #tpu.memory_space<vmem>>, vector<1x2000x32xf32>
    %get3A_6 = vector.shape_cast %get3A_5 : vector<1x2000x32xf32> to vector<2000x32xf32>
    %get3A_7 = arith.constant 1 : index
    %get3A_8 = arith.constant 0 : index
    %get3A_9 = arith.constant 0 : index
    %get3A_10 = vector.load %arg2[%get3A_7, %get3A_8, %get3A_9] : memref<2x2000x32xf32, #tpu.memory_space<vmem>>, vector<1x2000x32xf32>
    %get3A_11 = vector.shape_cast %get3A_10 : vector<1x2000x32xf32> to vector<2000x32xf32>
    %add3A = arith.addf %get3A_6, %get3A_11 : vector<2000x32xf32>
    %get3A_12 = arith.constant 0 : index
    %get3A_13 = arith.constant 0 : index
    %get3A_14 = vector.load %arg3[%get3A_12, %get3A_13] : memref<2000x32xf32, #tpu.memory_space<vmem>>, vector<2000x32xf32>
    %add3A_15 = arith.addf %add3A, %get3A_14 : vector<2000x32xf32>
    %mul3A = vector.broadcast %get3A_1 : vector<2000x1xf32> to vector<2000x32xf32>
    %mul3A_16 = arith.mulf %mul3A, %add3A_15 : vector<2000x32xf32>
    %get3A_17 = arith.constant 0 : index
    %get3A_18 = arith.constant 0 : index
    %get3A_19 = vector.load %arg4[%get3A_17, %get3A_18] : memref<32x256xf32, #tpu.memory_space<vmem>>, vector<32x256xf32>
    %dot_general3A = arith.constant dense<0.000000e+00> : vector<2000x256xf32>
    %dot_general3A_20 = tpu.matmul %mul3A_16, %get3A_19, %dot_general3A {dimension_numbers = #tpu.dot_dimension_numbers<[1], [0], [0], [1], [0, 0, 1, 1], [], []>, transpose_lhs_hint = false} : vector<2000x32xf32>, vector<32x256xf32>, vector<2000x256xf32> -> vector<2000x256xf32>
    %get3A_21 = arith.constant 0 : index
    %get3A_22 = arith.constant 0 : index
    %get3A_23 = vector.load %arg5[%get3A_21, %get3A_22] : memref<1x256xf32, #tpu.memory_space<vmem>>, vector<1x256xf32>
    %add3A_24 = vector.broadcast %get3A_23 : vector<1x256xf32> to vector<2000x256xf32>
    %add3A_25 = arith.addf %dot_general3A_20, %add3A_24 : vector<2000x256xf32>
    %max3A = arith.constant 0.000000e+00 : f32
    %max3A_26 = vector.broadcast %max3A : f32 to vector<2000x256xf32>
    %max3A_27 = arith.maximumf %add3A_25, %max3A_26 : vector<2000x256xf32>
    %get3A_28 = arith.constant 0 : index
    %get3A_29 = arith.constant 0 : index
    %get3A_30 = vector.load %arg6[%get3A_28, %get3A_29] : memref<256x128xf32, #tpu.memory_space<vmem>>, vector<256x128xf32>
    %dot_general3A_31 = arith.constant dense<0.000000e+00> : vector<2000x128xf32>
    %dot_general3A_32 = tpu.matmul %max3A_27, %get3A_30, %dot_general3A_31 {dimension_numbers = #tpu.dot_dimension_numbers<[1], [0], [0], [1], [0, 0, 1, 1], [], []>, transpose_lhs_hint = false} : vector<2000x256xf32>, vector<256x128xf32>, vector<2000x128xf32> -> vector<2000x128xf32>
    %mul3A_33 = vector.broadcast %get3A_1 : vector<2000x1xf32> to vector<2000x128xf32>
    %mul3A_34 = arith.mulf %mul3A_33, %dot_general3A_32 : vector<2000x128xf32>
    %swap3A = arith.constant 0 : index
    %swap3A_35 = arith.constant 0 : index
    %swap3A_36 = vector.load %arg7[%swap3A, %swap3A_35] : memref<2000x128xf32, #tpu.memory_space<vmem>>, vector<2000x128xf32>
    tpu.vector_store %arg7[%swap3A, %swap3A_35], %mul3A_34 {strides = array<i32>} : memref<2000x128xf32, #tpu.memory_space<vmem>>, vector<2000x128xf32>,
    %slice3A = vector.extract_strided_slice %mul3A_34 {offsets = [0, 0], sizes = [2000, 64], strides = [1, 1]} : vector<2000x128xf32> to vector<2000x64xf32>
    %swap3A_37 = arith.constant 0 : index
    %swap3A_38 = arith.constant 0 : index
    %swap3A_39 = vector.load %arg8[%swap3A_37, %swap3A_38] : memref<2000x64xf32, #tpu.memory_space<vmem>>, vector<2000x64xf32>
    tpu.vector_store %arg8[%swap3A_37, %swap3A_38], %slice3A {strides = array<i32>} : memref<2000x64xf32, #tpu.memory_space<vmem>>, vector<2000x64xf32>,
    %slice3A_40 = vector.extract_strided_slice %mul3A_34 {offsets = [0, 64], sizes = [2000, 64], strides = [1, 1]} : vector<2000x128xf32> to vector<2000x64xf32>
    %swap3A_41 = arith.constant 0 : index
    %swap3A_42 = arith.constant 0 : index
    %swap3A_43 = vector.load %arg9[%swap3A_41, %swap3A_42] : memref<2000x64xf32, #tpu.memory_space<vmem>>, vector<2000x64xf32>
    tpu.vector_store %arg9[%swap3A_41, %swap3A_42], %slice3A_40 {strides = array<i32>} : memref<2000x64xf32, #tpu.memory_space<vmem>>, vector<2000x64xf32>,
    return
  }
  func.func @transform_0(%arg0: i32) -> (i32, i32) {
    %c0_i32 = arith.constant 0 : i32
    %c0_i32_0 = arith.constant 0 : i32
    return %arg0, %c0_i32 : i32, i32
  }
  func.func @transform_1(%arg0: i32) -> (i32, i32, i32) {
    %c0_i32 = arith.constant 0 : i32
    %c0_i32_0 = arith.constant 0 : i32
    %c0_i32_1 = arith.constant 0 : i32
    return %c0_i32, %arg0, %c0_i32_0 : i32, i32, i32
  }
  func.func @transform_2(%arg0: i32) -> (i32, i32) {
    %c0_i32 = arith.constant 0 : i32
    %c0_i32_0 = arith.constant 0 : i32
    return %arg0, %c0_i32 : i32, i32
  }
  func.func @transform_3(%arg0: i32) -> (i32, i32) {
    %c0_i32 = arith.constant 0 : i32
    %c0_i32_0 = arith.constant 0 : i32
    %c0_i32_1 = arith.constant 0 : i32
    return %c0_i32, %c0_i32_0 : i32, i32
  }
  func.func @transform_4(%arg0: i32) -> (i32, i32) {
    %c0_i32 = arith.constant 0 : i32
    %c0_i32_0 = arith.constant 0 : i32
    %c0_i32_1 = arith.constant 0 : i32
    return %c0_i32, %c0_i32_0 : i32, i32
  }
  func.func @transform_5(%arg0: i32) -> (i32, i32) {
    %c0_i32 = arith.constant 0 : i32
    %c0_i32_0 = arith.constant 0 : i32
    %c0_i32_1 = arith.constant 0 : i32
    return %c0_i32, %c0_i32_0 : i32, i32
  }
  func.func @transform_6(%arg0: i32) -> (i32, i32) {
    %c0_i32 = arith.constant 0 : i32
    %c0_i32_0 = arith.constant 0 : i32
    return %arg0, %c0_i32 : i32, i32
  }
  func.func @transform_7(%arg0: i32) -> (i32, i32) {
    %c0_i32 = arith.constant 0 : i32
    %c0_i32_0 = arith.constant 0 : i32
    return %arg0, %c0_i32 : i32, i32
  }
  func.func @transform_8(%arg0: i32) -> (i32, i32) {
    %c0_i32 = arith.constant 0 : i32
    %c0_i32_0 = arith.constant 0 : i32
    return %arg0, %c0_i32 : i32, i32
  }
}

</mosaic_0001>

<sc_bundles>
// kernel: kernel.12.cloned.1.call-start
scs
__scs_entry_jumppad:
0x0: {  	(pc) =	sbr.rel $0x88, $3  }
0x1: {  	(tag) =	ssettag $0x0;
	lr =	simm.s32 $0x1  }
0x2: {  	[smem:$0x3F97] =	sst lr;
	_ =	strace $0xD0000000  }
0x3: {  	_ = 	snop  }
0x4: {  	_ = 	snop  }
0x5: {  	_ = 	snop  }
0x6: {  	_ = 	snop  }
0x7: {  	_ = 	snop  }
__scs_overlays_trampoline_lowered:
0x8: {  	[smem:$0x3FA6] =	sst s0  }
0x9: {  	[smem:$0x3FA7] =	sst s1  }
0xa: {  	[smem:$0x3FA8] =	sst s2  }
0xb: {  	[smem:$0x3FA9] =	sst s3  }
0xc: {  	[smem:$0x3FAA] =	sst s4  }
0xd: {  	[smem:$0x3FAB] =	sst s5  }
0xe: {  	[smem:$0x3FAC] =	sst s6  }
0xf: {  	[smem:$0x3FAD] =	sst s7  }
0x10: {  	[smem:$0x3FAE] =	sst s8  }
0x11: {  	[smem:$0x3FAF] =	sst s9;
	s0 =	simm.s32 @!p0 $0x0  }
0x12: {  	s1 =	sld [smem:$0x3F95];
	s0 =	simm.s32 @p0 $0x1  }
0x13: {  	[smem:$0x3FB0] =	sst s0;
	s0 =	simm.s32 @!p1 $0x0  }
0x14: {  	s2 =	sld [smem:$0x3F94];
	s0 =	simm.s32 @p1 $0x1  }
0x15: {  	[smem:$0x3FB1] =	sst s0;
	s0 =	simm.s32 @!p2 $0x0  }
0x16: {  	s3 =	sld [smem:$0x3FDB];
	s0 =	simm.s32 @p2 $0x1  }
0x17: {  	s4 =	simm.s32 $0x1BF5;
	[smem:$0x3FB3] =	sst s0  }
0x18: {  	s0 =	sld [smem:$0x3F96];
	_ =	swait.ge [sflag:s4], $0x0  }
0x19: {  	s7 =	sld [smem:$0x3F97]  }
0x1a: {  	s8 =	sadd.s32 $0xFFFFE003, lr  }
0x1b: {  	s9 =	sadd.s32 $0xFFFFFEF7, lr;
	s5 =	simm.s32 $0xFFFFFFFF;
	p2 =	slt.u32 s8, $0xFFFFF086  }
0x1c: {  	p1 =	slt.u32 s9, $0xF7A;
	s5 =	simm.s32 @!p2 $0x0  }
0x1d: {  	s5 =	simm.s32 @p1 $0x1;
	p0 =	seq.s32 s7, s2  }
0x1e: {  	s7 =	smul.u32 @!p0 $0xF7A, s2;
	p2 =	seq.s32 @!p0 s5, $0x0  }
0x1f: {  	s9 =	smul.u32 $0xF7A, s1;
	s8 =	simm.s32 @!p0 $0x1BF5;
	p2 =	por !p2, p0  }
0x20: {  	[sflag:s8] =	ssyncset.s32 @!p0 $0xFFFFF086;
	s6 =	sadd.s32 @!p0 s3, s7;
	s7 =	simm.s32 @!p0 $0x108  }
0x21: {  	s3 =	sadd.s32 s3, s9;
	s6 =	sadd.s32 @!p0 $0x88, s6;
	s7 =	simm.s32 @p2 $0x1082  }
0x22: {  	[simem:s7], [sflag:s8] =	dma.local @!p0 [hbm:s6], $0xF7A  }
0x23: {  	s9 =	sor.u32 $0xD0000000, s2;
	s6 =	simm.s32 $0x108;
	_ =	swait.ge @!p0 [sflag:s8], $0x0  }
0x24: {  	s3 =	sadd.s32 $0x88, s3;
	s6 =	simm.s32 @!p1 $0x1082;
	[sflag:s4] =	ssyncset.s32 $0xFFFFF086  }
0x25: {  	[simem:s6], [sflag:s4] =	dma.local [hbm:s3], $0xF7A  }
0x26: {  	[smem:$0x3F97] =	sst s1;
	(tag) =	ssettag s2;
	_ =	strace s9  }
0x27: {  	s1 =	sld [smem:$0x3FA7]  }
0x28: {  	s2 =	sld [smem:$0x3FA8]  }
0x29: {  	s4 =	sld [smem:$0x3FAA]  }
0x2a: {  	p0 =	seq.s32 s5, $0x0;
	s5 =	sld [smem:$0x3FAB]  }
0x2b: {  	s6 =	sld [smem:$0x3FAC]  }
0x2c: {  	s7 =	sld [smem:$0x3FAD]  }
0x2d: {  	s3 =	simm.s32 $0x108;
	s8 =	sld [smem:$0x3FAE]  }
0x2e: {  	s3 =	simm.s32 @!p0 $0x1082;
	s9 =	sld [smem:$0x3FAF]  }
0x2f: {  	lr =	sadd.s32 s0, s3;
	s0 =	sld [smem:$0x3FA6]  }
0x30: {  	s3 =	sld [smem:$0x3FA9]  }
0x31: {  	[smem:$0x3FB2] =	sst s10  }
0x32: {  	s10 =	sld [smem:$0x3FB0];
	_ =	sdelay $0x3  }
0x33: {  	p0 =	seq.s32 s10, $0x1;
	s10 =	sld [smem:$0x3FB2];
	_ =	sdelay $0x3  }
0x34: {  	[smem:$0x3FB2] =	sst s10  }
0x35: {  	s10 =	sld [smem:$0x3FB1];
	_ =	sdelay $0x3  }
0x36: {  	p1 =	seq.s32 s10, $0x1;
	s10 =	sld [smem:$0x3FB2];
	_ =	sdelay $0x3  }
0x37: {  	[smem:$0x3FB2] =	sst s10  }
0x38: {  	s10 =	sld [smem:$0x3FB3]  }
0x39: {  	_ = 	snop;
	(pc) =	sbr.ind lr, $3  }
0x3a: {  	_ = 	snop  }
0x3b: {  	_ = 	snop  }
0x3c: {  	p2 =	seq.s32 s10, $0x1;
	s10 =	sld [smem:$0x3FB2]  }
0x3d: {  	_ =	shalt  }
0x3e: {  	_ =	shalt  }
0x3f: {  	_ =	shalt  }
0x40: {  	_ =	shalt  }
0x41: {  	_ =	shalt  }
0x42: {  	_ =	shalt  }
0x43: {  	_ =	shalt  }
0x44: {  	_ =	shalt  }
0x45: {  	_ =	shalt  }
0x46: {  	_ =	shalt  }
0x47: {  	_ =	shalt  }
0x48: {  	_ =	shalt  }
0x49: {  	_ =	shalt  }
0x4a: {  	_ =	shalt  }
0x4b: {  	_ =	shalt  }
0x4c: {  	_ =	shalt  }
0x4d: {  	_ =	shalt  }
0x4e: {  	_ =	shalt  }
0x4f: {  	_ =	shalt  }
0x50: {  	_ =	shalt  }
0x51: {  	_ =	shalt  }
0x52: {  	_ =	shalt  }
0x53: {  	_ =	shalt  }
0x54: {  	_ =	shalt  }
0x55: {  	_ =	shalt  }
0x56: {  	_ =	shalt  }
0x57: {  	_ =	shalt  }
0x58: {  	_ =	shalt  }
0x59: {  	_ =	shalt  }
0x5a: {  	_ =	shalt  }
0x5b: {  	_ =	shalt  }
0x5c: {  	_ =	shalt  }
0x5d: {  	_ =	shalt  }
0x5e: {  	_ =	shalt  }
0x5f: {  	_ =	shalt  }
0x60: {  	_ =	shalt  }
0x61: {  	_ =	shalt  }
0x62: {  	_ =	shalt  }
0x63: {  	_ =	shalt  }
0x64: {  	_ =	shalt  }
0x65: {  	_ =	shalt  }
0x66: {  	_ =	shalt  }
0x67: {  	_ =	shalt  }
0x68: {  	_ =	shalt  }
0x69: {  	_ =	shalt  }
0x6a: {  	_ =	shalt  }
0x6b: {  	_ =	shalt  }
0x6c: {  	_ =	shalt  }
0x6d: {  	_ =	shalt  }
0x6e: {  	_ =	shalt  }
0x6f: {  	_ =	shalt  }
0x70: {  	_ =	shalt  }
0x71: {  	_ =	shalt  }
0x72: {  	_ =	shalt  }
0x73: {  	_ =	shalt  }
0x74: {  	_ =	shalt  }
0x75: {  	_ =	shalt  }
0x76: {  	_ =	shalt  }
0x77: {  	_ =	shalt  }
0x78: {  	_ =	shalt  }
0x79: {  	_ =	shalt  }
0x7a: {  	_ =	shalt  }
0x7b: {  	_ =	shalt  }
0x7c: {  	_ =	shalt  }
0x7d: {  	_ =	shalt  }
0x7e: {  	_ =	shalt  }
0x7f: {  	_ =	shalt  }
0x80: {  	_ =	shalt  }
0x81: {  	_ =	shalt  }
0x82: {  	_ =	shalt  }
0x83: {  	_ =	shalt  }
0x84: {  	_ =	shalt  }
0x85: {  	_ =	shalt  }
0x86: {  	_ =	shalt  }
0x87: {  	_ =	shalt  }
.Lfunc_end0:
.L_simem_size_0:
called_computation_lowered:
.L_overlay_start_0:
0x88: {  	s2 =	sld [smem:$0x3FD9]  }
0x89: {  	s3 =	sld [smem:$0x3FFE];
	_ =	sdelay $0x1  }
0x8a: {  	s1 =	srdreg.scid  }
0x8b: {  	s0 =	sand.u32 $0x1, s1  }
0x8c: {  	s17 =	sshll.u32 s0, $0xA;
	s2 =	sadd.s32 s3, s2  }
0x8d: {  	s2 =	sadd.s32 s2, s17  }
0x8e: {  	[smem:$0x3FBE] =	sst s2  }
0x8f: {  	_ = 	snop  }
0x90: {  	s2 =	sld [smem:$0x3FD0];
	(tm) =	ssettm $0x1  }
0x91: {  	s18 =	sld [smem:$0x3FFB];
	_ =	sdelay $0x3  }
0x92: {  	_ =	strace s18  }
0x93: {  	s3 =	sld [smem:$0x3FFC];
	_ =	sdelay $0x3  }
0x94: {  	_ =	strace s3  }
0x95: {  	s3 =	sld [smem:$0x3FFD];
	_ =	sdelay $0x3  }
0x96: {  	_ =	strace s3  }
0x97: {  	_ =	strace $0x8FFFFFFF  }
0x98: {  	s19 =	sld [smem:$0x3FDB];
	_ =	sdelay $0x1  }
0x99: {  	s4 =	simm.s32 $_scs_section_size  }
0x9a: {  	s5 =	simm.s32 $_size__tile_overlayer_lowered;
	s6 =	simm.s32 $_tile_overlayer_lowered  }
0x9b: {  	s22 =	simm.s32 $0x1BFF;
	s21 =	sshll.u32 s6, $0x1;
	s3 =	sadd.s32 s4, s19  }
0x9c: {  	s7 =	simm.s32 $0x0;
	s20 =	sshll.u32 s5, $0x1;
	s5 =	sadd.s32 s21, s3  }
0x9d: {  	[timem:s7], [sflag:s22] =	dma.local [hbm:s5], s20  }
0x9e: {  	_ =	swait.ge [sflag:s22], s20  }
0x9f: {  	s4 =	ssub.s32 $0x0, s20;
	[sflag:s22] =	ssyncset.done $0x0  }
0xa0: {  	[sflag:s22] =	ssyncadd.s32 s4;
	_ =	sdelay $0x1  }
0xa1: {  	s23 =	simm.s32 $0x1B8B  }
0xa2: {  	_ =	swait.ge [sflag:s23], $0x1  }
0xa3: {  	[sflag:s23] =	ssyncset.done $0x0  }
0xa4: {  	s25 =	simm.s32 $0x1B8E;
	s24 =	sld [smem:$0x3FFE];
	[sflag:s23] =	ssyncadd.s32 $0xFFFFFFFF  }
0xa5: {  	s26 =	simm.s32 $execute0_lowered;
	[smem:$0x3FD2] =	sst s25  }
0xa6: {  	s5 =	sshll.u32 s26, $0x1;
	_ =	strace $0x80000046;
	[dreg:$0x1] =	wrdreg $0xFFFFFFFF  }
0xa7: {  	s28 =	simm.s32 $_size_execute0_lowered;
	s3 =	sadd.s32 s3, s5;
	[dreg:$0x0] =	wrdreg $0x0  }
0xa8: {  	s5 =	sshll.u32 s28, $0x1;
	[dreg:$0x2] =	wrdreg s3  }
0xa9: {  	[dreg:$0x3] =	wrdreg s5  }
0xaa: {  	[dreg:$0x4] =	wrdreg $0xC0  }
0xab: {  	_ =	task [dreg:s7], $0x5FFFF  }
0xac: {  	[dreg:$0x1] =	wrdreg $0xFFFFFFFF  }
0xad: {  	[dreg:$0x0] =	wrdreg $0x60  }
0xae: {  	[dreg:$0x2] =	wrdreg s24  }
0xaf: {  	[dreg:$0x3] =	wrdreg s2  }
0xb0: {  	[dreg:$0x4] =	wrdreg $0x2EE00  }
0xb1: {  	[dreg:$0x5] =	wrdreg $0x9  }
0xb2: {  	_ =	task.clear_ibuf [dreg:s7], $0x6FFFF;
	_ =	strace $0x90000046  }
0xb3: {  	s29 =	simm.s32 $0x9;
	_ =	strace $0x80000048  }
0xb4: {  	_ =	swait.ge [sflag:s29], $0x1  }
0xb5: {  	[sflag:s29] =	ssyncadd.s32 $0xFFFFFFFF  }
0xb6: {  	_ =	strace $0x90000048  }
0xb7: {  	_ =	sfence  }
0xb8: {  	s30 =	sld [smem:$0x0];
	_ =	sdelay $0x2  }
0xb9: {  	s31 =	sshll.u32 s1, $0xD;
	s1 =	sshrl.u32 s1, $0x2  }
0xba: {  	s3 =	sand.u32 $0x4000, s31;
	s1 =	sadd.s32 s1, s30  }
0xbb: {  	s0 =	sor.u32 s3, s0;
	s1 =	sshll.u32 s1, $0x11  }
0xbc: {  	s0 =	sor.u32 s1, s0  }
0xbd: {  	s0 =	sadd.s32 $0x8F2B, s0  }
0xbe: {  	[sflag:s0] =	ssyncadd.remote.s32 $0x1  }
0xbf: {  	_ =	sfence.sel $0xFFFF  }
0xc0: {  	[dreg:$0x0] =	wrdreg $0xFFFFFFFF;
	(pc) =	sbr.abs _section_cstart, $3  }
0xc1: {  	[dreg:$0x1] =	wrdreg $0xFFFFFFFF  }
0xc2: {  	_ =	task.clear_ibuf [dreg:s7], $0x2FFFF;
	_ =	strace $0x9FFFFFFF  }
0xc3: {  	(tm) =	ssettm $0x7FFFFFFF  }
tec
execute0_lowered:
.L_overlay_start_1:
0x0: {  	(tag) =	ssettag $0x1  }
0x1: {  	s10 =	rddreg [dreg:$0x0]  }
0x2: {  	s15 =	rddreg [dreg:$0x1]  }
0x3: {  	s2 =	rddreg [dreg:$0x2]  }
0x4: {  	s0 =	rddreg [dreg:$0x3];
	s1 =	stileid.u32  }
0x5: {  	s3 =	simm.s32 $0x0;
	s4 =	srdreg.scid;
	s17 =	smul.u32 $0x280, s1  }
0x6: {  	[smem:$0x7FF] =	sst s3;
	s16 =	sand.u32 $0x1, s4;
	s4 =	sadd.s32 $0x16000, s10  }
0x7: {  	s5 =	sshll.u32 s1, $0x6;
	_ =	strace $0x80000047;
	s6 =	sadd.s32 s17, s2  }
0x8: {  	s5 =	sor.u32 $0x1C01, s5;
	s7 =	sshrl.u32 s6, $0x3;
	s6 =	simm.s32 $0x1  }
0x9: {  	[spmem:s7], [sflag:s5] =	dma.local [hbm:s4], $0x50  }
0xa: {  	s8 =	sshll.u32 s16, $0x4;
	_ =	swait.ge [sflag:s6], $0x50  }
0xb: {  	s9 =	simm.s32 $0x2710;
	s8 =	sor.u32 s1, s8;
	[sflag:s6] =	ssyncset.done $0x0  }
0xc: {  	s11 =	smul.u32 $0x4E2, s8;
	s8 =	sadd.s32 $0x16200, s10;
	[sflag:s6] =	ssyncadd.s32 $0xFFFFFFB0  }
0xd: {  	[tilespmem:s9], [sflag:$0x1] =	stream.linear.gather [hbm4b:s8+s3], $0x7D0, $0x38;
	[tilespmem:$0x3160] =	vst v63  }
0xe: {  	_ =	swait.ge [sflag:s6], $0x7D0  }
0xf: {  	s10 =	sadd.s32 s11, s10;
	[sflag:s6] =	ssyncset.done $0x0  }
0x10: {  	s10 =	sadd.s32 $0xC200, s10;
	[sflag:s6] =	ssyncadd.s32 $0xFFFFF830  }
0x11: {  	[tilespmem:s3], [sflag:$0x1] =	stream.linear.gather [hbm4b:s10+s3], $0x2710, $0x38;
	[tilespmem:$0x3160] =	vst v63  }
0x12: {  	_ =	swait.ge [sflag:s6], $0x2710  }
0x13: {  	[sflag:s6] =	ssyncset.done $0x0  }
0x14: {  	[sflag:s6] =	ssyncadd.s32 $0xFFFFD8F0  }
0x15: {  	s11 =	simm.s32 $0x7D0;
	[bflag:$0x0] =	sbarrier.arrive $0xFFFF  }
0x16: {  	[spmem:s2] =	stream.indirect.scatter.add.f32 [tilespmem:s9], [sflag:$0x1], $0x1, s3, s11, $0xb8;
	[tilespmem:$0x3160] =	vst v63  }
0x17: {  	_ =	swait.ge [sflag:s6], $0x7D0  }
0x18: {  	[sflag:s6] =	ssyncset.done $0x0  }
0x19: {  	[sflag:s6] =	ssyncadd.s32 $0xFFFFF830  }
0x1a: {  	[spmem:s2] =	stream.indirect.scatter.add.f32 [tilespmem:s9], [sflag:$0x1], $0x1, s11, s11, $0xb8;
	[tilespmem:$0x3160] =	vst v63  }
0x1b: {  	_ =	swait.ge [sflag:s6], $0x7D0  }
0x1c: {  	[sflag:s6] =	ssyncset.done $0x0  }
0x1d: {  	s12 =	simm.s32 $0xFA0;
	[sflag:s6] =	ssyncadd.s32 $0xFFFFF830  }
0x1e: {  	[spmem:s2] =	stream.indirect.scatter.add.f32 [tilespmem:s9], [sflag:$0x1], $0x1, s12, s11, $0xb8;
	[tilespmem:$0x3160] =	vst v63  }
0x1f: {  	_ =	swait.ge [sflag:s6], $0x7D0  }
0x20: {  	[sflag:s6] =	ssyncset.done $0x0  }
0x21: {  	s13 =	simm.s32 $0x1770;
	[sflag:s6] =	ssyncadd.s32 $0xFFFFF830  }
0x22: {  	[spmem:s2] =	stream.indirect.scatter.add.f32 [tilespmem:s9], [sflag:$0x1], $0x1, s13, s11, $0xb8;
	[tilespmem:$0x3160] =	vst v63  }
0x23: {  	s18 =	smul.u32 $0x2800, s16;
	s16 =	ssub.s32 $0x2, s16;
	_ =	swait.ge [sflag:s6], $0x7D0  }
0x24: {  	s31 =	sshrl.u32 s16, $0x1;
	[sflag:s6] =	ssyncset.done $0x0  }
0x25: {  	s14 =	simm.s32 $0x1F40;
	s16 =	ssub.s32 s16, s31;
	[sflag:s6] =	ssyncadd.s32 $0xFFFFF830  }
0x26: {  	[spmem:s2] =	stream.indirect.scatter.add.f32 [tilespmem:s9], [sflag:$0x1], $0x1, s14, s11, $0xb8;
	[tilespmem:$0x3160] =	vst v63  }
0x27: {  	s16 =	smax.u32 s16, $0x1;
	_ =	swait.ge [sflag:s6], $0x7D0  }
0x28: {  	s17 =	sadd.s32 s17, s18;
	p0 =	sne.s32 s16, $0x1;
	[sflag:s6] =	ssyncset.done $0x0  }
.Ltmp0:
0x29: {  	s17 =	sshrl.u32 s17, $0x3;
	[sflag:s6] =	ssyncadd.s32 $0xFFFFF830;
	(pc) =	sbr.rel @!p0 .LBB2_2-.Ltmp0, $4  }
0x2a: {  	s15 =	sadd.s32 s15, s17;
	[bflag:$0x0] =	sbarrier.arrive $0xFFFF  }
0x2b: {  	[hbm:s15], [sflag:s5] =	dma.local [spmem:s7], $0x50  }
0x2c: {  	_ =	swait.ge [sflag:s6], $0x50  }
0x2d: {  	s16 =	sadd.s32 $0xFFFFFFFF, s16;
	[sflag:s6] =	ssyncset.done $0x0  }
.LBB2_1:
0x2e: {  	p0 =	sne.s32 s16, $0x1;
	s16 =	sadd.s32 $0xFFFFFFFF, s16;
	[sflag:s6] =	ssyncadd.s32 $0xFFFFFFB0  }
0x2f: {  	[spmem:s7], [sflag:s5] =	dma.local [hbm:s4], $0x50  }
0x30: {  	_ =	swait.ge [sflag:s6], $0x50  }
0x31: {  	[sflag:s6] =	ssyncset.done $0x0  }
0x32: {  	[sflag:s6] =	ssyncadd.s32 $0xFFFFFFB0  }
0x33: {  	[tilespmem:s9], [sflag:$0x1] =	stream.linear.gather [hbm4b:s8+s3], $0x7D0, $0x38;
	[tilespmem:$0x3160] =	vst v63  }
0x34: {  	_ =	swait.ge [sflag:s6], $0x7D0  }
0x35: {  	[sflag:s6] =	ssyncset.done $0x0  }
0x36: {  	[sflag:s6] =	ssyncadd.s32 $0xFFFFF830  }
0x37: {  	[tilespmem:s3], [sflag:$0x1] =	stream.linear.gather [hbm4b:s10+s3], $0x2710, $0x38;
	[tilespmem:$0x3160] =	vst v63  }
0x38: {  	_ =	swait.ge [sflag:s6], $0x2710  }
0x39: {  	[sflag:s6] =	ssyncset.done $0x0  }
0x3a: {  	[sflag:s6] =	ssyncadd.s32 $0xFFFFD8F0  }
0x3b: {  	[bflag:$0x0] =	sbarrier.arrive $0xFFFF  }
0x3c: {  	[spmem:s2] =	stream.indirect.scatter.add.f32 [tilespmem:s9], [sflag:$0x1], $0x1, s3, s11, $0xb8;
	[tilespmem:$0x3160] =	vst v63  }
0x3d: {  	_ =	swait.ge [sflag:s6], $0x7D0  }
0x3e: {  	[sflag:s6] =	ssyncset.done $0x0  }
0x3f: {  	[sflag:s6] =	ssyncadd.s32 $0xFFFFF830  }
0x40: {  	[spmem:s2] =	stream.indirect.scatter.add.f32 [tilespmem:s9], [sflag:$0x1], $0x1, s11, s11, $0xb8;
	[tilespmem:$0x3160] =	vst v63  }
0x41: {  	_ =	swait.ge [sflag:s6], $0x7D0  }
0x42: {  	[sflag:s6] =	ssyncset.done $0x0  }
0x43: {  	[sflag:s6] =	ssyncadd.s32 $0xFFFFF830  }
0x44: {  	[spmem:s2] =	stream.indirect.scatter.add.f32 [tilespmem:s9], [sflag:$0x1], $0x1, s12, s11, $0xb8;
	[tilespmem:$0x3160] =	vst v63  }
0x45: {  	_ =	swait.ge [sflag:s6], $0x7D0  }
0x46: {  	[sflag:s6] =	ssyncset.done $0x0  }
0x47: {  	[sflag:s6] =	ssyncadd.s32 $0xFFFFF830  }
0x48: {  	[spmem:s2] =	stream.indirect.scatter.add.f32 [tilespmem:s9], [sflag:$0x1], $0x1, s13, s11, $0xb8;
	[tilespmem:$0x3160] =	vst v63  }
0x49: {  	_ =	swait.ge [sflag:s6], $0x7D0  }
0x4a: {  	[sflag:s6] =	ssyncset.done $0x0  }
0x4b: {  	[sflag:s6] =	ssyncadd.s32 $0xFFFFF830  }
0x4c: {  	[spmem:s2] =	stream.indirect.scatter.add.f32 [tilespmem:s9], [sflag:$0x1], $0x1, s14, s11, $0xb8;
	[tilespmem:$0x3160] =	vst v63  }
0x4d: {  	_ =	swait.ge [sflag:s6], $0x7D0  }
0x4e: {  	[sflag:s6] =	ssyncset.done $0x0  }
.Ltmp1:
0x4f: {  	[sflag:s6] =	ssyncadd.s32 $0xFFFFF830;
	(pc) =	sbr.rel @p0 .LBB2_1-.Ltmp1, $4  }
0x50: {  	[bflag:$0x0] =	sbarrier.arrive $0xFFFF  }
0x51: {  	[hbm:s15], [sflag:s5] =	dma.local [spmem:s7], $0x50  }
0x52: {  	_ =	swait.ge [sflag:s6], $0x50  }
0x53: {  	[sflag:s6] =	ssyncset.done $0x0  }
.LBB2_2:
0x54: {  	[sflag:s6] =	ssyncadd.s32 $0xFFFFFFB0  }
0x55: {  	_ =	sfence.sel $0x180000  }
0x56: {  	[bflag:$0x0] =	sbarrier.arrive $0xFFFF  }
0x57: {  	p0 =	sne.s32 s1, $0x0;
	_ =	strace $0x90000047  }
0x58: {  	s0 =	sadd.s32 @!p0 $0x100000, s0;
	[bflag:$0x2] =	sbarrier.arrive $0xFFFF  }
0x59: {  	[sflag:s0] =	ssyncadd.tile.s32 @!p0 $0x1;
	_ =	shalt  }
.Lfunc_end2:
_tile_overlayer_lowered:
.L_overlay_start_2:
0x5a: {  	(tag) =	ssettag $0x2  }
0x5b: {  	s0 =	rddreg [dreg:$0x0];
	s2 =	stileid.u32  }
0x5c: {  	s1 =	rddreg [dreg:$0x1];
	p0 =	sne.s32 s2, $0x0  }
0x5d: {  	s3 =	rddreg [dreg:$0x2];
	[bflag:$0x3] =	sbarrier.arrive $0xFFFF;
	s2 =	simm.s32 @!p0 $0x1C01  }
0x5e: {  	[timem:s3], [sflag:s2] =	dma.local @!p0 [hbm:s0], s1  }
0x5f: {  	s0 =	simm.s32 @!p0 $0x1  }
0x60: {  	_ =	swait.ge @!p0 [sflag:s0], s1  }
0x61: {  	s1 =	ssub.s32 @!p0 $0x0, s1;
	[sflag:s0] =	ssyncset.done @!p0 $0x0  }
0x62: {  	[sflag:s0] =	ssyncadd.s32 @!p0 s1  }
0x63: {  	[bflag:$0x3] =	sbarrier.arrive $0xFFFF  }
0x64: {  	_ =	shalt  }

// kernel: kernel.15.cloned.1.call-start
scs
__scs_entry_jumppad:
0x0: {  	(pc) =	sbr.rel $0x88, $3  }
0x1: {  	(tag) =	ssettag $0x0;
	lr =	simm.s32 $0x1  }
0x2: {  	[smem:$0x3F97] =	sst lr;
	_ =	strace $0xD0000000  }
0x3: {  	_ = 	snop  }
0x4: {  	_ = 	snop  }
0x5: {  	_ = 	snop  }
0x6: {  	_ = 	snop  }
0x7: {  	_ = 	snop  }
__scs_overlays_trampoline_lowered:
0x8: {  	[smem:$0x3FA6] =	sst s0  }
0x9: {  	[smem:$0x3FA7] =	sst s1  }
0xa: {  	[smem:$0x3FA8] =	sst s2  }
0xb: {  	[smem:$0x3FA9] =	sst s3  }
0xc: {  	[smem:$0x3FAA] =	sst s4  }
0xd: {  	[smem:$0x3FAB] =	sst s5  }
0xe: {  	[smem:$0x3FAC] =	sst s6  }
0xf: {  	[smem:$0x3FAD] =	sst s7  }
0x10: {  	[smem:$0x3FAE] =	sst s8  }
0x11: {  	[smem:$0x3FAF] =	sst s9;
	s0 =	simm.s32 @!p0 $0x0  }
0x12: {  	s1 =	sld [smem:$0x3F95];
	s0 =	simm.s32 @p0 $0x1  }
0x13: {  	[smem:$0x3FB0] =	sst s0;
	s0 =	simm.s32 @!p1 $0x0  }
0x14: {  	s2 =	sld [smem:$0x3F94];
	s0 =	simm.s32 @p1 $0x1  }
0x15: {  	[smem:$0x3FB1] =	sst s0;
	s0 =	simm.s32 @!p2 $0x0  }
0x16: {  	s3 =	sld [smem:$0x3FDB];
	s0 =	simm.s32 @p2 $0x1  }
0x17: {  	s4 =	simm.s32 $0x1BF5;
	[smem:$0x3FB3] =	sst s0  }
0x18: {  	s0 =	sld [smem:$0x3F96];
	_ =	swait.ge [sflag:s4], $0x0  }
0x19: {  	s7 =	sld [smem:$0x3F97]  }
0x1a: {  	s8 =	sadd.s32 $0xFFFFE003, lr  }
0x1b: {  	s9 =	sadd.s32 $0xFFFFFEF7, lr;
	s5 =	simm.s32 $0xFFFFFFFF;
	p2 =	slt.u32 s8, $0xFFFFF086  }
0x1c: {  	p1 =	slt.u32 s9, $0xF7A;
	s5 =	simm.s32 @!p2 $0x0  }
0x1d: {  	s5 =	simm.s32 @p1 $0x1;
	p0 =	seq.s32 s7, s2  }
0x1e: {  	s7 =	smul.u32 @!p0 $0xF7A, s2;
	p2 =	seq.s32 @!p0 s5, $0x0  }
0x1f: {  	s9 =	smul.u32 $0xF7A, s1;
	s8 =	simm.s32 @!p0 $0x1BF5;
	p2 =	por !p2, p0  }
0x20: {  	[sflag:s8] =	ssyncset.s32 @!p0 $0xFFFFF086;
	s6 =	sadd.s32 @!p0 s3, s7;
	s7 =	simm.s32 @!p0 $0x108  }
0x21: {  	s3 =	sadd.s32 s3, s9;
	s6 =	sadd.s32 @!p0 $0x88, s6;
	s7 =	simm.s32 @p2 $0x1082  }
0x22: {  	[simem:s7], [sflag:s8] =	dma.local @!p0 [hbm:s6], $0xF7A  }
0x23: {  	s9 =	sor.u32 $0xD0000000, s2;
	s6 =	simm.s32 $0x108;
	_ =	swait.ge @!p0 [sflag:s8], $0x0  }
0x24: {  	s3 =	sadd.s32 $0x88, s3;
	s6 =	simm.s32 @!p1 $0x1082;
	[sflag:s4] =	ssyncset.s32 $0xFFFFF086  }
0x25: {  	[simem:s6], [sflag:s4] =	dma.local [hbm:s3], $0xF7A  }
0x26: {  	[smem:$0x3F97] =	sst s1;
	(tag) =	ssettag s2;
	_ =	strace s9  }
0x27: {  	s1 =	sld [smem:$0x3FA7]  }
0x28: {  	s2 =	sld [smem:$0x3FA8]  }
0x29: {  	s4 =	sld [smem:$0x3FAA]  }
0x2a: {  	p0 =	seq.s32 s5, $0x0;
	s5 =	sld [smem:$0x3FAB]  }
0x2b: {  	s6 =	sld [smem:$0x3FAC]  }
0x2c: {  	s7 =	sld [smem:$0x3FAD]  }
0x2d: {  	s3 =	simm.s32 $0x108;
	s8 =	sld [smem:$0x3FAE]  }
0x2e: {  	s3 =	simm.s32 @!p0 $0x1082;
	s9 =	sld [smem:$0x3FAF]  }
0x2f: {  	lr =	sadd.s32 s0, s3;
	s0 =	sld [smem:$0x3FA6]  }
0x30: {  	s3 =	sld [smem:$0x3FA9]  }
0x31: {  	[smem:$0x3FB2] =	sst s10  }
0x32: {  	s10 =	sld [smem:$0x3FB0];
	_ =	sdelay $0x3  }
0x33: {  	p0 =	seq.s32 s10, $0x1;
	s10 =	sld [smem:$0x3FB2];
	_ =	sdelay $0x3  }
0x34: {  	[smem:$0x3FB2] =	sst s10  }
0x35: {  	s10 =	sld [smem:$0x3FB1];
	_ =	sdelay $0x3  }
0x36: {  	p1 =	seq.s32 s10, $0x1;
	s10 =	sld [smem:$0x3FB2];
	_ =	sdelay $0x3  }
0x37: {  	[smem:$0x3FB2] =	sst s10  }
0x38: {  	s10 =	sld [smem:$0x3FB3]  }
0x39: {  	_ = 	snop;
	(pc) =	sbr.ind lr, $3  }
0x3a: {  	_ = 	snop  }
0x3b: {  	_ = 	snop  }
0x3c: {  	p2 =	seq.s32 s10, $0x1;
	s10 =	sld [smem:$0x3FB2]  }
0x3d: {  	_ =	shalt  }
0x3e: {  	_ =	shalt  }
0x3f: {  	_ =	shalt  }
0x40: {  	_ =	shalt  }
0x41: {  	_ =	shalt  }
0x42: {  	_ =	shalt  }
0x43: {  	_ =	shalt  }
0x44: {  	_ =	shalt  }
0x45: {  	_ =	shalt  }
0x46: {  	_ =	shalt  }
0x47: {  	_ =	shalt  }
0x48: {  	_ =	shalt  }
0x49: {  	_ =	shalt  }
0x4a: {  	_ =	shalt  }
0x4b: {  	_ =	shalt  }
0x4c: {  	_ =	shalt  }
0x4d: {  	_ =	shalt  }
0x4e: {  	_ =	shalt  }
0x4f: {  	_ =	shalt  }
0x50: {  	_ =	shalt  }
0x51: {  	_ =	shalt  }
0x52: {  	_ =	shalt  }
0x53: {  	_ =	shalt  }
0x54: {  	_ =	shalt  }
0x55: {  	_ =	shalt  }
0x56: {  	_ =	shalt  }
0x57: {  	_ =	shalt  }
0x58: {  	_ =	shalt  }
0x59: {  	_ =	shalt  }
0x5a: {  	_ =	shalt  }
0x5b: {  	_ =	shalt  }
0x5c: {  	_ =	shalt  }
0x5d: {  	_ =	shalt  }
0x5e: {  	_ =	shalt  }
0x5f: {  	_ =	shalt  }
0x60: {  	_ =	shalt  }
0x61: {  	_ =	shalt  }
0x62: {  	_ =	shalt  }
0x63: {  	_ =	shalt  }
0x64: {  	_ =	shalt  }
0x65: {  	_ =	shalt  }
0x66: {  	_ =	shalt  }
0x67: {  	_ =	shalt  }
0x68: {  	_ =	shalt  }
0x69: {  	_ =	shalt  }
0x6a: {  	_ =	shalt  }
0x6b: {  	_ =	shalt  }
0x6c: {  	_ =	shalt  }
0x6d: {  	_ =	shalt  }
0x6e: {  	_ =	shalt  }
0x6f: {  	_ =	shalt  }
0x70: {  	_ =	shalt  }
0x71: {  	_ =	shalt  }
0x72: {  	_ =	shalt  }
0x73: {  	_ =	shalt  }
0x74: {  	_ =	shalt  }
0x75: {  	_ =	shalt  }
0x76: {  	_ =	shalt  }
0x77: {  	_ =	shalt  }
0x78: {  	_ =	shalt  }
0x79: {  	_ =	shalt  }
0x7a: {  	_ =	shalt  }
0x7b: {  	_ =	shalt  }
0x7c: {  	_ =	shalt  }
0x7d: {  	_ =	shalt  }
0x7e: {  	_ =	shalt  }
0x7f: {  	_ =	shalt  }
0x80: {  	_ =	shalt  }
0x81: {  	_ =	shalt  }
0x82: {  	_ =	shalt  }
0x83: {  	_ =	shalt  }
0x84: {  	_ =	shalt  }
0x85: {  	_ =	shalt  }
0x86: {  	_ =	shalt  }
0x87: {  	_ =	shalt  }
.Lfunc_end0:
.L_simem_size_0:
called_computation.1_lowered:
.L_overlay_start_0:
0x88: {  	s2 =	sld [smem:$0x3FD9]  }
0x89: {  	s3 =	sld [smem:$0x3FFE];
	_ =	sdelay $0x1  }
0x8a: {  	s1 =	srdreg.scid  }
0x8b: {  	s0 =	sand.u32 $0x1, s1  }
0x8c: {  	s17 =	sshll.u32 s0, $0xA;
	s2 =	sadd.s32 s3, s2  }
0x8d: {  	s2 =	sadd.s32 s2, s17  }
0x8e: {  	[smem:$0x3FBE] =	sst s2  }
0x8f: {  	_ = 	snop  }
0x90: {  	s2 =	sld [smem:$0x3FD0];
	(tm) =	ssettm $0x1  }
0x91: {  	s18 =	sld [smem:$0x3FFB];
	_ =	sdelay $0x3  }
0x92: {  	_ =	strace s18  }
0x93: {  	s3 =	sld [smem:$0x3FFC];
	_ =	sdelay $0x3  }
0x94: {  	_ =	strace s3  }
0x95: {  	s3 =	sld [smem:$0x3FFD];
	_ =	sdelay $0x3  }
0x96: {  	_ =	strace s3  }
0x97: {  	_ =	strace $0x8FFFFFFF  }
0x98: {  	s19 =	sld [smem:$0x3FDB];
	_ =	sdelay $0x1  }
0x99: {  	s4 =	simm.s32 $_scs_section_size  }
0x9a: {  	s5 =	simm.s32 $_size__tile_overlayer_lowered;
	s6 =	simm.s32 $_tile_overlayer_lowered  }
0x9b: {  	s22 =	simm.s32 $0x1BFF;
	s21 =	sshll.u32 s6, $0x1;
	s3 =	sadd.s32 s4, s19  }
0x9c: {  	s7 =	simm.s32 $0x0;
	s20 =	sshll.u32 s5, $0x1;
	s5 =	sadd.s32 s21, s3  }
0x9d: {  	[timem:s7], [sflag:s22] =	dma.local [hbm:s5], s20  }
0x9e: {  	_ =	swait.ge [sflag:s22], s20  }
0x9f: {  	s4 =	ssub.s32 $0x0, s20;
	[sflag:s22] =	ssyncset.done $0x0  }
0xa0: {  	[sflag:s22] =	ssyncadd.s32 s4;
	_ =	sdelay $0x1  }
0xa1: {  	s23 =	simm.s32 $0x1B8B  }
0xa2: {  	_ =	swait.ge [sflag:s23], $0x1  }
0xa3: {  	[sflag:s23] =	ssyncset.done $0x0  }
0xa4: {  	s25 =	simm.s32 $0x1B8E;
	s24 =	sld [smem:$0x3FFE];
	[sflag:s23] =	ssyncadd.s32 $0xFFFFFFFF  }
0xa5: {  	s26 =	simm.s32 $execute0_lowered;
	[smem:$0x3FD2] =	sst s25  }
0xa6: {  	s5 =	sshll.u32 s26, $0x1;
	_ =	strace $0x80000049;
	[dreg:$0x1] =	wrdreg $0xFFFFFFFF  }
0xa7: {  	s28 =	simm.s32 $_size_execute0_lowered;
	s3 =	sadd.s32 s3, s5;
	[dreg:$0x0] =	wrdreg $0x0  }
0xa8: {  	s5 =	sshll.u32 s28, $0x1;
	[dreg:$0x2] =	wrdreg s3  }
0xa9: {  	[dreg:$0x3] =	wrdreg s5  }
0xaa: {  	[dreg:$0x4] =	wrdreg $0xC0  }
0xab: {  	_ =	task [dreg:s7], $0x5FFFF  }
0xac: {  	[dreg:$0x1] =	wrdreg $0xFFFFFFFF  }
0xad: {  	[dreg:$0x0] =	wrdreg $0x60  }
0xae: {  	[dreg:$0x2] =	wrdreg s24  }
0xaf: {  	[dreg:$0x3] =	wrdreg s2  }
0xb0: {  	[dreg:$0x4] =	wrdreg $0x116200  }
0xb1: {  	[dreg:$0x5] =	wrdreg $0x9  }
0xb2: {  	_ =	task.clear_ibuf [dreg:s7], $0x6FFFF;
	_ =	strace $0x90000049  }
0xb3: {  	s29 =	simm.s32 $0x9;
	_ =	strace $0x8000004B  }
0xb4: {  	_ =	swait.ge [sflag:s29], $0x1  }
0xb5: {  	[sflag:s29] =	ssyncadd.s32 $0xFFFFFFFF  }
0xb6: {  	_ =	strace $0x9000004B  }
0xb7: {  	_ =	sfence  }
0xb8: {  	s30 =	sld [smem:$0x0];
	_ =	sdelay $0x2  }
0xb9: {  	s31 =	sshll.u32 s1, $0xD;
	s1 =	sshrl.u32 s1, $0x2  }
0xba: {  	s3 =	sand.u32 $0x4000, s31;
	s1 =	sadd.s32 s1, s30  }
0xbb: {  	s0 =	sor.u32 s3, s0;
	s1 =	sshll.u32 s1, $0x11  }
0xbc: {  	s0 =	sor.u32 s1, s0  }
0xbd: {  	s0 =	sadd.s32 $0x8F2B, s0  }
0xbe: {  	[sflag:s0] =	ssyncadd.remote.s32 $0x1  }
0xbf: {  	_ =	sfence.sel $0xFFFF  }
0xc0: {  	[dreg:$0x0] =	wrdreg $0xFFFFFFFF;
	(pc) =	sbr.abs _section_cstart, $3  }
0xc1: {  	[dreg:$0x1] =	wrdreg $0xFFFFFFFF  }
0xc2: {  	_ =	task.clear_ibuf [dreg:s7], $0x2FFFF;
	_ =	strace $0x9FFFFFFF  }
0xc3: {  	(tm) =	ssettm $0x7FFFFFFF  }
tec
execute0_lowered:
.L_overlay_start_1:
0x0: {  	(tag) =	ssettag $0x1  }
0x1: {  	s7 =	rddreg [dreg:$0x0]  }
0x2: {  	s2 =	rddreg [dreg:$0x1]  }
0x3: {  	s0 =	srdreg.scid;
	s3 =	rddreg [dreg:$0x2]  }
0x4: {  	s4 =	simm.s32 $0x0;
	s14 =	simm.s32 $0x190;
	s15 =	simm.s32 $0x4E20  }
0x5: {  	s18 =	simm.s32 $0xB220;
	s19 =	simm.s32 $0x1;
	s20 =	simm.s32 $0x2  }
0x6: {  	s21 =	simm.s32 $0x4C90;
	s22 =	simm.s32 $0x10;
	s6 =	sand.u32 $0x1, s0  }
0x7: {  	s23 =	simm.s32 $0x8;
	s0 =	stileid.u32;
	s8 =	smul.u32 $0x140000, s6  }
0x8: {  	s24 =	simm.s32 $0x0;
	[smem:$0x7FF] =	sst s4;
	s9 =	smul.u32 $0x14000, s0  }
0x9: {  	s1 =	sshll.u32 s6, $0x4;
	s30 =	ssub.s32 $0x2, s6;
	s12 =	smul.u32 $0x28000, s0  }
0xa: {  	s6 =	sadd.s32 $0x29A00, s7;
	s16 =	sshll.u32 s0, $0x6;
	s1 =	sor.u32 s0, s1  }
0xb: {  	s11 =	sshrl.u32 s30, $0x1;
	s16 =	sor.u32 $0x1C03, s16;
	s5 =	smul.u32 $0x4E2, s1  }
0xc: {  	s1 =	rddreg [dreg:$0x3];
	_ =	strace $0x8000004A;
	s8 =	sadd.s32 s9, s8  }
0xd: {  	s11 =	ssub.s32 s30, s11;
	s31 =	sshrl.u32 s12, $0x2;
	s12 =	simm.s32 $0x3  }
0xe: {  	s8 =	sshrl.u32 s8, $0x3;
	s17 =	sadd.s32 s31, s3;
	s11 =	smax.u32 s11, $0x1  }
0xf: {  	s10 =	sadd.s32 s5, s7;
	s5 =	sadd.s32 $0x16000, s7;
	s13 =	sadd.s32 s8, s7  }
0x10: {  	s17 =	sshrl.u32 s17, $0x3;
	s7 =	sadd.s32 $0x2400, s10;
	s8 =	sadd.s32 $0xC200, s10  }
0x11: {  	s9 =	sadd.s32 $0x2AE00, s13;
	s10 =	sadd.s32 $0x2AE08, s13;
	s13 =	simm.s32 $0x2710  }
.LBB2_1:
0x12: {  	[tilespmem:s4], [sflag:$0x3] =	stream.linear.gather [hbm4b:s7+s4], $0x2710, $0x38;
	[tilespmem:$0x1B620] =	vst v63  }
0x13: {  	_ =	swait.ge [sflag:s12], $0x2710  }
0x14: {  	[sflag:s12] =	ssyncset.done $0x0  }
0x15: {  	[sflag:s12] =	ssyncadd.s32 $0xFFFFD8F0  }
0x16: {  	[tilespmem:s13], [sflag:$0x3] =	stream.linear.gather [hbm4b:s8+s4], $0x2710, $0x38;
	[tilespmem:$0x1B620] =	vst v63  }
0x17: {  	_ =	swait.ge [sflag:s12], $0x2710  }
0x18: {  	[sflag:s12] =	ssyncset.done $0x0  }
0x19: {  	[sflag:s12] =	ssyncadd.s32 $0xFFFFD8F0  }
0x1a: {  	[tilespmem:s15], [sflag:$0x1] =	stream.indirect.gather [hbm4b:s2+s14], $0x40, s4, s14, $0xb8;
	[tilespmem:$0x1B620] =	vst v63  }
0x1b: {  	[spmem:s17], [sflag:s16] =	dma.local [hbm:s6], $0x1400  }
0x1c: {  	_ =	swait.ge [sflag:s12], $0x1400  }
0x1d: {  	[sflag:s12] =	ssyncset.done $0x0  }
0x1e: {  	[sflag:s12] =	ssyncadd.s32 $0xFFFFEC00  }
0x1f: {  	s25 =	simm.s32 $0x190;
	[bflag:$0x0] =	sbarrier.arrive $0xFFFF  }
0x20: {  	[tilespmem:s18], [sflag:$0x2] =	stream.indirect.gather [hbm4b:s2+s14], $0x40, s25, s14, $0xb8;
	[tilespmem:$0x1B620] =	vst v63  }
0x21: {  	_ =	swait.ge [sflag:s19], $0x6400  }
0x22: {  	[sflag:s19] =	ssyncset.done $0x0  }
0x23: {  	s29 =	simm.s32 $0x2710;
	[sflag:s19] =	ssyncadd.s32 $0xFFFF9C00  }
0x24: {  	[spmem:s3] =	stream.indirect.scatter.add.f32 [tilespmem:s15], [sflag:$0x3], $0x40, s29, s14, $0xb8;
	[tilespmem:$0x1B620] =	vst v63  }
0x25: {  	_ =	swait.ge [sflag:s12], $0x6400  }
0x26: {  	[sflag:s12] =	ssyncset.done $0x0  }
0x27: {  	s30 =	simm.s32 $0x320;
	[sflag:s12] =	ssyncadd.s32 $0xFFFF9C00  }
0x28: {  	[tilespmem:s15], [sflag:$0x1] =	stream.indirect.gather [hbm4b:s2+s14], $0x40, s30, s14, $0xb8;
	[tilespmem:$0x1B620] =	vst v63  }
0x29: {  	_ =	swait.ge [sflag:s20], $0x6400  }
0x2a: {  	[sflag:s20] =	ssyncset.done $0x0  }
0x2b: {  	s31 =	simm.s32 $0x28A0;
	[sflag:s20] =	ssyncadd.s32 $0xFFFF9C00  }
0x2c: {  	[spmem:s3] =	stream.indirect.scatter.add.f32 [tilespmem:s18], [sflag:$0x3], $0x40, s31, s14, $0xb8;
	[tilespmem:$0x1B620] =	vst v63  }
0x2d: {  	_ =	swait.ge [sflag:s12], $0x6400  }
0x2e: {  	s26 =	simm.s32 $0x1900;
	s25 =	simm.s32 $0x320;
	[sflag:s12] =	ssyncset.done $0x0  }
.LBB2_2:
0x2f: {  	s28 =	sadd.s32 $0x190, s25  }
0x30: {  	[sflag:s12] =	ssyncadd.s32 $0xFFFF9C00;
	s29 =	smov.u32 s26;
	s30 =	sadd.s32 $0xC80, s26  }
0x31: {  	[tilespmem:s18], [sflag:$0x2] =	stream.indirect.gather [hbm4b:s2+s14], $0x40, s28, s14, $0xb8;
	[tilespmem:$0x1B620] =	vst v63  }
0x32: {  	p0 =	sne.s32 s26, $0x8980;
	_ =	swait.ge [sflag:s19], $0x6400  }
0x33: {  	[sflag:s19] =	ssyncset.done $0x0  }
0x34: {  	s26 =	sadd.s32 $0x2710, s25;
	[sflag:s19] =	ssyncadd.s32 $0xFFFF9C00  }
0x35: {  	[spmem:s3] =	stream.indirect.scatter.add.f32 [tilespmem:s15], [sflag:$0x3], $0x40, s26, s14, $0xb8;
	[tilespmem:$0x1B620] =	vst v63  }
0x36: {  	_ =	swait.ge [sflag:s12], $0x6400  }
0x37: {  	[sflag:s12] =	ssyncset.done $0x0  }
0x38: {  	s26 =	sadd.s32 $0x320, s25;
	[sflag:s12] =	ssyncadd.s32 $0xFFFF9C00  }
0x39: {  	[tilespmem:s15], [sflag:$0x1] =	stream.indirect.gather [hbm4b:s2+s14], $0x40, s26, s14, $0xb8;
	[tilespmem:$0x1B620] =	vst v63  }
0x3a: {  	_ =	swait.ge [sflag:s20], $0x6400  }
.Ltmp0:
0x3b: {  	[sflag:s20] =	ssyncset.done $0x0;
	(pc) =	sbr.rel @p0 .LBB2_2-.Ltmp0, $4  }
0x3c: {  	s25 =	sadd.s32 $0x28A0, s25;
	[sflag:s20] =	ssyncadd.s32 $0xFFFF9C00  }
0x3d: {  	[spmem:s3] =	stream.indirect.scatter.add.f32 [tilespmem:s18], [sflag:$0x3], $0x40, s25, s14, $0xb8;
	[tilespmem:$0x1B620] =	vst v63  }
0x3e: {  	_ =	swait.ge [sflag:s12], $0x6400  }
0x3f: {  	s26 =	smov.u32 s30;
	s25 =	sshra.s32 s29, $0x2;
	[sflag:s12] =	ssyncset.done $0x0  }
0x40: {  	s26 =	sadd.s32 $0x190, s25;
	[sflag:s12] =	ssyncadd.s32 $0xFFFF9C00  }
0x41: {  	[tilespmem:s18], [sflag:$0x2] =	stream.indirect.gather [hbm4b:s2+s14], $0x40, s26, s14, $0xb8;
	[tilespmem:$0x1B620] =	vst v63  }
0x42: {  	_ =	swait.ge [sflag:s19], $0x6400  }
0x43: {  	[sflag:s19] =	ssyncset.done $0x0  }
0x44: {  	s29 =	sadd.s32 $0x2710, s25;
	[sflag:s19] =	ssyncadd.s32 $0xFFFF9C00  }
0x45: {  	[spmem:s3] =	stream.indirect.scatter.add.f32 [tilespmem:s15], [sflag:$0x3], $0x40, s29, s14, $0xb8;
	[tilespmem:$0x1B620] =	vst v63  }
0x46: {  	_ =	swait.ge [sflag:s12], $0x6400  }
0x47: {  	[sflag:s12] =	ssyncset.done $0x0  }
0x48: {  	s30 =	sadd.s32 $0x320, s25;
	[sflag:s12] =	ssyncadd.s32 $0xFFFF9C00  }
0x49: {  	[tilespmem:s15], [sflag:$0x1] =	stream.indirect.gather [hbm4b:s2+s14], $0x40, s30, s14, $0xb8;
	[tilespmem:$0x1B620] =	vst v63  }
0x4a: {  	_ =	swait.ge [sflag:s20], $0x6400  }
0x4b: {  	[sflag:s20] =	ssyncset.done $0x0  }
0x4c: {  	s31 =	sadd.s32 $0x28A0, s25;
	[sflag:s20] =	ssyncadd.s32 $0xFFFF9C00  }
0x4d: {  	[spmem:s3] =	stream.indirect.scatter.add.f32 [tilespmem:s18], [sflag:$0x3], $0x40, s31, s14, $0xb8;
	[tilespmem:$0x1B620] =	vst v63  }
0x4e: {  	_ =	swait.ge [sflag:s12], $0x6400  }
0x4f: {  	[sflag:s12] =	ssyncset.done $0x0  }
0x50: {  	[sflag:s12] =	ssyncadd.s32 $0xFFFF9C00  }
0x51: {  	_ =	swait.ge [sflag:s19], $0x6400  }
0x52: {  	[sflag:s19] =	ssyncset.done $0x0  }
0x53: {  	[sflag:s19] =	ssyncadd.s32 $0xFFFF9C00  }
0x54: {  	[spmem:s3] =	stream.indirect.scatter.add.f32 [tilespmem:s15], [sflag:$0x3], $0x40, s21, s14, $0xb8;
	[tilespmem:$0x1B620] =	vst v63  }
0x55: {  	_ =	swait.ge [sflag:s12], $0x6400  }
0x56: {  	[sflag:s12] =	ssyncset.done $0x0  }
0x57: {  	[sflag:s12] =	ssyncadd.s32 $0xFFFF9C00  }
0x58: {  	[bflag:$0x0] =	sbarrier.arrive $0xFFFF  }
0x59: {  	[hbm:s9@s22], [sflag:s16] =	dma.strided [spmem:s17@s23], $0x1400, s19, $0x8   }
0x5a: {  	_ =	swait.ge [sflag:s12], $0x1400  }
0x5b: {  	[sflag:s12] =	ssyncset.done $0x0  }
0x5c: {  	[sflag:s12] =	ssyncadd.s32 $0xFFFFEC00  }
0x5d: {  	s26 =	simm.s32 $0x0;
	[bflag:$0x0] =	sbarrier.arrive $0xFFFF  }
0x5e: {  	[tilespmem:s15], [sflag:$0x1] =	stream.indirect.gather [hbm4b:s5+s14], $0x40, s26, s14, $0xb8;
	[tilespmem:$0x1B620] =	vst v63  }
0x5f: {  	[spmem:s17], [sflag:s16] =	dma.local [hbm:s6], $0x1400  }
0x60: {  	_ =	swait.ge [sflag:s12], $0x1400  }
0x61: {  	[sflag:s12] =	ssyncset.done $0x0  }
0x62: {  	[sflag:s12] =	ssyncadd.s32 $0xFFFFEC00  }
0x63: {  	s28 =	simm.s32 $0x190;
	[bflag:$0x0] =	sbarrier.arrive $0xFFFF  }
0x64: {  	[tilespmem:s18], [sflag:$0x2] =	stream.indirect.gather [hbm4b:s5+s14], $0x40, s28, s14, $0xb8;
	[tilespmem:$0x1B620] =	vst v63  }
0x65: {  	_ =	swait.ge [sflag:s19], $0x6400  }
0x66: {  	[sflag:s19] =	ssyncset.done $0x0  }
0x67: {  	s29 =	simm.s32 $0x2710;
	[sflag:s19] =	ssyncadd.s32 $0xFFFF9C00  }
0x68: {  	[spmem:s3] =	stream.indirect.scatter.add.f32 [tilespmem:s15], [sflag:$0x3], $0x40, s29, s14, $0xb8;
	[tilespmem:$0x1B620] =	vst v63  }
0x69: {  	_ =	swait.ge [sflag:s12], $0x6400  }
0x6a: {  	[sflag:s12] =	ssyncset.done $0x0  }
0x6b: {  	s30 =	simm.s32 $0x320;
	[sflag:s12] =	ssyncadd.s32 $0xFFFF9C00  }
0x6c: {  	[tilespmem:s15], [sflag:$0x1] =	stream.indirect.gather [hbm4b:s5+s14], $0x40, s30, s14, $0xb8;
	[tilespmem:$0x1B620] =	vst v63  }
0x6d: {  	_ =	swait.ge [sflag:s20], $0x6400  }
0x6e: {  	[sflag:s20] =	ssyncset.done $0x0  }
0x6f: {  	s31 =	simm.s32 $0x28A0;
	[sflag:s20] =	ssyncadd.s32 $0xFFFF9C00  }
0x70: {  	[spmem:s3] =	stream.indirect.scatter.add.f32 [tilespmem:s18], [sflag:$0x3], $0x40, s31, s14, $0xb8;
	[tilespmem:$0x1B620] =	vst v63  }
0x71: {  	_ =	swait.ge [sflag:s12], $0x6400  }
0x72: {  	s25 =	simm.s32 $0x320;
	s26 =	simm.s32 $0x1900;
	[sflag:s12] =	ssyncset.done $0x0  }
.LBB2_4:
0x73: {  	s28 =	sadd.s32 $0x190, s25  }
0x74: {  	[sflag:s12] =	ssyncadd.s32 $0xFFFF9C00;
	s29 =	smov.u32 s26;
	s30 =	sadd.s32 $0xC80, s26  }
0x75: {  	[tilespmem:s18], [sflag:$0x2] =	stream.indirect.gather [hbm4b:s5+s14], $0x40, s28, s14, $0xb8;
	[tilespmem:$0x1B620] =	vst v63  }
0x76: {  	p0 =	sne.s32 s26, $0x8980;
	_ =	swait.ge [sflag:s19], $0x6400  }
0x77: {  	[sflag:s19] =	ssyncset.done $0x0  }
0x78: {  	s26 =	sadd.s32 $0x2710, s25;
	[sflag:s19] =	ssyncadd.s32 $0xFFFF9C00  }
0x79: {  	[spmem:s3] =	stream.indirect.scatter.add.f32 [tilespmem:s15], [sflag:$0x3], $0x40, s26, s14, $0xb8;
	[tilespmem:$0x1B620] =	vst v63  }
0x7a: {  	_ =	swait.ge [sflag:s12], $0x6400  }
0x7b: {  	[sflag:s12] =	ssyncset.done $0x0  }
0x7c: {  	s26 =	sadd.s32 $0x320, s25;
	[sflag:s12] =	ssyncadd.s32 $0xFFFF9C00  }
0x7d: {  	[tilespmem:s15], [sflag:$0x1] =	stream.indirect.gather [hbm4b:s5+s14], $0x40, s26, s14, $0xb8;
	[tilespmem:$0x1B620] =	vst v63  }
0x7e: {  	_ =	swait.ge [sflag:s20], $0x6400  }
.Ltmp1:
0x7f: {  	[sflag:s20] =	ssyncset.done $0x0;
	(pc) =	sbr.rel @p0 .LBB2_4-.Ltmp1, $4  }
0x80: {  	s25 =	sadd.s32 $0x28A0, s25;
	[sflag:s20] =	ssyncadd.s32 $0xFFFF9C00  }
0x81: {  	[spmem:s3] =	stream.indirect.scatter.add.f32 [tilespmem:s18], [sflag:$0x3], $0x40, s25, s14, $0xb8;
	[tilespmem:$0x1B620] =	vst v63  }
0x82: {  	_ =	swait.ge [sflag:s12], $0x6400  }
0x83: {  	s26 =	smov.u32 s30;
	s25 =	sshra.s32 s29, $0x2;
	[sflag:s12] =	ssyncset.done $0x0  }
0x84: {  	s26 =	sadd.s32 $0x190, s25;
	[sflag:s12] =	ssyncadd.s32 $0xFFFF9C00  }
0x85: {  	[tilespmem:s18], [sflag:$0x2] =	stream.indirect.gather [hbm4b:s5+s14], $0x40, s26, s14, $0xb8;
	[tilespmem:$0x1B620] =	vst v63  }
0x86: {  	_ =	swait.ge [sflag:s19], $0x6400  }
0x87: {  	[sflag:s19] =	ssyncset.done $0x0  }
0x88: {  	s29 =	sadd.s32 $0x2710, s25;
	[sflag:s19] =	ssyncadd.s32 $0xFFFF9C00  }
0x89: {  	[spmem:s3] =	stream.indirect.scatter.add.f32 [tilespmem:s15], [sflag:$0x3], $0x40, s29, s14, $0xb8;
	[tilespmem:$0x1B620] =	vst v63  }
0x8a: {  	_ =	swait.ge [sflag:s12], $0x6400  }
0x8b: {  	[sflag:s12] =	ssyncset.done $0x0  }
0x8c: {  	s30 =	sadd.s32 $0x320, s25;
	[sflag:s12] =	ssyncadd.s32 $0xFFFF9C00  }
0x8d: {  	[tilespmem:s15], [sflag:$0x1] =	stream.indirect.gather [hbm4b:s5+s14], $0x40, s30, s14, $0xb8;
	[tilespmem:$0x1B620] =	vst v63  }
0x8e: {  	_ =	swait.ge [sflag:s20], $0x6400  }
0x8f: {  	[sflag:s20] =	ssyncset.done $0x0  }
0x90: {  	s31 =	sadd.s32 $0x28A0, s25;
	[sflag:s20] =	ssyncadd.s32 $0xFFFF9C00  }
0x91: {  	[spmem:s3] =	stream.indirect.scatter.add.f32 [tilespmem:s18], [sflag:$0x3], $0x40, s31, s14, $0xb8;
	[tilespmem:$0x1B620] =	vst v63  }
0x92: {  	_ =	swait.ge [sflag:s12], $0x6400  }
0x93: {  	[sflag:s12] =	ssyncset.done $0x0  }
0x94: {  	[sflag:s12] =	ssyncadd.s32 $0xFFFF9C00  }
0x95: {  	_ =	swait.ge [sflag:s19], $0x6400  }
0x96: {  	[sflag:s19] =	ssyncset.done $0x0  }
0x97: {  	[sflag:s19] =	ssyncadd.s32 $0xFFFF9C00  }
0x98: {  	[spmem:s3] =	stream.indirect.scatter.add.f32 [tilespmem:s15], [sflag:$0x3], $0x40, s21, s14, $0xb8;
	[tilespmem:$0x1B620] =	vst v63  }
0x99: {  	_ =	swait.ge [sflag:s12], $0x6400  }
0x9a: {  	s24 =	sadd.s32 $0x1, s24;
	[sflag:s12] =	ssyncset.done $0x0  }
0x9b: {  	p0 =	sne.s32 s24, s11;
	[sflag:s12] =	ssyncadd.s32 $0xFFFF9C00  }
.Ltmp2:
0x9c: {  	[bflag:$0x0] =	sbarrier.arrive $0xFFFF;
	(pc) =	sbr.rel @p0 .LBB2_1-.Ltmp2, $4  }
0x9d: {  	[hbm:s10@s22], [sflag:s16] =	dma.strided [spmem:s17@s23], $0x1400, s19, $0x8   }
0x9e: {  	_ =	swait.ge [sflag:s12], $0x1400  }
0x9f: {  	[sflag:s12] =	ssyncset.done $0x0  }
0xa0: {  	[sflag:s12] =	ssyncadd.s32 $0xFFFFEC00  }
0xa1: {  	_ =	sfence.sel $0x180000  }
0xa2: {  	[bflag:$0x0] =	sbarrier.arrive $0xFFFF  }
0xa3: {  	p0 =	sne.s32 s0, $0x0;
	_ =	strace $0x9000004A  }
0xa4: {  	s0 =	sadd.s32 @!p0 $0x100000, s1;
	[bflag:$0x2] =	sbarrier.arrive $0xFFFF  }
0xa5: {  	[sflag:s0] =	ssyncadd.tile.s32 @!p0 $0x1;
	_ =	shalt  }
.Lfunc_end2:
_tile_overlayer_lowered:
.L_overlay_start_2:
0xa6: {  	(tag) =	ssettag $0x2  }
0xa7: {  	s0 =	rddreg [dreg:$0x0];
	s2 =	stileid.u32  }
0xa8: {  	s1 =	rddreg [dreg:$0x1];
	p0 =	sne.s32 s2, $0x0  }
0xa9: {  	s3 =	rddreg [dreg:$0x2];
	[bflag:$0x3] =	sbarrier.arrive $0xFFFF;
	s2 =	simm.s32 @!p0 $0x1C03  }
0xaa: {  	[timem:s3], [sflag:s2] =	dma.local @!p0 [hbm:s0], s1  }
0xab: {  	s0 =	simm.s32 @!p0 $0x3  }
0xac: {  	_ =	swait.ge @!p0 [sflag:s0], s1  }
0xad: {  	s1 =	ssub.s32 @!p0 $0x0, s1;
	[sflag:s0] =	ssyncset.done @!p0 $0x0  }
0xae: {  	[sflag:s0] =	ssyncadd.s32 @!p0 s1  }
0xaf: {  	[bflag:$0x3] =	sbarrier.arrive $0xFFFF  }
0xb0: {  	_ =	shalt  }

// kernel: kernel.18.cloned.1.call-start
scs
__scs_entry_jumppad:
0x0: {  	(pc) =	sbr.rel $0x88, $3  }
0x1: {  	(tag) =	ssettag $0x0;
	lr =	simm.s32 $0x1  }
0x2: {  	[smem:$0x3F97] =	sst lr;
	_ =	strace $0xD0000000  }
0x3: {  	_ = 	snop  }
0x4: {  	_ = 	snop  }
0x5: {  	_ = 	snop  }
0x6: {  	_ = 	snop  }
0x7: {  	_ = 	snop  }
__scs_overlays_trampoline_lowered:
0x8: {  	[smem:$0x3FA6] =	sst s0  }
0x9: {  	[smem:$0x3FA7] =	sst s1  }
0xa: {  	[smem:$0x3FA8] =	sst s2  }
0xb: {  	[smem:$0x3FA9] =	sst s3  }
0xc: {  	[smem:$0x3FAA] =	sst s4  }
0xd: {  	[smem:$0x3FAB] =	sst s5  }
0xe: {  	[smem:$0x3FAC] =	sst s6  }
0xf: {  	[smem:$0x3FAD] =	sst s7  }
0x10: {  	[smem:$0x3FAE] =	sst s8  }
0x11: {  	[smem:$0x3FAF] =	sst s9;
	s0 =	simm.s32 @!p0 $0x0  }
0x12: {  	s1 =	sld [smem:$0x3F95];
	s0 =	simm.s32 @p0 $0x1  }
0x13: {  	[smem:$0x3FB0] =	sst s0;
	s0 =	simm.s32 @!p1 $0x0  }
0x14: {  	s2 =	sld [smem:$0x3F94];
	s0 =	simm.s32 @p1 $0x1  }
0x15: {  	[smem:$0x3FB1] =	sst s0;
	s0 =	simm.s32 @!p2 $0x0  }
0x16: {  	s3 =	sld [smem:$0x3FDB];
	s0 =	simm.s32 @p2 $0x1  }
0x17: {  	s4 =	simm.s32 $0x1BF5;
	[smem:$0x3FB3] =	sst s0  }
0x18: {  	s0 =	sld [smem:$0x3F96];
	_ =	swait.ge [sflag:s4], $0x0  }
0x19: {  	s7 =	sld [smem:$0x3F97]  }
0x1a: {  	s8 =	sadd.s32 $0xFFFFE003, lr  }
0x1b: {  	s9 =	sadd.s32 $0xFFFFFEF7, lr;
	s5 =	simm.s32 $0xFFFFFFFF;
	p2 =	slt.u32 s8, $0xFFFFF086  }
0x1c: {  	p1 =	slt.u32 s9, $0xF7A;
	s5 =	simm.s32 @!p2 $0x0  }
0x1d: {  	s5 =	simm.s32 @p1 $0x1;
	p0 =	seq.s32 s7, s2  }
0x1e: {  	s7 =	smul.u32 @!p0 $0xF7A, s2;
	p2 =	seq.s32 @!p0 s5, $0x0  }
0x1f: {  	s9 =	smul.u32 $0xF7A, s1;
	s8 =	simm.s32 @!p0 $0x1BF5;
	p2 =	por !p2, p0  }
0x20: {  	[sflag:s8] =	ssyncset.s32 @!p0 $0xFFFFF086;
	s6 =	sadd.s32 @!p0 s3, s7;
	s7 =	simm.s32 @!p0 $0x108  }
0x21: {  	s3 =	sadd.s32 s3, s9;
	s6 =	sadd.s32 @!p0 $0x88, s6;
	s7 =	simm.s32 @p2 $0x1082  }
0x22: {  	[simem:s7], [sflag:s8] =	dma.local @!p0 [hbm:s6], $0xF7A  }
0x23: {  	s9 =	sor.u32 $0xD0000000, s2;
	s6 =	simm.s32 $0x108;
	_ =	swait.ge @!p0 [sflag:s8], $0x0  }
0x24: {  	s3 =	sadd.s32 $0x88, s3;
	s6 =	simm.s32 @!p1 $0x1082;
	[sflag:s4] =	ssyncset.s32 $0xFFFFF086  }
0x25: {  	[simem:s6], [sflag:s4] =	dma.local [hbm:s3], $0xF7A  }
0x26: {  	[smem:$0x3F97] =	sst s1;
	(tag) =	ssettag s2;
	_ =	strace s9  }
0x27: {  	s1 =	sld [smem:$0x3FA7]  }
0x28: {  	s2 =	sld [smem:$0x3FA8]  }
0x29: {  	s4 =	sld [smem:$0x3FAA]  }
0x2a: {  	p0 =	seq.s32 s5, $0x0;
	s5 =	sld [smem:$0x3FAB]  }
0x2b: {  	s6 =	sld [smem:$0x3FAC]  }
0x2c: {  	s7 =	sld [smem:$0x3FAD]  }
0x2d: {  	s3 =	simm.s32 $0x108;
	s8 =	sld [smem:$0x3FAE]  }
0x2e: {  	s3 =	simm.s32 @!p0 $0x1082;
	s9 =	sld [smem:$0x3FAF]  }
0x2f: {  	lr =	sadd.s32 s0, s3;
	s0 =	sld [smem:$0x3FA6]  }
0x30: {  	s3 =	sld [smem:$0x3FA9]  }
0x31: {  	[smem:$0x3FB2] =	sst s10  }
0x32: {  	s10 =	sld [smem:$0x3FB0];
	_ =	sdelay $0x3  }
0x33: {  	p0 =	seq.s32 s10, $0x1;
	s10 =	sld [smem:$0x3FB2];
	_ =	sdelay $0x3  }
0x34: {  	[smem:$0x3FB2] =	sst s10  }
0x35: {  	s10 =	sld [smem:$0x3FB1];
	_ =	sdelay $0x3  }
0x36: {  	p1 =	seq.s32 s10, $0x1;
	s10 =	sld [smem:$0x3FB2];
	_ =	sdelay $0x3  }
0x37: {  	[smem:$0x3FB2] =	sst s10  }
0x38: {  	s10 =	sld [smem:$0x3FB3]  }
0x39: {  	_ = 	snop;
	(pc) =	sbr.ind lr, $3  }
0x3a: {  	_ = 	snop  }
0x3b: {  	_ = 	snop  }
0x3c: {  	p2 =	seq.s32 s10, $0x1;
	s10 =	sld [smem:$0x3FB2]  }
0x3d: {  	_ =	shalt  }
0x3e: {  	_ =	shalt  }
0x3f: {  	_ =	shalt  }
0x40: {  	_ =	shalt  }
0x41: {  	_ =	shalt  }
0x42: {  	_ =	shalt  }
0x43: {  	_ =	shalt  }
0x44: {  	_ =	shalt  }
0x45: {  	_ =	shalt  }
0x46: {  	_ =	shalt  }
0x47: {  	_ =	shalt  }
0x48: {  	_ =	shalt  }
0x49: {  	_ =	shalt  }
0x4a: {  	_ =	shalt  }
0x4b: {  	_ =	shalt  }
0x4c: {  	_ =	shalt  }
0x4d: {  	_ =	shalt  }
0x4e: {  	_ =	shalt  }
0x4f: {  	_ =	shalt  }
0x50: {  	_ =	shalt  }
0x51: {  	_ =	shalt  }
0x52: {  	_ =	shalt  }
0x53: {  	_ =	shalt  }
0x54: {  	_ =	shalt  }
0x55: {  	_ =	shalt  }
0x56: {  	_ =	shalt  }
0x57: {  	_ =	shalt  }
0x58: {  	_ =	shalt  }
0x59: {  	_ =	shalt  }
0x5a: {  	_ =	shalt  }
0x5b: {  	_ =	shalt  }
0x5c: {  	_ =	shalt  }
0x5d: {  	_ =	shalt  }
0x5e: {  	_ =	shalt  }
0x5f: {  	_ =	shalt  }
0x60: {  	_ =	shalt  }
0x61: {  	_ =	shalt  }
0x62: {  	_ =	shalt  }
0x63: {  	_ =	shalt  }
0x64: {  	_ =	shalt  }
0x65: {  	_ =	shalt  }
0x66: {  	_ =	shalt  }
0x67: {  	_ =	shalt  }
0x68: {  	_ =	shalt  }
0x69: {  	_ =	shalt  }
0x6a: {  	_ =	shalt  }
0x6b: {  	_ =	shalt  }
0x6c: {  	_ =	shalt  }
0x6d: {  	_ =	shalt  }
0x6e: {  	_ =	shalt  }
0x6f: {  	_ =	shalt  }
0x70: {  	_ =	shalt  }
0x71: {  	_ =	shalt  }
0x72: {  	_ =	shalt  }
0x73: {  	_ =	shalt  }
0x74: {  	_ =	shalt  }
0x75: {  	_ =	shalt  }
0x76: {  	_ =	shalt  }
0x77: {  	_ =	shalt  }
0x78: {  	_ =	shalt  }
0x79: {  	_ =	shalt  }
0x7a: {  	_ =	shalt  }
0x7b: {  	_ =	shalt  }
0x7c: {  	_ =	shalt  }
0x7d: {  	_ =	shalt  }
0x7e: {  	_ =	shalt  }
0x7f: {  	_ =	shalt  }
0x80: {  	_ =	shalt  }
0x81: {  	_ =	shalt  }
0x82: {  	_ =	shalt  }
0x83: {  	_ =	shalt  }
0x84: {  	_ =	shalt  }
0x85: {  	_ =	shalt  }
0x86: {  	_ =	shalt  }
0x87: {  	_ =	shalt  }
.Lfunc_end0:
.L_simem_size_0:
called_computation.2_lowered:
.L_overlay_start_0:
0x88: {  	s2 =	sld [smem:$0x3FD9]  }
0x89: {  	s3 =	sld [smem:$0x3FFE];
	_ =	sdelay $0x1  }
0x8a: {  	s1 =	srdreg.scid  }
0x8b: {  	s0 =	sand.u32 $0x1, s1  }
0x8c: {  	s17 =	sshll.u32 s0, $0xA;
	s2 =	sadd.s32 s3, s2  }
0x8d: {  	s2 =	sadd.s32 s2, s17  }
0x8e: {  	[smem:$0x3FBE] =	sst s2  }
0x8f: {  	_ = 	snop  }
0x90: {  	s2 =	sld [smem:$0x3FD0];
	(tm) =	ssettm $0x1  }
0x91: {  	s18 =	sld [smem:$0x3FFB];
	_ =	sdelay $0x3  }
0x92: {  	_ =	strace s18  }
0x93: {  	s3 =	sld [smem:$0x3FFC];
	_ =	sdelay $0x3  }
0x94: {  	_ =	strace s3  }
0x95: {  	s3 =	sld [smem:$0x3FFD];
	_ =	sdelay $0x3  }
0x96: {  	_ =	strace s3  }
0x97: {  	_ =	strace $0x8FFFFFFF  }
0x98: {  	s19 =	sld [smem:$0x3FDB];
	_ =	sdelay $0x1  }
0x99: {  	s4 =	simm.s32 $_scs_section_size  }
0x9a: {  	s5 =	simm.s32 $_size__tile_overlayer_lowered;
	s6 =	simm.s32 $_tile_overlayer_lowered  }
0x9b: {  	s22 =	simm.s32 $0x1BFF;
	s21 =	sshll.u32 s6, $0x1;
	s3 =	sadd.s32 s4, s19  }
0x9c: {  	s7 =	simm.s32 $0x0;
	s20 =	sshll.u32 s5, $0x1;
	s5 =	sadd.s32 s21, s3  }
0x9d: {  	[timem:s7], [sflag:s22] =	dma.local [hbm:s5], s20  }
0x9e: {  	_ =	swait.ge [sflag:s22], s20  }
0x9f: {  	s4 =	ssub.s32 $0x0, s20;
	[sflag:s22] =	ssyncset.done $0x0  }
0xa0: {  	[sflag:s22] =	ssyncadd.s32 s4;
	_ =	sdelay $0x1  }
0xa1: {  	s23 =	simm.s32 $0x1B8B  }
0xa2: {  	_ =	swait.ge [sflag:s23], $0x1  }
0xa3: {  	[sflag:s23] =	ssyncset.done $0x0  }
0xa4: {  	s25 =	simm.s32 $0x1B8E;
	s24 =	sld [smem:$0x3FFE];
	[sflag:s23] =	ssyncadd.s32 $0xFFFFFFFF  }
0xa5: {  	s26 =	simm.s32 $execute0_lowered;
	[smem:$0x3FD2] =	sst s25  }
0xa6: {  	s5 =	sshll.u32 s26, $0x1;
	_ =	strace $0x8000004C;
	[dreg:$0x1] =	wrdreg $0xFFFFFFFF  }
0xa7: {  	s28 =	simm.s32 $_size_execute0_lowered;
	s3 =	sadd.s32 s3, s5;
	[dreg:$0x0] =	wrdreg $0x0  }
0xa8: {  	s5 =	sshll.u32 s28, $0x1;
	[dreg:$0x2] =	wrdreg s3  }
0xa9: {  	[dreg:$0x3] =	wrdreg s5  }
0xaa: {  	[dreg:$0x4] =	wrdreg $0xC0  }
0xab: {  	_ =	task [dreg:s7], $0x5FFFF  }
0xac: {  	[dreg:$0x1] =	wrdreg $0xFFFFFFFF  }
0xad: {  	[dreg:$0x0] =	wrdreg $0x60  }
0xae: {  	[dreg:$0x2] =	wrdreg s24  }
0xaf: {  	[dreg:$0x3] =	wrdreg s2  }
0xb0: {  	[dreg:$0x4] =	wrdreg $0x148200  }
0xb1: {  	[dreg:$0x5] =	wrdreg $0x9  }
0xb2: {  	_ =	task.clear_ibuf [dreg:s7], $0x6FFFF;
	_ =	strace $0x9000004C  }
0xb3: {  	s29 =	simm.s32 $0x9;
	_ =	strace $0x8000004E  }
0xb4: {  	_ =	swait.ge [sflag:s29], $0x1  }
0xb5: {  	[sflag:s29] =	ssyncadd.s32 $0xFFFFFFFF  }
0xb6: {  	_ =	strace $0x9000004E  }
0xb7: {  	_ =	sfence  }
0xb8: {  	s30 =	sld [smem:$0x0];
	_ =	sdelay $0x2  }
0xb9: {  	s31 =	sshll.u32 s1, $0xD;
	s1 =	sshrl.u32 s1, $0x2  }
0xba: {  	s3 =	sand.u32 $0x4000, s31;
	s1 =	sadd.s32 s1, s30  }
0xbb: {  	s0 =	sor.u32 s3, s0;
	s1 =	sshll.u32 s1, $0x11  }
0xbc: {  	s0 =	sor.u32 s1, s0  }
0xbd: {  	s0 =	sadd.s32 $0x8F2B, s0  }
0xbe: {  	[sflag:s0] =	ssyncadd.remote.s32 $0x1  }
0xbf: {  	_ =	sfence.sel $0xFFFF  }
0xc0: {  	[dreg:$0x0] =	wrdreg $0xFFFFFFFF;
	(pc) =	sbr.abs _section_cstart, $3  }
0xc1: {  	[dreg:$0x1] =	wrdreg $0xFFFFFFFF  }
0xc2: {  	_ =	task.clear_ibuf [dreg:s7], $0x2FFFF;
	_ =	strace $0x9FFFFFFF  }
0xc3: {  	(tm) =	ssettm $0x7FFFFFFF  }
tec
execute0_lowered:
.L_overlay_start_1:
0x0: {  	(tag) =	ssettag $0x1  }
0x1: {  	s5 =	rddreg [dreg:$0x0];
	s0 =	srdreg.scid  }
0x2: {  	s4 =	rddreg [dreg:$0x1];
	s1 =	stileid.u32  }
0x3: {  	s2 =	rddreg [dreg:$0x2];
	s0 =	sand.u32 $0x1, s0;
	s7 =	smul.u32 $0x5000, s1  }
0x4: {  	s3 =	simm.s32 $0x0;
	s6 =	sshll.u32 s0, $0x4;
	s9 =	smul.u32 $0x50000, s0  }
0x5: {  	[smem:$0x7FF] =	sst s3;
	s6 =	sor.u32 s1, s6  }
0x6: {  	s8 =	sadd.s32 $0x1FE00, s5;
	s6 =	smul.u32 $0x4E2, s6;
	s23 =	sadd.s32 s7, s9  }
0x7: {  	_ =	strace $0x8000004D;
	[dreg:$0x4] =	wrdreg s8;
	s8 =	sshrl.u32 s23, $0x3  }
0x8: {  	s6 =	sadd.s32 s6, s5;
	s4 =	sadd.s32 s4, s8  }
0x9: {  	s22 =	sadd.s32 $0x2400, s6;
	[dreg:$0x7] =	wrdreg s4  }
0xa: {  	s6 =	sadd.s32 $0xC200, s6;
	[dreg:$0x5] =	wrdreg s22  }
0xb: {  	[dreg:$0x6] =	wrdreg s6  }
0xc: {  	s4 =	simm.s32 $0x3;
	s24 =	rddreg [dreg:$0x5]  }
0xd: {  	[tilespmem:s3], [sflag:$0x3] =	stream.linear.gather [hbm4b:s24+s3], $0x2710, $0x38;
	[tilespmem:$0x19820] =	vst v63  }
0xe: {  	_ =	swait.ge [sflag:s4], $0x2710  }
0xf: {  	s26 =	sshll.u32 s1, $0x6;
	s10 =	sadd.s32 s7, s2;
	[sflag:s4] =	ssyncset.done $0x0  }
0x10: {  	s6 =	simm.s32 $0x2710;
	s25 =	rddreg [dreg:$0x6];
	[sflag:s4] =	ssyncadd.s32 $0xFFFFD8F0  }
0x11: {  	[tilespmem:s6], [sflag:$0x3] =	stream.linear.gather [hbm4b:s25+s3], $0x2710, $0x38;
	[tilespmem:$0x19820] =	vst v63  }
0x12: {  	s7 =	simm.s32 $0x3E8;
	s9 =	sor.u32 $0x1C03, s26;
	_ =	swait.ge [sflag:s4], $0x2710  }
0x13: {  	s10 =	sshrl.u32 s10, $0x3;
	s5 =	sadd.s32 $0x16000, s5;
	[sflag:s4] =	ssyncset.done $0x0  }
0x14: {  	s8 =	simm.s32 $0x4E20;
	s11 =	rddreg [dreg:$0x4];
	[sflag:s4] =	ssyncadd.s32 $0xFFFFD8F0  }
0x15: {  	[tilespmem:s8], [sflag:$0x1] =	stream.indirect.gather [hbm4b:s5+s7], $0x20, s3, s7, $0xb8;
	[tilespmem:$0x19820] =	vst v63  }
0x16: {  	[spmem:s10], [sflag:s9] =	dma.local [hbm:s11], $0xA00  }
0x17: {  	_ =	swait.ge [sflag:s4], $0xA00  }
0x18: {  	[sflag:s4] =	ssyncset.done $0x0  }
0x19: {  	[sflag:s4] =	ssyncadd.s32 $0xFFFFF600  }
0x1a: {  	s12 =	simm.s32 $0x1;
	s11 =	simm.s32 $0xCB20;
	[bflag:$0x0] =	sbarrier.arrive $0xFFFF  }
0x1b: {  	[tilespmem:s11], [sflag:$0x2] =	stream.indirect.gather [hbm4b:s5+s7], $0x20, s7, s7, $0xb8;
	[tilespmem:$0x19820] =	vst v63  }
0x1c: {  	_ =	swait.ge [sflag:s12], $0x7D00  }
0x1d: {  	[sflag:s12] =	ssyncset.done $0x0  }
0x1e: {  	[sflag:s12] =	ssyncadd.s32 $0xFFFF8300  }
0x1f: {  	[spmem:s2] =	stream.indirect.scatter.add.f32 [tilespmem:s8], [sflag:$0x3], $0x20, s6, s7, $0xb8;
	[tilespmem:$0x19820] =	vst v63  }
0x20: {  	_ =	swait.ge [sflag:s4], $0x7D00  }
0x21: {  	[sflag:s4] =	ssyncset.done $0x0  }
0x22: {  	s13 =	simm.s32 $0x7D0;
	s14 =	simm.s32 $0x2;
	[sflag:s4] =	ssyncadd.s32 $0xFFFF8300  }
0x23: {  	[tilespmem:s8], [sflag:$0x1] =	stream.indirect.gather [hbm4b:s5+s7], $0x20, s13, s7, $0xb8;
	[tilespmem:$0x19820] =	vst v63  }
0x24: {  	_ =	swait.ge [sflag:s14], $0x7D00  }
0x25: {  	[sflag:s14] =	ssyncset.done $0x0  }
0x26: {  	s15 =	simm.s32 $0x2AF8;
	[sflag:s14] =	ssyncadd.s32 $0xFFFF8300  }
0x27: {  	[spmem:s2] =	stream.indirect.scatter.add.f32 [tilespmem:s11], [sflag:$0x3], $0x20, s15, s7, $0xb8;
	[tilespmem:$0x19820] =	vst v63  }
0x28: {  	_ =	swait.ge [sflag:s4], $0x7D00  }
0x29: {  	[sflag:s4] =	ssyncset.done $0x0  }
0x2a: {  	s16 =	simm.s32 $0xBB8;
	[sflag:s4] =	ssyncadd.s32 $0xFFFF8300  }
0x2b: {  	[tilespmem:s11], [sflag:$0x2] =	stream.indirect.gather [hbm4b:s5+s7], $0x20, s16, s7, $0xb8;
	[tilespmem:$0x19820] =	vst v63  }
0x2c: {  	_ =	swait.ge [sflag:s12], $0x7D00  }
0x2d: {  	[sflag:s12] =	ssyncset.done $0x0  }
0x2e: {  	s17 =	simm.s32 $0x2EE0;
	[sflag:s12] =	ssyncadd.s32 $0xFFFF8300  }
0x2f: {  	[spmem:s2] =	stream.indirect.scatter.add.f32 [tilespmem:s8], [sflag:$0x3], $0x20, s17, s7, $0xb8;
	[tilespmem:$0x19820] =	vst v63  }
0x30: {  	_ =	swait.ge [sflag:s4], $0x7D00  }
0x31: {  	[sflag:s4] =	ssyncset.done $0x0  }
0x32: {  	s18 =	simm.s32 $0xFA0;
	[sflag:s4] =	ssyncadd.s32 $0xFFFF8300  }
0x33: {  	[tilespmem:s8], [sflag:$0x1] =	stream.indirect.gather [hbm4b:s5+s7], $0x20, s18, s7, $0xb8;
	[tilespmem:$0x19820] =	vst v63  }
0x34: {  	_ =	swait.ge [sflag:s14], $0x7D00  }
0x35: {  	[sflag:s14] =	ssyncset.done $0x0  }
0x36: {  	s19 =	simm.s32 $0x32C8;
	[sflag:s14] =	ssyncadd.s32 $0xFFFF8300  }
0x37: {  	[spmem:s2] =	stream.indirect.scatter.add.f32 [tilespmem:s11], [sflag:$0x3], $0x20, s19, s7, $0xb8;
	[tilespmem:$0x19820] =	vst v63  }
0x38: {  	_ =	swait.ge [sflag:s4], $0x7D00  }
0x39: {  	[sflag:s4] =	ssyncset.done $0x0  }
0x3a: {  	s20 =	simm.s32 $0x1388;
	[sflag:s4] =	ssyncadd.s32 $0xFFFF8300  }
0x3b: {  	[tilespmem:s11], [sflag:$0x2] =	stream.indirect.gather [hbm4b:s5+s7], $0x20, s20, s7, $0xb8;
	[tilespmem:$0x19820] =	vst v63  }
0x3c: {  	_ =	swait.ge [sflag:s12], $0x7D00  }
0x3d: {  	[sflag:s12] =	ssyncset.done $0x0  }
0x3e: {  	s21 =	simm.s32 $0x36B0;
	[sflag:s12] =	ssyncadd.s32 $0xFFFF8300  }
0x3f: {  	[spmem:s2] =	stream.indirect.scatter.add.f32 [tilespmem:s8], [sflag:$0x3], $0x20, s21, s7, $0xb8;
	[tilespmem:$0x19820] =	vst v63  }
0x40: {  	_ =	swait.ge [sflag:s4], $0x7D00  }
0x41: {  	[sflag:s4] =	ssyncset.done $0x0  }
0x42: {  	s22 =	simm.s32 $0x1770;
	[sflag:s4] =	ssyncadd.s32 $0xFFFF8300  }
0x43: {  	[tilespmem:s8], [sflag:$0x1] =	stream.indirect.gather [hbm4b:s5+s7], $0x20, s22, s7, $0xb8;
	[tilespmem:$0x19820] =	vst v63  }
0x44: {  	_ =	swait.ge [sflag:s14], $0x7D00  }
0x45: {  	[sflag:s14] =	ssyncset.done $0x0  }
0x46: {  	s23 =	simm.s32 $0x3A98;
	[sflag:s14] =	ssyncadd.s32 $0xFFFF8300  }
0x47: {  	[spmem:s2] =	stream.indirect.scatter.add.f32 [tilespmem:s11], [sflag:$0x3], $0x20, s23, s7, $0xb8;
	[tilespmem:$0x19820] =	vst v63  }
0x48: {  	_ =	swait.ge [sflag:s4], $0x7D00  }
0x49: {  	[sflag:s4] =	ssyncset.done $0x0  }
0x4a: {  	s24 =	simm.s32 $0x1B58;
	[sflag:s4] =	ssyncadd.s32 $0xFFFF8300  }
0x4b: {  	[tilespmem:s11], [sflag:$0x2] =	stream.indirect.gather [hbm4b:s5+s7], $0x20, s24, s7, $0xb8;
	[tilespmem:$0x19820] =	vst v63  }
0x4c: {  	_ =	swait.ge [sflag:s12], $0x7D00  }
0x4d: {  	[sflag:s12] =	ssyncset.done $0x0  }
0x4e: {  	s25 =	simm.s32 $0x3E80;
	[sflag:s12] =	ssyncadd.s32 $0xFFFF8300  }
0x4f: {  	[spmem:s2] =	stream.indirect.scatter.add.f32 [tilespmem:s8], [sflag:$0x3], $0x20, s25, s7, $0xb8;
	[tilespmem:$0x19820] =	vst v63  }
0x50: {  	_ =	swait.ge [sflag:s4], $0x7D00  }
0x51: {  	[sflag:s4] =	ssyncset.done $0x0  }
0x52: {  	s26 =	simm.s32 $0x1F40;
	[sflag:s4] =	ssyncadd.s32 $0xFFFF8300  }
0x53: {  	[tilespmem:s8], [sflag:$0x1] =	stream.indirect.gather [hbm4b:s5+s7], $0x20, s26, s7, $0xb8;
	[tilespmem:$0x19820] =	vst v63  }
0x54: {  	_ =	swait.ge [sflag:s14], $0x7D00  }
0x55: {  	[sflag:s14] =	ssyncset.done $0x0  }
0x56: {  	s28 =	simm.s32 $0x4268;
	[sflag:s14] =	ssyncadd.s32 $0xFFFF8300  }
0x57: {  	[spmem:s2] =	stream.indirect.scatter.add.f32 [tilespmem:s11], [sflag:$0x3], $0x20, s28, s7, $0xb8;
	[tilespmem:$0x19820] =	vst v63  }
0x58: {  	_ =	swait.ge [sflag:s4], $0x7D00  }
0x59: {  	[sflag:s4] =	ssyncset.done $0x0  }
0x5a: {  	s29 =	simm.s32 $0x2328;
	[sflag:s4] =	ssyncadd.s32 $0xFFFF8300  }
0x5b: {  	[tilespmem:s11], [sflag:$0x2] =	stream.indirect.gather [hbm4b:s5+s7], $0x20, s29, s7, $0xb8;
	[tilespmem:$0x19820] =	vst v63  }
0x5c: {  	_ =	swait.ge [sflag:s12], $0x7D00  }
0x5d: {  	[sflag:s12] =	ssyncset.done $0x0  }
0x5e: {  	s30 =	simm.s32 $0x4650;
	[sflag:s12] =	ssyncadd.s32 $0xFFFF8300  }
0x5f: {  	[spmem:s2] =	stream.indirect.scatter.add.f32 [tilespmem:s8], [sflag:$0x3], $0x20, s30, s7, $0xb8;
	[tilespmem:$0x19820] =	vst v63  }
0x60: {  	_ =	swait.ge [sflag:s4], $0x7D00  }
0x61: {  	[sflag:s4] =	ssyncset.done $0x0  }
0x62: {  	[sflag:s4] =	ssyncadd.s32 $0xFFFF8300  }
0x63: {  	_ =	swait.ge [sflag:s14], $0x7D00  }
0x64: {  	[sflag:s14] =	ssyncset.done $0x0  }
0x65: {  	s31 =	simm.s32 $0x4A38;
	[sflag:s14] =	ssyncadd.s32 $0xFFFF8300  }
0x66: {  	[spmem:s2] =	stream.indirect.scatter.add.f32 [tilespmem:s11], [sflag:$0x3], $0x20, s31, s7, $0xb8;
	[tilespmem:$0x19820] =	vst v63  }
0x67: {  	_ =	swait.ge [sflag:s4], $0x7D00  }
0x68: {  	[sflag:s4] =	ssyncset.done $0x0  }
0x69: {  	[sflag:s4] =	ssyncadd.s32 $0xFFFF8300  }
0x6a: {  	[bflag:$0x0] =	sbarrier.arrive $0xFFFF  }
0x6b: {  	s0 =	ssub.s32 $0x2, s0;
	s1 =	rddreg [dreg:$0x7]  }
0x6c: {  	[dreg:$0x8] =	wrdreg s1;
	s1 =	sshrl.u32 s0, $0x1  }
0x6d: {  	s0 =	ssub.s32 s0, s1  }
0x6e: {  	s0 =	smax.u32 s0, $0x1  }
0x6f: {  	p0 =	sne.s32 s0, $0x1  }
.Ltmp0:
0x70: {  	_ = 	snop;
	(pc) =	sbr.rel @!p0 .LBB2_2-.Ltmp0, $4  }
0x71: {  	_ = 	snop  }
0x72: {  	s1 =	rddreg [dreg:$0x8]  }
0x73: {  	[hbm:s1], [sflag:s9] =	dma.local [spmem:s10], $0xA00  }
0x74: {  	s0 =	sadd.s32 $0xFFFFFFFF, s0;
	_ =	swait.ge [sflag:s4], $0xA00  }
.LBB2_1:
0x75: {  	[sflag:s4] =	ssyncset.done $0x0  }
0x76: {  	s1 =	rddreg [dreg:$0x5];
	[sflag:s4] =	ssyncadd.s32 $0xFFFFF600  }
0x77: {  	[tilespmem:s3], [sflag:$0x3] =	stream.linear.gather [hbm4b:s1+s3], $0x2710, $0x38;
	[tilespmem:$0x19820] =	vst v63  }
0x78: {  	_ =	swait.ge [sflag:s4], $0x2710  }
0x79: {  	[sflag:s4] =	ssyncset.done $0x0  }
0x7a: {  	s1 =	rddreg [dreg:$0x6];
	[sflag:s4] =	ssyncadd.s32 $0xFFFFD8F0  }
0x7b: {  	[tilespmem:s6], [sflag:$0x3] =	stream.linear.gather [hbm4b:s1+s3], $0x2710, $0x38;
	[tilespmem:$0x19820] =	vst v63  }
0x7c: {  	_ =	swait.ge [sflag:s4], $0x2710  }
0x7d: {  	[sflag:s4] =	ssyncset.done $0x0  }
0x7e: {  	s1 =	rddreg [dreg:$0x4];
	[sflag:s4] =	ssyncadd.s32 $0xFFFFD8F0  }
0x7f: {  	[tilespmem:s8], [sflag:$0x1] =	stream.indirect.gather [hbm4b:s5+s7], $0x20, s3, s7, $0xb8;
	[tilespmem:$0x19820] =	vst v63  }
0x80: {  	[spmem:s10], [sflag:s9] =	dma.local [hbm:s1], $0xA00  }
0x81: {  	_ =	swait.ge [sflag:s4], $0xA00  }
0x82: {  	[sflag:s4] =	ssyncset.done $0x0  }
0x83: {  	[sflag:s4] =	ssyncadd.s32 $0xFFFFF600  }
0x84: {  	[bflag:$0x0] =	sbarrier.arrive $0xFFFF  }
0x85: {  	[tilespmem:s11], [sflag:$0x2] =	stream.indirect.gather [hbm4b:s5+s7], $0x20, s7, s7, $0xb8;
	[tilespmem:$0x19820] =	vst v63  }
0x86: {  	_ =	swait.ge [sflag:s12], $0x7D00  }
0x87: {  	[sflag:s12] =	ssyncset.done $0x0  }
0x88: {  	[sflag:s12] =	ssyncadd.s32 $0xFFFF8300  }
0x89: {  	[spmem:s2] =	stream.indirect.scatter.add.f32 [tilespmem:s8], [sflag:$0x3], $0x20, s6, s7, $0xb8;
	[tilespmem:$0x19820] =	vst v63  }
0x8a: {  	_ =	swait.ge [sflag:s4], $0x7D00  }
0x8b: {  	[sflag:s4] =	ssyncset.done $0x0  }
0x8c: {  	[sflag:s4] =	ssyncadd.s32 $0xFFFF8300  }
0x8d: {  	[tilespmem:s8], [sflag:$0x1] =	stream.indirect.gather [hbm4b:s5+s7], $0x20, s13, s7, $0xb8;
	[tilespmem:$0x19820] =	vst v63  }
0x8e: {  	_ =	swait.ge [sflag:s14], $0x7D00  }
0x8f: {  	[sflag:s14] =	ssyncset.done $0x0  }
0x90: {  	[sflag:s14] =	ssyncadd.s32 $0xFFFF8300  }
0x91: {  	[spmem:s2] =	stream.indirect.scatter.add.f32 [tilespmem:s11], [sflag:$0x3], $0x20, s15, s7, $0xb8;
	[tilespmem:$0x19820] =	vst v63  }
0x92: {  	_ =	swait.ge [sflag:s4], $0x7D00  }
0x93: {  	[sflag:s4] =	ssyncset.done $0x0  }
0x94: {  	[sflag:s4] =	ssyncadd.s32 $0xFFFF8300  }
0x95: {  	[tilespmem:s11], [sflag:$0x2] =	stream.indirect.gather [hbm4b:s5+s7], $0x20, s16, s7, $0xb8;
	[tilespmem:$0x19820] =	vst v63  }
0x96: {  	_ =	swait.ge [sflag:s12], $0x7D00  }
0x97: {  	[sflag:s12] =	ssyncset.done $0x0  }
0x98: {  	[sflag:s12] =	ssyncadd.s32 $0xFFFF8300  }
0x99: {  	[spmem:s2] =	stream.indirect.scatter.add.f32 [tilespmem:s8], [sflag:$0x3], $0x20, s17, s7, $0xb8;
	[tilespmem:$0x19820] =	vst v63  }
0x9a: {  	_ =	swait.ge [sflag:s4], $0x7D00  }
0x9b: {  	[sflag:s4] =	ssyncset.done $0x0  }
0x9c: {  	[sflag:s4] =	ssyncadd.s32 $0xFFFF8300  }
0x9d: {  	[tilespmem:s8], [sflag:$0x1] =	stream.indirect.gather [hbm4b:s5+s7], $0x20, s18, s7, $0xb8;
	[tilespmem:$0x19820] =	vst v63  }
0x9e: {  	_ =	swait.ge [sflag:s14], $0x7D00  }
0x9f: {  	[sflag:s14] =	ssyncset.done $0x0  }
0xa0: {  	[sflag:s14] =	ssyncadd.s32 $0xFFFF8300  }
0xa1: {  	[spmem:s2] =	stream.indirect.scatter.add.f32 [tilespmem:s11], [sflag:$0x3], $0x20, s19, s7, $0xb8;
	[tilespmem:$0x19820] =	vst v63  }
0xa2: {  	_ =	swait.ge [sflag:s4], $0x7D00  }
0xa3: {  	[sflag:s4] =	ssyncset.done $0x0  }
0xa4: {  	[sflag:s4] =	ssyncadd.s32 $0xFFFF8300  }
0xa5: {  	[tilespmem:s11], [sflag:$0x2] =	stream.indirect.gather [hbm4b:s5+s7], $0x20, s20, s7, $0xb8;
	[tilespmem:$0x19820] =	vst v63  }
0xa6: {  	_ =	swait.ge [sflag:s12], $0x7D00  }
0xa7: {  	[sflag:s12] =	ssyncset.done $0x0  }
0xa8: {  	[sflag:s12] =	ssyncadd.s32 $0xFFFF8300  }
0xa9: {  	[spmem:s2] =	stream.indirect.scatter.add.f32 [tilespmem:s8], [sflag:$0x3], $0x20, s21, s7, $0xb8;
	[tilespmem:$0x19820] =	vst v63  }
0xaa: {  	_ =	swait.ge [sflag:s4], $0x7D00  }
0xab: {  	[sflag:s4] =	ssyncset.done $0x0  }
0xac: {  	[sflag:s4] =	ssyncadd.s32 $0xFFFF8300  }
0xad: {  	[tilespmem:s8], [sflag:$0x1] =	stream.indirect.gather [hbm4b:s5+s7], $0x20, s22, s7, $0xb8;
	[tilespmem:$0x19820] =	vst v63  }
0xae: {  	_ =	swait.ge [sflag:s14], $0x7D00  }
0xaf: {  	[sflag:s14] =	ssyncset.done $0x0  }
0xb0: {  	[sflag:s14] =	ssyncadd.s32 $0xFFFF8300  }
0xb1: {  	[spmem:s2] =	stream.indirect.scatter.add.f32 [tilespmem:s11], [sflag:$0x3], $0x20, s23, s7, $0xb8;
	[tilespmem:$0x19820] =	vst v63  }
0xb2: {  	_ =	swait.ge [sflag:s4], $0x7D00  }
0xb3: {  	[sflag:s4] =	ssyncset.done $0x0  }
0xb4: {  	[sflag:s4] =	ssyncadd.s32 $0xFFFF8300  }
0xb5: {  	[tilespmem:s11], [sflag:$0x2] =	stream.indirect.gather [hbm4b:s5+s7], $0x20, s24, s7, $0xb8;
	[tilespmem:$0x19820] =	vst v63  }
0xb6: {  	_ =	swait.ge [sflag:s12], $0x7D00  }
0xb7: {  	[sflag:s12] =	ssyncset.done $0x0  }
0xb8: {  	[sflag:s12] =	ssyncadd.s32 $0xFFFF8300  }
0xb9: {  	[spmem:s2] =	stream.indirect.scatter.add.f32 [tilespmem:s8], [sflag:$0x3], $0x20, s25, s7, $0xb8;
	[tilespmem:$0x19820] =	vst v63  }
0xba: {  	_ =	swait.ge [sflag:s4], $0x7D00  }
0xbb: {  	[sflag:s4] =	ssyncset.done $0x0  }
0xbc: {  	[sflag:s4] =	ssyncadd.s32 $0xFFFF8300  }
0xbd: {  	[tilespmem:s8], [sflag:$0x1] =	stream.indirect.gather [hbm4b:s5+s7], $0x20, s26, s7, $0xb8;
	[tilespmem:$0x19820] =	vst v63  }
0xbe: {  	_ =	swait.ge [sflag:s14], $0x7D00  }
0xbf: {  	[sflag:s14] =	ssyncset.done $0x0  }
0xc0: {  	[sflag:s14] =	ssyncadd.s32 $0xFFFF8300  }
0xc1: {  	[spmem:s2] =	stream.indirect.scatter.add.f32 [tilespmem:s11], [sflag:$0x3], $0x20, s28, s7, $0xb8;
	[tilespmem:$0x19820] =	vst v63  }
0xc2: {  	_ =	swait.ge [sflag:s4], $0x7D00  }
0xc3: {  	[sflag:s4] =	ssyncset.done $0x0  }
0xc4: {  	[sflag:s4] =	ssyncadd.s32 $0xFFFF8300  }
0xc5: {  	[tilespmem:s11], [sflag:$0x2] =	stream.indirect.gather [hbm4b:s5+s7], $0x20, s29, s7, $0xb8;
	[tilespmem:$0x19820] =	vst v63  }
0xc6: {  	_ =	swait.ge [sflag:s12], $0x7D00  }
0xc7: {  	[sflag:s12] =	ssyncset.done $0x0  }
0xc8: {  	[sflag:s12] =	ssyncadd.s32 $0xFFFF8300  }
0xc9: {  	[spmem:s2] =	stream.indirect.scatter.add.f32 [tilespmem:s8], [sflag:$0x3], $0x20, s30, s7, $0xb8;
	[tilespmem:$0x19820] =	vst v63  }
0xca: {  	_ =	swait.ge [sflag:s4], $0x7D00  }
0xcb: {  	[sflag:s4] =	ssyncset.done $0x0  }
0xcc: {  	[sflag:s4] =	ssyncadd.s32 $0xFFFF8300  }
0xcd: {  	_ =	swait.ge [sflag:s14], $0x7D00  }
0xce: {  	[sflag:s14] =	ssyncset.done $0x0  }
0xcf: {  	[sflag:s14] =	ssyncadd.s32 $0xFFFF8300  }
0xd0: {  	[spmem:s2] =	stream.indirect.scatter.add.f32 [tilespmem:s11], [sflag:$0x3], $0x20, s31, s7, $0xb8;
	[tilespmem:$0x19820] =	vst v63  }
0xd1: {  	_ =	swait.ge [sflag:s4], $0x7D00  }
0xd2: {  	p0 =	sne.s32 s0, $0x1;
	[sflag:s4] =	ssyncset.done $0x0  }
.Ltmp1:
0xd3: {  	[sflag:s4] =	ssyncadd.s32 $0xFFFF8300;
	(pc) =	sbr.rel @p0 .LBB2_1-.Ltmp1, $4  }
0xd4: {  	[bflag:$0x0] =	sbarrier.arrive $0xFFFF  }
0xd5: {  	s1 =	rddreg [dreg:$0x7]  }
0xd6: {  	[hbm:s1], [sflag:s9] =	dma.local [spmem:s10], $0xA00  }
0xd7: {  	s0 =	sadd.s32 $0xFFFFFFFF, s0;
	_ =	swait.ge [sflag:s4], $0xA00  }
.LBB2_2:
0xd8: {  	[sflag:s4] =	ssyncset.done $0x0  }
0xd9: {  	[sflag:s4] =	ssyncadd.s32 $0xFFFFF600  }
0xda: {  	_ =	sfence.sel $0x180000  }
0xdb: {  	[bflag:$0x0] =	sbarrier.arrive $0xFFFF  }
0xdc: {  	_ =	strace $0x9000004D  }
0xdd: {  	s0 =	stileid.u32;
	[bflag:$0x2] =	sbarrier.arrive $0xFFFF  }
0xde: {  	p0 =	sne.s32 s0, $0x0;
	s0 =	rddreg [dreg:$0x3]  }
0xdf: {  	s0 =	sadd.s32 @!p0 $0x100000, s0  }
0xe0: {  	[sflag:s0] =	ssyncadd.tile.s32 @!p0 $0x1;
	_ =	shalt  }
.Lfunc_end2:
_tile_overlayer_lowered:
.L_overlay_start_2:
0xe1: {  	(tag) =	ssettag $0x2  }
0xe2: {  	s0 =	rddreg [dreg:$0x0];
	s2 =	stileid.u32  }
0xe3: {  	s1 =	rddreg [dreg:$0x1];
	p0 =	sne.s32 s2, $0x0  }
0xe4: {  	s3 =	rddreg [dreg:$0x2];
	[bflag:$0x3] =	sbarrier.arrive $0xFFFF;
	s2 =	simm.s32 @!p0 $0x1C03  }
0xe5: {  	[timem:s3], [sflag:s2] =	dma.local @!p0 [hbm:s0], s1  }
0xe6: {  	s0 =	simm.s32 @!p0 $0x3  }
0xe7: {  	_ =	swait.ge @!p0 [sflag:s0], s1  }
0xe8: {  	s1 =	ssub.s32 @!p0 $0x0, s1;
	[sflag:s0] =	ssyncset.done @!p0 $0x0  }
0xe9: {  	[sflag:s0] =	ssyncadd.s32 @!p0 s1  }
0xea: {  	[bflag:$0x3] =	sbarrier.arrive $0xFFFF  }
0xeb: {  	_ =	shalt  }

// kernel: kernel.21.cloned.1.call-start
scs
__scs_entry_jumppad:
0x0: {  	(pc) =	sbr.rel $0x88, $3  }
0x1: {  	(tag) =	ssettag $0x0;
	lr =	simm.s32 $0x1  }
0x2: {  	[smem:$0x3F97] =	sst lr;
	_ =	strace $0xD0000000  }
0x3: {  	_ = 	snop  }
0x4: {  	_ = 	snop  }
0x5: {  	_ = 	snop  }
0x6: {  	_ = 	snop  }
0x7: {  	_ = 	snop  }
__scs_overlays_trampoline_lowered:
0x8: {  	[smem:$0x3FA6] =	sst s0  }
0x9: {  	[smem:$0x3FA7] =	sst s1  }
0xa: {  	[smem:$0x3FA8] =	sst s2  }
0xb: {  	[smem:$0x3FA9] =	sst s3  }
0xc: {  	[smem:$0x3FAA] =	sst s4  }
0xd: {  	[smem:$0x3FAB] =	sst s5  }
0xe: {  	[smem:$0x3FAC] =	sst s6  }
0xf: {  	[smem:$0x3FAD] =	sst s7  }
0x10: {  	[smem:$0x3FAE] =	sst s8  }
0x11: {  	[smem:$0x3FAF] =	sst s9;
	s0 =	simm.s32 @!p0 $0x0  }
0x12: {  	s1 =	sld [smem:$0x3F95];
	s0 =	simm.s32 @p0 $0x1  }
0x13: {  	[smem:$0x3FB0] =	sst s0;
	s0 =	simm.s32 @!p1 $0x0  }
0x14: {  	s2 =	sld [smem:$0x3F94];
	s0 =	simm.s32 @p1 $0x1  }
0x15: {  	[smem:$0x3FB1] =	sst s0;
	s0 =	simm.s32 @!p2 $0x0  }
0x16: {  	s3 =	sld [smem:$0x3FDB];
	s0 =	simm.s32 @p2 $0x1  }
0x17: {  	s4 =	simm.s32 $0x1BF5;
	[smem:$0x3FB3] =	sst s0  }
0x18: {  	s0 =	sld [smem:$0x3F96];
	_ =	swait.ge [sflag:s4], $0x0  }
0x19: {  	s7 =	sld [smem:$0x3F97]  }
0x1a: {  	s8 =	sadd.s32 $0xFFFFE003, lr  }
0x1b: {  	s9 =	sadd.s32 $0xFFFFFEF7, lr;
	s5 =	simm.s32 $0xFFFFFFFF;
	p2 =	slt.u32 s8, $0xFFFFF086  }
0x1c: {  	p1 =	slt.u32 s9, $0xF7A;
	s5 =	simm.s32 @!p2 $0x0  }
0x1d: {  	s5 =	simm.s32 @p1 $0x1;
	p0 =	seq.s32 s7, s2  }
0x1e: {  	s7 =	smul.u32 @!p0 $0xF7A, s2;
	p2 =	seq.s32 @!p0 s5, $0x0  }
0x1f: {  	s9 =	smul.u32 $0xF7A, s1;
	s8 =	simm.s32 @!p0 $0x1BF5;
	p2 =	por !p2, p0  }
0x20: {  	[sflag:s8] =	ssyncset.s32 @!p0 $0xFFFFF086;
	s6 =	sadd.s32 @!p0 s3, s7;
	s7 =	simm.s32 @!p0 $0x108  }
0x21: {  	s3 =	sadd.s32 s3, s9;
	s6 =	sadd.s32 @!p0 $0x88, s6;
	s7 =	simm.s32 @p2 $0x1082  }
0x22: {  	[simem:s7], [sflag:s8] =	dma.local @!p0 [hbm:s6], $0xF7A  }
0x23: {  	s9 =	sor.u32 $0xD0000000, s2;
	s6 =	simm.s32 $0x108;
	_ =	swait.ge @!p0 [sflag:s8], $0x0  }
0x24: {  	s3 =	sadd.s32 $0x88, s3;
	s6 =	simm.s32 @!p1 $0x1082;
	[sflag:s4] =	ssyncset.s32 $0xFFFFF086  }
0x25: {  	[simem:s6], [sflag:s4] =	dma.local [hbm:s3], $0xF7A  }
0x26: {  	[smem:$0x3F97] =	sst s1;
	(tag) =	ssettag s2;
	_ =	strace s9  }
0x27: {  	s1 =	sld [smem:$0x3FA7]  }
0x28: {  	s2 =	sld [smem:$0x3FA8]  }
0x29: {  	s4 =	sld [smem:$0x3FAA]  }
0x2a: {  	p0 =	seq.s32 s5, $0x0;
	s5 =	sld [smem:$0x3FAB]  }
0x2b: {  	s6 =	sld [smem:$0x3FAC]  }
0x2c: {  	s7 =	sld [smem:$0x3FAD]  }
0x2d: {  	s3 =	simm.s32 $0x108;
	s8 =	sld [smem:$0x3FAE]  }
0x2e: {  	s3 =	simm.s32 @!p0 $0x1082;
	s9 =	sld [smem:$0x3FAF]  }
0x2f: {  	lr =	sadd.s32 s0, s3;
	s0 =	sld [smem:$0x3FA6]  }
0x30: {  	s3 =	sld [smem:$0x3FA9]  }
0x31: {  	[smem:$0x3FB2] =	sst s10  }
0x32: {  	s10 =	sld [smem:$0x3FB0];
	_ =	sdelay $0x3  }
0x33: {  	p0 =	seq.s32 s10, $0x1;
	s10 =	sld [smem:$0x3FB2];
	_ =	sdelay $0x3  }
0x34: {  	[smem:$0x3FB2] =	sst s10  }
0x35: {  	s10 =	sld [smem:$0x3FB1];
	_ =	sdelay $0x3  }
0x36: {  	p1 =	seq.s32 s10, $0x1;
	s10 =	sld [smem:$0x3FB2];
	_ =	sdelay $0x3  }
0x37: {  	[smem:$0x3FB2] =	sst s10  }
0x38: {  	s10 =	sld [smem:$0x3FB3]  }
0x39: {  	_ = 	snop;
	(pc) =	sbr.ind lr, $3  }
0x3a: {  	_ = 	snop  }
0x3b: {  	_ = 	snop  }
0x3c: {  	p2 =	seq.s32 s10, $0x1;
	s10 =	sld [smem:$0x3FB2]  }
0x3d: {  	_ =	shalt  }
0x3e: {  	_ =	shalt  }
0x3f: {  	_ =	shalt  }
0x40: {  	_ =	shalt  }
0x41: {  	_ =	shalt  }
0x42: {  	_ =	shalt  }
0x43: {  	_ =	shalt  }
0x44: {  	_ =	shalt  }
0x45: {  	_ =	shalt  }
0x46: {  	_ =	shalt  }
0x47: {  	_ =	shalt  }
0x48: {  	_ =	shalt  }
0x49: {  	_ =	shalt  }
0x4a: {  	_ =	shalt  }
0x4b: {  	_ =	shalt  }
0x4c: {  	_ =	shalt  }
0x4d: {  	_ =	shalt  }
0x4e: {  	_ =	shalt  }
0x4f: {  	_ =	shalt  }
0x50: {  	_ =	shalt  }
0x51: {  	_ =	shalt  }
0x52: {  	_ =	shalt  }
0x53: {  	_ =	shalt  }
0x54: {  	_ =	shalt  }
0x55: {  	_ =	shalt  }
0x56: {  	_ =	shalt  }
0x57: {  	_ =	shalt  }
0x58: {  	_ =	shalt  }
0x59: {  	_ =	shalt  }
0x5a: {  	_ =	shalt  }
0x5b: {  	_ =	shalt  }
0x5c: {  	_ =	shalt  }
0x5d: {  	_ =	shalt  }
0x5e: {  	_ =	shalt  }
0x5f: {  	_ =	shalt  }
0x60: {  	_ =	shalt  }
0x61: {  	_ =	shalt  }
0x62: {  	_ =	shalt  }
0x63: {  	_ =	shalt  }
0x64: {  	_ =	shalt  }
0x65: {  	_ =	shalt  }
0x66: {  	_ =	shalt  }
0x67: {  	_ =	shalt  }
0x68: {  	_ =	shalt  }
0x69: {  	_ =	shalt  }
0x6a: {  	_ =	shalt  }
0x6b: {  	_ =	shalt  }
0x6c: {  	_ =	shalt  }
0x6d: {  	_ =	shalt  }
0x6e: {  	_ =	shalt  }
0x6f: {  	_ =	shalt  }
0x70: {  	_ =	shalt  }
0x71: {  	_ =	shalt  }
0x72: {  	_ =	shalt  }
0x73: {  	_ =	shalt  }
0x74: {  	_ =	shalt  }
0x75: {  	_ =	shalt  }
0x76: {  	_ =	shalt  }
0x77: {  	_ =	shalt  }
0x78: {  	_ =	shalt  }
0x79: {  	_ =	shalt  }
0x7a: {  	_ =	shalt  }
0x7b: {  	_ =	shalt  }
0x7c: {  	_ =	shalt  }
0x7d: {  	_ =	shalt  }
0x7e: {  	_ =	shalt  }
0x7f: {  	_ =	shalt  }
0x80: {  	_ =	shalt  }
0x81: {  	_ =	shalt  }
0x82: {  	_ =	shalt  }
0x83: {  	_ =	shalt  }
0x84: {  	_ =	shalt  }
0x85: {  	_ =	shalt  }
0x86: {  	_ =	shalt  }
0x87: {  	_ =	shalt  }
.Lfunc_end0:
.L_simem_size_0:
called_computation.3_lowered:
.L_overlay_start_0:
0x88: {  	s2 =	sld [smem:$0x3FD9]  }
0x89: {  	s3 =	sld [smem:$0x3FFE];
	_ =	sdelay $0x1  }
0x8a: {  	s1 =	srdreg.scid  }
0x8b: {  	s0 =	sand.u32 $0x1, s1  }
0x8c: {  	s16 =	sshll.u32 s0, $0xA;
	s2 =	sadd.s32 s3, s2  }
0x8d: {  	s2 =	sadd.s32 s2, s16  }
0x8e: {  	[smem:$0x3FBE] =	sst s2  }
0x8f: {  	_ = 	snop  }
0x90: {  	(tm) =	ssettm $0x1  }
0x91: {  	s17 =	sld [smem:$0x3FFB];
	_ =	sdelay $0x3  }
0x92: {  	_ =	strace s17  }
0x93: {  	s2 =	sld [smem:$0x3FFC];
	_ =	sdelay $0x3  }
0x94: {  	_ =	strace s2  }
0x95: {  	s2 =	sld [smem:$0x3FFD];
	_ =	sdelay $0x3  }
0x96: {  	_ =	strace s2  }
0x97: {  	_ =	strace $0x8FFFFFFF  }
0x98: {  	s18 =	sld [smem:$0x3FDB];
	_ =	sdelay $0x1  }
0x99: {  	s19 =	simm.s32 $_scs_section_size  }
0x9a: {  	s4 =	simm.s32 $_size__tile_overlayer_lowered;
	s5 =	simm.s32 $_tile_overlayer_lowered  }
0x9b: {  	s22 =	simm.s32 $0x1BFF;
	s21 =	sshll.u32 s5, $0x1;
	s2 =	sadd.s32 s19, s18  }
0x9c: {  	s6 =	simm.s32 $0x0;
	s20 =	sshll.u32 s4, $0x1;
	s4 =	sadd.s32 s21, s2  }
0x9d: {  	[timem:s6], [sflag:s22] =	dma.local [hbm:s4], s20  }
0x9e: {  	_ =	swait.ge [sflag:s22], s20  }
0x9f: {  	s3 =	ssub.s32 $0x0, s20;
	[sflag:s22] =	ssyncset.done $0x0  }
0xa0: {  	[sflag:s22] =	ssyncadd.s32 s3;
	_ =	sdelay $0x1  }
0xa1: {  	s23 =	simm.s32 $0x1B8B  }
0xa2: {  	_ =	swait.ge [sflag:s23], $0x1  }
0xa3: {  	[sflag:s23] =	ssyncset.done $0x0  }
0xa4: {  	s25 =	simm.s32 $0x1B8E;
	s24 =	sld [smem:$0x3FFE];
	[sflag:s23] =	ssyncadd.s32 $0xFFFFFFFF  }
0xa5: {  	s26 =	simm.s32 $execute0_lowered;
	[smem:$0x3FD2] =	sst s25  }
0xa6: {  	s4 =	sshll.u32 s26, $0x1;
	_ =	strace $0x8000004F;
	[dreg:$0x1] =	wrdreg $0xFFFFFFFF  }
0xa7: {  	s28 =	simm.s32 $_size_execute0_lowered;
	s2 =	sadd.s32 s2, s4;
	[dreg:$0x0] =	wrdreg $0x0  }
0xa8: {  	s4 =	sshll.u32 s28, $0x1;
	[dreg:$0x2] =	wrdreg s2  }
0xa9: {  	[dreg:$0x3] =	wrdreg s4  }
0xaa: {  	[dreg:$0x4] =	wrdreg $0xC0  }
0xab: {  	_ =	task [dreg:s6], $0x5FFFF  }
0xac: {  	[dreg:$0x1] =	wrdreg $0xFFFFFFFF  }
0xad: {  	[dreg:$0x0] =	wrdreg $0x60  }
0xae: {  	[dreg:$0x2] =	wrdreg s24  }
0xaf: {  	[dreg:$0x3] =	wrdreg $0x148200  }
0xb0: {  	[dreg:$0x4] =	wrdreg $0x9  }
0xb1: {  	_ =	task.clear_ibuf [dreg:s6], $0x5FFFF;
	_ =	strace $0x9000004F  }
0xb2: {  	s29 =	simm.s32 $0x9;
	_ =	strace $0x80000051  }
0xb3: {  	_ =	swait.ge [sflag:s29], $0x1  }
0xb4: {  	[sflag:s29] =	ssyncadd.s32 $0xFFFFFFFF  }
0xb5: {  	_ =	strace $0x90000051  }
0xb6: {  	_ =	sfence  }
0xb7: {  	s30 =	sld [smem:$0x0];
	_ =	sdelay $0x2  }
0xb8: {  	s31 =	sshll.u32 s1, $0xD;
	s1 =	sshrl.u32 s1, $0x2  }
0xb9: {  	s3 =	sand.u32 $0x4000, s31;
	s1 =	sadd.s32 s1, s30  }
0xba: {  	s0 =	sor.u32 s3, s0;
	s1 =	sshll.u32 s1, $0x11  }
0xbb: {  	s0 =	sor.u32 s1, s0  }
0xbc: {  	s0 =	sadd.s32 $0x8F2B, s0  }
0xbd: {  	[sflag:s0] =	ssyncadd.remote.s32 $0x1  }
0xbe: {  	_ =	sfence.sel $0xFFFF  }
0xbf: {  	[dreg:$0x0] =	wrdreg $0xFFFFFFFF;
	(pc) =	sbr.abs _section_cstart, $3  }
0xc0: {  	[dreg:$0x1] =	wrdreg $0xFFFFFFFF  }
0xc1: {  	_ =	task.clear_ibuf [dreg:s6], $0x2FFFF;
	_ =	strace $0x9FFFFFFF  }
0xc2: {  	(tm) =	ssettm $0x7FFFFFFF  }
0xc3: {  	_ =	shalt  }
tec
execute0_lowered:
.L_overlay_start_1:
0x0: {  	(tag) =	ssettag $0x1  }
0x1: {  	s0 =	srdreg.scid  }
0x2: {  	s23 =	stileid.u32;
	s1 =	sand.u32 $0x1, s0  }
0x3: {  	s6 =	smul.u32 $0x5000, s23;
	s2 =	sshll.u32 s1, $0x4  }
0x4: {  	s5 =	rddreg [dreg:$0x0];
	s7 =	smul.u32 $0x50000, s1;
	s3 =	sor.u32 s23, s2  }
0x5: {  	s8 =	sadd.s32 $0x1FE00, s5;
	s4 =	smul.u32 $0x4E2, s3  }
0x6: {  	s2 =	rddreg [dreg:$0x1];
	s3 =	simm.s32 $0x0;
	s7 =	sadd.s32 s6, s7  }
0x7: {  	[smem:$0x7FF] =	sst s3;
	s7 =	sshrl.u32 s7, $0x3;
	s4 =	sadd.s32 s4, s5  }
0x8: {  	_ =	strace $0x80000050;
	[dreg:$0x3] =	wrdreg s8;
	s24 =	sadd.s32 $0x2400, s4  }
0x9: {  	s7 =	sadd.s32 s7, s5;
	s4 =	sadd.s32 $0xC200, s4;
	[dreg:$0x4] =	wrdreg s24  }
0xa: {  	s25 =	sadd.s32 $0x2AE00, s7;
	[dreg:$0x5] =	wrdreg s4  }
0xb: {  	[dreg:$0x6] =	wrdreg s25  }
0xc: {  	s4 =	simm.s32 $0x3;
	s8 =	rddreg [dreg:$0x4]  }
0xd: {  	[tilespmem:s3], [sflag:$0x3] =	stream.linear.gather [hbm4b:s8+s3], $0x2710, $0x38;
	[tilespmem:$0x19820] =	vst v63  }
0xe: {  	_ =	swait.ge [sflag:s4], $0x2710  }
0xf: {  	s9 =	sshll.u32 s23, $0x6;
	s10 =	sadd.s32 s6, s2;
	[sflag:s4] =	ssyncset.done $0x0  }
0x10: {  	s6 =	simm.s32 $0x2710;
	s26 =	rddreg [dreg:$0x5];
	[sflag:s4] =	ssyncadd.s32 $0xFFFFD8F0  }
0x11: {  	[tilespmem:s6], [sflag:$0x3] =	stream.linear.gather [hbm4b:s26+s3], $0x2710, $0x38;
	[tilespmem:$0x19820] =	vst v63  }
0x12: {  	s9 =	sor.u32 $0x1C03, s9;
	s10 =	sshrl.u32 s10, $0x3;
	_ =	swait.ge [sflag:s4], $0x2710  }
0x13: {  	s5 =	sadd.s32 $0x16000, s5;
	s7 =	simm.s32 $0x3E8;
	[sflag:s4] =	ssyncset.done $0x0  }
0x14: {  	s8 =	simm.s32 $0x4E20;
	s11 =	rddreg [dreg:$0x3];
	[sflag:s4] =	ssyncadd.s32 $0xFFFFD8F0  }
0x15: {  	[tilespmem:s8], [sflag:$0x1] =	stream.indirect.gather [hbm4b:s5+s7], $0x20, s3, s7, $0xb8;
	[tilespmem:$0x19820] =	vst v63  }
0x16: {  	[spmem:s10], [sflag:s9] =	dma.local [hbm:s11], $0xA00  }
0x17: {  	_ =	swait.ge [sflag:s4], $0xA00  }
0x18: {  	[sflag:s4] =	ssyncset.done $0x0  }
0x19: {  	[sflag:s4] =	ssyncadd.s32 $0xFFFFF600  }
0x1a: {  	s12 =	simm.s32 $0x1;
	s11 =	simm.s32 $0xCB20;
	[bflag:$0x0] =	sbarrier.arrive $0xFFFF  }
0x1b: {  	[tilespmem:s11], [sflag:$0x2] =	stream.indirect.gather [hbm4b:s5+s7], $0x20, s7, s7, $0xb8;
	[tilespmem:$0x19820] =	vst v63  }
0x1c: {  	_ =	swait.ge [sflag:s12], $0x7D00  }
0x1d: {  	[sflag:s12] =	ssyncset.done $0x0  }
0x1e: {  	[sflag:s12] =	ssyncadd.s32 $0xFFFF8300  }
0x1f: {  	[spmem:s2] =	stream.indirect.scatter.add.f32 [tilespmem:s8], [sflag:$0x3], $0x20, s6, s7, $0xb8;
	[tilespmem:$0x19820] =	vst v63  }
0x20: {  	_ =	swait.ge [sflag:s4], $0x7D00  }
0x21: {  	[sflag:s4] =	ssyncset.done $0x0  }
0x22: {  	s13 =	simm.s32 $0x7D0;
	s14 =	simm.s32 $0x2;
	[sflag:s4] =	ssyncadd.s32 $0xFFFF8300  }
0x23: {  	[tilespmem:s8], [sflag:$0x1] =	stream.indirect.gather [hbm4b:s5+s7], $0x20, s13, s7, $0xb8;
	[tilespmem:$0x19820] =	vst v63  }
0x24: {  	_ =	swait.ge [sflag:s14], $0x7D00  }
0x25: {  	[sflag:s14] =	ssyncset.done $0x0  }
0x26: {  	s15 =	simm.s32 $0x2AF8;
	[sflag:s14] =	ssyncadd.s32 $0xFFFF8300  }
0x27: {  	[spmem:s2] =	stream.indirect.scatter.add.f32 [tilespmem:s11], [sflag:$0x3], $0x20, s15, s7, $0xb8;
	[tilespmem:$0x19820] =	vst v63  }
0x28: {  	_ =	swait.ge [sflag:s4], $0x7D00  }
0x29: {  	[sflag:s4] =	ssyncset.done $0x0  }
0x2a: {  	s16 =	simm.s32 $0xBB8;
	[sflag:s4] =	ssyncadd.s32 $0xFFFF8300  }
0x2b: {  	[tilespmem:s11], [sflag:$0x2] =	stream.indirect.gather [hbm4b:s5+s7], $0x20, s16, s7, $0xb8;
	[tilespmem:$0x19820] =	vst v63  }
0x2c: {  	_ =	swait.ge [sflag:s12], $0x7D00  }
0x2d: {  	[sflag:s12] =	ssyncset.done $0x0  }
0x2e: {  	s17 =	simm.s32 $0x2EE0;
	[sflag:s12] =	ssyncadd.s32 $0xFFFF8300  }
0x2f: {  	[spmem:s2] =	stream.indirect.scatter.add.f32 [tilespmem:s8], [sflag:$0x3], $0x20, s17, s7, $0xb8;
	[tilespmem:$0x19820] =	vst v63  }
0x30: {  	_ =	swait.ge [sflag:s4], $0x7D00  }
0x31: {  	[sflag:s4] =	ssyncset.done $0x0  }
0x32: {  	s18 =	simm.s32 $0xFA0;
	[sflag:s4] =	ssyncadd.s32 $0xFFFF8300  }
0x33: {  	[tilespmem:s8], [sflag:$0x1] =	stream.indirect.gather [hbm4b:s5+s7], $0x20, s18, s7, $0xb8;
	[tilespmem:$0x19820] =	vst v63  }
0x34: {  	_ =	swait.ge [sflag:s14], $0x7D00  }
0x35: {  	[sflag:s14] =	ssyncset.done $0x0  }
0x36: {  	s19 =	simm.s32 $0x32C8;
	[sflag:s14] =	ssyncadd.s32 $0xFFFF8300  }
0x37: {  	[spmem:s2] =	stream.indirect.scatter.add.f32 [tilespmem:s11], [sflag:$0x3], $0x20, s19, s7, $0xb8;
	[tilespmem:$0x19820] =	vst v63  }
0x38: {  	_ =	swait.ge [sflag:s4], $0x7D00  }
0x39: {  	[sflag:s4] =	ssyncset.done $0x0  }
0x3a: {  	s20 =	simm.s32 $0x1388;
	[sflag:s4] =	ssyncadd.s32 $0xFFFF8300  }
0x3b: {  	[tilespmem:s11], [sflag:$0x2] =	stream.indirect.gather [hbm4b:s5+s7], $0x20, s20, s7, $0xb8;
	[tilespmem:$0x19820] =	vst v63  }
0x3c: {  	_ =	swait.ge [sflag:s12], $0x7D00  }
0x3d: {  	[sflag:s12] =	ssyncset.done $0x0  }
0x3e: {  	s21 =	simm.s32 $0x36B0;
	[sflag:s12] =	ssyncadd.s32 $0xFFFF8300  }
0x3f: {  	[spmem:s2] =	stream.indirect.scatter.add.f32 [tilespmem:s8], [sflag:$0x3], $0x20, s21, s7, $0xb8;
	[tilespmem:$0x19820] =	vst v63  }
0x40: {  	_ =	swait.ge [sflag:s4], $0x7D00  }
0x41: {  	[sflag:s4] =	ssyncset.done $0x0  }
0x42: {  	s22 =	simm.s32 $0x1770;
	[sflag:s4] =	ssyncadd.s32 $0xFFFF8300  }
0x43: {  	[tilespmem:s8], [sflag:$0x1] =	stream.indirect.gather [hbm4b:s5+s7], $0x20, s22, s7, $0xb8;
	[tilespmem:$0x19820] =	vst v63  }
0x44: {  	_ =	swait.ge [sflag:s14], $0x7D00  }
0x45: {  	[sflag:s14] =	ssyncset.done $0x0  }
0x46: {  	s23 =	simm.s32 $0x3A98;
	[sflag:s14] =	ssyncadd.s32 $0xFFFF8300  }
0x47: {  	[spmem:s2] =	stream.indirect.scatter.add.f32 [tilespmem:s11], [sflag:$0x3], $0x20, s23, s7, $0xb8;
	[tilespmem:$0x19820] =	vst v63  }
0x48: {  	_ =	swait.ge [sflag:s4], $0x7D00  }
0x49: {  	[sflag:s4] =	ssyncset.done $0x0  }
0x4a: {  	s24 =	simm.s32 $0x1B58;
	[sflag:s4] =	ssyncadd.s32 $0xFFFF8300  }
0x4b: {  	[tilespmem:s11], [sflag:$0x2] =	stream.indirect.gather [hbm4b:s5+s7], $0x20, s24, s7, $0xb8;
	[tilespmem:$0x19820] =	vst v63  }
0x4c: {  	_ =	swait.ge [sflag:s12], $0x7D00  }
0x4d: {  	[sflag:s12] =	ssyncset.done $0x0  }
0x4e: {  	s25 =	simm.s32 $0x3E80;
	[sflag:s12] =	ssyncadd.s32 $0xFFFF8300  }
0x4f: {  	[spmem:s2] =	stream.indirect.scatter.add.f32 [tilespmem:s8], [sflag:$0x3], $0x20, s25, s7, $0xb8;
	[tilespmem:$0x19820] =	vst v63  }
0x50: {  	_ =	swait.ge [sflag:s4], $0x7D00  }
0x51: {  	[sflag:s4] =	ssyncset.done $0x0  }
0x52: {  	s26 =	simm.s32 $0x1F40;
	[sflag:s4] =	ssyncadd.s32 $0xFFFF8300  }
0x53: {  	[tilespmem:s8], [sflag:$0x1] =	stream.indirect.gather [hbm4b:s5+s7], $0x20, s26, s7, $0xb8;
	[tilespmem:$0x19820] =	vst v63  }
0x54: {  	_ =	swait.ge [sflag:s14], $0x7D00  }
0x55: {  	[sflag:s14] =	ssyncset.done $0x0  }
0x56: {  	s28 =	simm.s32 $0x4268;
	[sflag:s14] =	ssyncadd.s32 $0xFFFF8300  }
0x57: {  	[spmem:s2] =	stream.indirect.scatter.add.f32 [tilespmem:s11], [sflag:$0x3], $0x20, s28, s7, $0xb8;
	[tilespmem:$0x19820] =	vst v63  }
0x58: {  	_ =	swait.ge [sflag:s4], $0x7D00  }
0x59: {  	[sflag:s4] =	ssyncset.done $0x0  }
0x5a: {  	s29 =	simm.s32 $0x2328;
	[sflag:s4] =	ssyncadd.s32 $0xFFFF8300  }
0x5b: {  	[tilespmem:s11], [sflag:$0x2] =	stream.indirect.gather [hbm4b:s5+s7], $0x20, s29, s7, $0xb8;
	[tilespmem:$0x19820] =	vst v63  }
0x5c: {  	_ =	swait.ge [sflag:s12], $0x7D00  }
0x5d: {  	[sflag:s12] =	ssyncset.done $0x0  }
0x5e: {  	s30 =	simm.s32 $0x4650;
	[sflag:s12] =	ssyncadd.s32 $0xFFFF8300  }
0x5f: {  	[spmem:s2] =	stream.indirect.scatter.add.f32 [tilespmem:s8], [sflag:$0x3], $0x20, s30, s7, $0xb8;
	[tilespmem:$0x19820] =	vst v63  }
0x60: {  	_ =	swait.ge [sflag:s4], $0x7D00  }
0x61: {  	[sflag:s4] =	ssyncset.done $0x0  }
0x62: {  	[sflag:s4] =	ssyncadd.s32 $0xFFFF8300  }
0x63: {  	_ =	swait.ge [sflag:s14], $0x7D00  }
0x64: {  	[sflag:s14] =	ssyncset.done $0x0  }
0x65: {  	s31 =	simm.s32 $0x4A38;
	[sflag:s14] =	ssyncadd.s32 $0xFFFF8300  }
0x66: {  	[spmem:s2] =	stream.indirect.scatter.add.f32 [tilespmem:s11], [sflag:$0x3], $0x20, s31, s7, $0xb8;
	[tilespmem:$0x19820] =	vst v63  }
0x67: {  	_ =	swait.ge [sflag:s4], $0x7D00  }
0x68: {  	[sflag:s4] =	ssyncset.done $0x0  }
0x69: {  	[sflag:s4] =	ssyncadd.s32 $0xFFFF8300  }
0x6a: {  	[bflag:$0x0] =	sbarrier.arrive $0xFFFF  }
0x6b: {  	s1 =	ssub.s32 $0x2, s1;
	s0 =	rddreg [dreg:$0x6]  }
0x6c: {  	[dreg:$0x7] =	wrdreg s0;
	s0 =	sshrl.u32 s1, $0x1  }
0x6d: {  	s0 =	ssub.s32 s1, s0  }
0x6e: {  	s0 =	smax.u32 s0, $0x1  }
0x6f: {  	p0 =	sne.s32 s0, $0x1  }
.Ltmp0:
0x70: {  	_ = 	snop;
	(pc) =	sbr.rel @!p0 .LBB2_2-.Ltmp0, $4  }
0x71: {  	_ = 	snop  }
0x72: {  	s1 =	rddreg [dreg:$0x7]  }
0x73: {  	[hbm:s1], [sflag:s9] =	dma.local [spmem:s10], $0xA00  }
0x74: {  	s1 =	sadd.s32 $0xFFFFFFFF, s0;
	_ =	swait.ge [sflag:s4], $0xA00  }
.LBB2_1:
0x75: {  	[sflag:s4] =	ssyncset.done $0x0  }
0x76: {  	s0 =	rddreg [dreg:$0x4];
	[sflag:s4] =	ssyncadd.s32 $0xFFFFF600  }
0x77: {  	[tilespmem:s3], [sflag:$0x3] =	stream.linear.gather [hbm4b:s0+s3], $0x2710, $0x38;
	[tilespmem:$0x19820] =	vst v63  }
0x78: {  	_ =	swait.ge [sflag:s4], $0x2710  }
0x79: {  	[sflag:s4] =	ssyncset.done $0x0  }
0x7a: {  	s0 =	rddreg [dreg:$0x5];
	[sflag:s4] =	ssyncadd.s32 $0xFFFFD8F0  }
0x7b: {  	[tilespmem:s6], [sflag:$0x3] =	stream.linear.gather [hbm4b:s0+s3], $0x2710, $0x38;
	[tilespmem:$0x19820] =	vst v63  }
0x7c: {  	_ =	swait.ge [sflag:s4], $0x2710  }
0x7d: {  	[sflag:s4] =	ssyncset.done $0x0  }
0x7e: {  	s0 =	rddreg [dreg:$0x3];
	[sflag:s4] =	ssyncadd.s32 $0xFFFFD8F0  }
0x7f: {  	[tilespmem:s8], [sflag:$0x1] =	stream.indirect.gather [hbm4b:s5+s7], $0x20, s3, s7, $0xb8;
	[tilespmem:$0x19820] =	vst v63  }
0x80: {  	[spmem:s10], [sflag:s9] =	dma.local [hbm:s0], $0xA00  }
0x81: {  	_ =	swait.ge [sflag:s4], $0xA00  }
0x82: {  	[sflag:s4] =	ssyncset.done $0x0  }
0x83: {  	[sflag:s4] =	ssyncadd.s32 $0xFFFFF600  }
0x84: {  	[bflag:$0x0] =	sbarrier.arrive $0xFFFF  }
0x85: {  	[tilespmem:s11], [sflag:$0x2] =	stream.indirect.gather [hbm4b:s5+s7], $0x20, s7, s7, $0xb8;
	[tilespmem:$0x19820] =	vst v63  }
0x86: {  	_ =	swait.ge [sflag:s12], $0x7D00  }
0x87: {  	[sflag:s12] =	ssyncset.done $0x0  }
0x88: {  	[sflag:s12] =	ssyncadd.s32 $0xFFFF8300  }
0x89: {  	[spmem:s2] =	stream.indirect.scatter.add.f32 [tilespmem:s8], [sflag:$0x3], $0x20, s6, s7, $0xb8;
	[tilespmem:$0x19820] =	vst v63  }
0x8a: {  	_ =	swait.ge [sflag:s4], $0x7D00  }
0x8b: {  	[sflag:s4] =	ssyncset.done $0x0  }
0x8c: {  	[sflag:s4] =	ssyncadd.s32 $0xFFFF8300  }
0x8d: {  	[tilespmem:s8], [sflag:$0x1] =	stream.indirect.gather [hbm4b:s5+s7], $0x20, s13, s7, $0xb8;
	[tilespmem:$0x19820] =	vst v63  }
0x8e: {  	_ =	swait.ge [sflag:s14], $0x7D00  }
0x8f: {  	[sflag:s14] =	ssyncset.done $0x0  }
0x90: {  	[sflag:s14] =	ssyncadd.s32 $0xFFFF8300  }
0x91: {  	[spmem:s2] =	stream.indirect.scatter.add.f32 [tilespmem:s11], [sflag:$0x3], $0x20, s15, s7, $0xb8;
	[tilespmem:$0x19820] =	vst v63  }
0x92: {  	_ =	swait.ge [sflag:s4], $0x7D00  }
0x93: {  	[sflag:s4] =	ssyncset.done $0x0  }
0x94: {  	[sflag:s4] =	ssyncadd.s32 $0xFFFF8300  }
0x95: {  	[tilespmem:s11], [sflag:$0x2] =	stream.indirect.gather [hbm4b:s5+s7], $0x20, s16, s7, $0xb8;
	[tilespmem:$0x19820] =	vst v63  }
0x96: {  	_ =	swait.ge [sflag:s12], $0x7D00  }
0x97: {  	[sflag:s12] =	ssyncset.done $0x0  }
0x98: {  	[sflag:s12] =	ssyncadd.s32 $0xFFFF8300  }
0x99: {  	[spmem:s2] =	stream.indirect.scatter.add.f32 [tilespmem:s8], [sflag:$0x3], $0x20, s17, s7, $0xb8;
	[tilespmem:$0x19820] =	vst v63  }
0x9a: {  	_ =	swait.ge [sflag:s4], $0x7D00  }
0x9b: {  	[sflag:s4] =	ssyncset.done $0x0  }
0x9c: {  	[sflag:s4] =	ssyncadd.s32 $0xFFFF8300  }
0x9d: {  	[tilespmem:s8], [sflag:$0x1] =	stream.indirect.gather [hbm4b:s5+s7], $0x20, s18, s7, $0xb8;
	[tilespmem:$0x19820] =	vst v63  }
0x9e: {  	_ =	swait.ge [sflag:s14], $0x7D00  }
0x9f: {  	[sflag:s14] =	ssyncset.done $0x0  }
0xa0: {  	[sflag:s14] =	ssyncadd.s32 $0xFFFF8300  }
0xa1: {  	[spmem:s2] =	stream.indirect.scatter.add.f32 [tilespmem:s11], [sflag:$0x3], $0x20, s19, s7, $0xb8;
	[tilespmem:$0x19820] =	vst v63  }
0xa2: {  	_ =	swait.ge [sflag:s4], $0x7D00  }
0xa3: {  	[sflag:s4] =	ssyncset.done $0x0  }
0xa4: {  	[sflag:s4] =	ssyncadd.s32 $0xFFFF8300  }
0xa5: {  	[tilespmem:s11], [sflag:$0x2] =	stream.indirect.gather [hbm4b:s5+s7], $0x20, s20, s7, $0xb8;
	[tilespmem:$0x19820] =	vst v63  }
0xa6: {  	_ =	swait.ge [sflag:s12], $0x7D00  }
0xa7: {  	[sflag:s12] =	ssyncset.done $0x0  }
0xa8: {  	[sflag:s12] =	ssyncadd.s32 $0xFFFF8300  }
0xa9: {  	[spmem:s2] =	stream.indirect.scatter.add.f32 [tilespmem:s8], [sflag:$0x3], $0x20, s21, s7, $0xb8;
	[tilespmem:$0x19820] =	vst v63  }
0xaa: {  	_ =	swait.ge [sflag:s4], $0x7D00  }
0xab: {  	[sflag:s4] =	ssyncset.done $0x0  }
0xac: {  	[sflag:s4] =	ssyncadd.s32 $0xFFFF8300  }
0xad: {  	[tilespmem:s8], [sflag:$0x1] =	stream.indirect.gather [hbm4b:s5+s7], $0x20, s22, s7, $0xb8;
	[tilespmem:$0x19820] =	vst v63  }
0xae: {  	_ =	swait.ge [sflag:s14], $0x7D00  }
0xaf: {  	[sflag:s14] =	ssyncset.done $0x0  }
0xb0: {  	[sflag:s14] =	ssyncadd.s32 $0xFFFF8300  }
0xb1: {  	[spmem:s2] =	stream.indirect.scatter.add.f32 [tilespmem:s11], [sflag:$0x3], $0x20, s23, s7, $0xb8;
	[tilespmem:$0x19820] =	vst v63  }
0xb2: {  	_ =	swait.ge [sflag:s4], $0x7D00  }
0xb3: {  	[sflag:s4] =	ssyncset.done $0x0  }
0xb4: {  	[sflag:s4] =	ssyncadd.s32 $0xFFFF8300  }
0xb5: {  	[tilespmem:s11], [sflag:$0x2] =	stream.indirect.gather [hbm4b:s5+s7], $0x20, s24, s7, $0xb8;
	[tilespmem:$0x19820] =	vst v63  }
0xb6: {  	_ =	swait.ge [sflag:s12], $0x7D00  }
0xb7: {  	[sflag:s12] =	ssyncset.done $0x0  }
0xb8: {  	[sflag:s12] =	ssyncadd.s32 $0xFFFF8300  }
0xb9: {  	[spmem:s2] =	stream.indirect.scatter.add.f32 [tilespmem:s8], [sflag:$0x3], $0x20, s25, s7, $0xb8;
	[tilespmem:$0x19820] =	vst v63  }
0xba: {  	_ =	swait.ge [sflag:s4], $0x7D00  }
0xbb: {  	[sflag:s4] =	ssyncset.done $0x0  }
0xbc: {  	[sflag:s4] =	ssyncadd.s32 $0xFFFF8300  }
0xbd: {  	[tilespmem:s8], [sflag:$0x1] =	stream.indirect.gather [hbm4b:s5+s7], $0x20, s26, s7, $0xb8;
	[tilespmem:$0x19820] =	vst v63  }
0xbe: {  	_ =	swait.ge [sflag:s14], $0x7D00  }
0xbf: {  	[sflag:s14] =	ssyncset.done $0x0  }
0xc0: {  	[sflag:s14] =	ssyncadd.s32 $0xFFFF8300  }
0xc1: {  	[spmem:s2] =	stream.indirect.scatter.add.f32 [tilespmem:s11], [sflag:$0x3], $0x20, s28, s7, $0xb8;
	[tilespmem:$0x19820] =	vst v63  }
0xc2: {  	_ =	swait.ge [sflag:s4], $0x7D00  }
0xc3: {  	[sflag:s4] =	ssyncset.done $0x0  }
0xc4: {  	[sflag:s4] =	ssyncadd.s32 $0xFFFF8300  }
0xc5: {  	[tilespmem:s11], [sflag:$0x2] =	stream.indirect.gather [hbm4b:s5+s7], $0x20, s29, s7, $0xb8;
	[tilespmem:$0x19820] =	vst v63  }
0xc6: {  	_ =	swait.ge [sflag:s12], $0x7D00  }
0xc7: {  	[sflag:s12] =	ssyncset.done $0x0  }
0xc8: {  	[sflag:s12] =	ssyncadd.s32 $0xFFFF8300  }
0xc9: {  	[spmem:s2] =	stream.indirect.scatter.add.f32 [tilespmem:s8], [sflag:$0x3], $0x20, s30, s7, $0xb8;
	[tilespmem:$0x19820] =	vst v63  }
0xca: {  	_ =	swait.ge [sflag:s4], $0x7D00  }
0xcb: {  	[sflag:s4] =	ssyncset.done $0x0  }
0xcc: {  	[sflag:s4] =	ssyncadd.s32 $0xFFFF8300  }
0xcd: {  	_ =	swait.ge [sflag:s14], $0x7D00  }
0xce: {  	[sflag:s14] =	ssyncset.done $0x0  }
0xcf: {  	[sflag:s14] =	ssyncadd.s32 $0xFFFF8300  }
0xd0: {  	[spmem:s2] =	stream.indirect.scatter.add.f32 [tilespmem:s11], [sflag:$0x3], $0x20, s31, s7, $0xb8;
	[tilespmem:$0x19820] =	vst v63  }
0xd1: {  	_ =	swait.ge [sflag:s4], $0x7D00  }
0xd2: {  	p0 =	sne.s32 s1, $0x1;
	[sflag:s4] =	ssyncset.done $0x0  }
.Ltmp1:
0xd3: {  	[sflag:s4] =	ssyncadd.s32 $0xFFFF8300;
	(pc) =	sbr.rel @p0 .LBB2_1-.Ltmp1, $4  }
0xd4: {  	[bflag:$0x0] =	sbarrier.arrive $0xFFFF  }
0xd5: {  	s0 =	rddreg [dreg:$0x6]  }
0xd6: {  	[hbm:s0], [sflag:s9] =	dma.local [spmem:s10], $0xA00  }
0xd7: {  	s1 =	sadd.s32 $0xFFFFFFFF, s1;
	_ =	swait.ge [sflag:s4], $0xA00  }
.LBB2_2:
0xd8: {  	[sflag:s4] =	ssyncset.done $0x0  }
0xd9: {  	[sflag:s4] =	ssyncadd.s32 $0xFFFFF600  }
0xda: {  	_ =	sfence.sel $0x180000  }
0xdb: {  	[bflag:$0x0] =	sbarrier.arrive $0xFFFF  }
0xdc: {  	_ =	strace $0x90000050  }
0xdd: {  	s0 =	stileid.u32;
	[bflag:$0x2] =	sbarrier.arrive $0xFFFF  }
0xde: {  	p0 =	sne.s32 s0, $0x0;
	s0 =	rddreg [dreg:$0x2]  }
0xdf: {  	s0 =	sadd.s32 @!p0 $0x100000, s0  }
0xe0: {  	[sflag:s0] =	ssyncadd.tile.s32 @!p0 $0x1;
	_ =	shalt  }
.Lfunc_end2:
_tile_overlayer_lowered:
.L_overlay_start_2:
0xe1: {  	(tag) =	ssettag $0x2  }
0xe2: {  	s0 =	rddreg [dreg:$0x0];
	s2 =	stileid.u32  }
0xe3: {  	s1 =	rddreg [dreg:$0x1];
	p0 =	sne.s32 s2, $0x0  }
0xe4: {  	s3 =	rddreg [dreg:$0x2];
	[bflag:$0x3] =	sbarrier.arrive $0xFFFF;
	s2 =	simm.s32 @!p0 $0x1C03  }
0xe5: {  	[timem:s3], [sflag:s2] =	dma.local @!p0 [hbm:s0], s1  }
0xe6: {  	s0 =	simm.s32 @!p0 $0x3  }
0xe7: {  	_ =	swait.ge @!p0 [sflag:s0], s1  }
0xe8: {  	s1 =	ssub.s32 @!p0 $0x0, s1;
	[sflag:s0] =	ssyncset.done @!p0 $0x0  }
0xe9: {  	[sflag:s0] =	ssyncadd.s32 @!p0 s1  }
0xea: {  	[bflag:$0x3] =	sbarrier.arrive $0xFFFF  }
0xeb: {  	_ =	shalt  }

// kernel: kernel.24.cloned.1.call-start
scs
__scs_entry_jumppad:
0x0: {  	(pc) =	sbr.rel $0x88, $3  }
0x1: {  	(tag) =	ssettag $0x0;
	lr =	simm.s32 $0x1  }
0x2: {  	[smem:$0x3F97] =	sst lr;
	_ =	strace $0xD0000000  }
0x3: {  	_ = 	snop  }
0x4: {  	_ = 	snop  }
0x5: {  	_ = 	snop  }
0x6: {  	_ = 	snop  }
0x7: {  	_ = 	snop  }
__scs_overlays_trampoline_lowered:
0x8: {  	[smem:$0x3FA6] =	sst s0  }
0x9: {  	[smem:$0x3FA7] =	sst s1  }
0xa: {  	[smem:$0x3FA8] =	sst s2  }
0xb: {  	[smem:$0x3FA9] =	sst s3  }
0xc: {  	[smem:$0x3FAA] =	sst s4  }
0xd: {  	[smem:$0x3FAB] =	sst s5  }
0xe: {  	[smem:$0x3FAC] =	sst s6  }
0xf: {  	[smem:$0x3FAD] =	sst s7  }
0x10: {  	[smem:$0x3FAE] =	sst s8  }
0x11: {  	[smem:$0x3FAF] =	sst s9;
	s0 =	simm.s32 @!p0 $0x0  }
0x12: {  	s1 =	sld [smem:$0x3F95];
	s0 =	simm.s32 @p0 $0x1  }
0x13: {  	[smem:$0x3FB0] =	sst s0;
	s0 =	simm.s32 @!p1 $0x0  }
0x14: {  	s2 =	sld [smem:$0x3F94];
	s0 =	simm.s32 @p1 $0x1  }
0x15: {  	[smem:$0x3FB1] =	sst s0;
	s0 =	simm.s32 @!p2 $0x0  }
0x16: {  	s3 =	sld [smem:$0x3FDB];
	s0 =	simm.s32 @p2 $0x1  }
0x17: {  	s4 =	simm.s32 $0x1BF5;
	[smem:$0x3FB3] =	sst s0  }
0x18: {  	s0 =	sld [smem:$0x3F96];
	_ =	swait.ge [sflag:s4], $0x0  }
0x19: {  	s7 =	sld [smem:$0x3F97]  }
0x1a: {  	s8 =	sadd.s32 $0xFFFFE003, lr  }
0x1b: {  	s9 =	sadd.s32 $0xFFFFFEF7, lr;
	s5 =	simm.s32 $0xFFFFFFFF;
	p2 =	slt.u32 s8, $0xFFFFF086  }
0x1c: {  	p1 =	slt.u32 s9, $0xF7A;
	s5 =	simm.s32 @!p2 $0x0  }
0x1d: {  	s5 =	simm.s32 @p1 $0x1;
	p0 =	seq.s32 s7, s2  }
0x1e: {  	s7 =	smul.u32 @!p0 $0xF7A, s2;
	p2 =	seq.s32 @!p0 s5, $0x0  }
0x1f: {  	s9 =	smul.u32 $0xF7A, s1;
	s8 =	simm.s32 @!p0 $0x1BF5;
	p2 =	por !p2, p0  }
0x20: {  	[sflag:s8] =	ssyncset.s32 @!p0 $0xFFFFF086;
	s6 =	sadd.s32 @!p0 s3, s7;
	s7 =	simm.s32 @!p0 $0x108  }
0x21: {  	s3 =	sadd.s32 s3, s9;
	s6 =	sadd.s32 @!p0 $0x88, s6;
	s7 =	simm.s32 @p2 $0x1082  }
0x22: {  	[simem:s7], [sflag:s8] =	dma.local @!p0 [hbm:s6], $0xF7A  }
0x23: {  	s9 =	sor.u32 $0xD0000000, s2;
	s6 =	simm.s32 $0x108;
	_ =	swait.ge @!p0 [sflag:s8], $0x0  }
0x24: {  	s3 =	sadd.s32 $0x88, s3;
	s6 =	simm.s32 @!p1 $0x1082;
	[sflag:s4] =	ssyncset.s32 $0xFFFFF086  }
0x25: {  	[simem:s6], [sflag:s4] =	dma.local [hbm:s3], $0xF7A  }
0x26: {  	[smem:$0x3F97] =	sst s1;
	(tag) =	ssettag s2;
	_ =	strace s9  }
0x27: {  	s1 =	sld [smem:$0x3FA7]  }
0x28: {  	s2 =	sld [smem:$0x3FA8]  }
0x29: {  	s4 =	sld [smem:$0x3FAA]  }
0x2a: {  	p0 =	seq.s32 s5, $0x0;
	s5 =	sld [smem:$0x3FAB]  }
0x2b: {  	s6 =	sld [smem:$0x3FAC]  }
0x2c: {  	s7 =	sld [smem:$0x3FAD]  }
0x2d: {  	s3 =	simm.s32 $0x108;
	s8 =	sld [smem:$0x3FAE]  }
0x2e: {  	s3 =	simm.s32 @!p0 $0x1082;
	s9 =	sld [smem:$0x3FAF]  }
0x2f: {  	lr =	sadd.s32 s0, s3;
	s0 =	sld [smem:$0x3FA6]  }
0x30: {  	s3 =	sld [smem:$0x3FA9]  }
0x31: {  	[smem:$0x3FB2] =	sst s10  }
0x32: {  	s10 =	sld [smem:$0x3FB0];
	_ =	sdelay $0x3  }
0x33: {  	p0 =	seq.s32 s10, $0x1;
	s10 =	sld [smem:$0x3FB2];
	_ =	sdelay $0x3  }
0x34: {  	[smem:$0x3FB2] =	sst s10  }
0x35: {  	s10 =	sld [smem:$0x3FB1];
	_ =	sdelay $0x3  }
0x36: {  	p1 =	seq.s32 s10, $0x1;
	s10 =	sld [smem:$0x3FB2];
	_ =	sdelay $0x3  }
0x37: {  	[smem:$0x3FB2] =	sst s10  }
0x38: {  	s10 =	sld [smem:$0x3FB3]  }
0x39: {  	_ = 	snop;
	(pc) =	sbr.ind lr, $3  }
0x3a: {  	_ = 	snop  }
0x3b: {  	_ = 	snop  }
0x3c: {  	p2 =	seq.s32 s10, $0x1;
	s10 =	sld [smem:$0x3FB2]  }
0x3d: {  	_ =	shalt  }
0x3e: {  	_ =	shalt  }
0x3f: {  	_ =	shalt  }
0x40: {  	_ =	shalt  }
0x41: {  	_ =	shalt  }
0x42: {  	_ =	shalt  }
0x43: {  	_ =	shalt  }
0x44: {  	_ =	shalt  }
0x45: {  	_ =	shalt  }
0x46: {  	_ =	shalt  }
0x47: {  	_ =	shalt  }
0x48: {  	_ =	shalt  }
0x49: {  	_ =	shalt  }
0x4a: {  	_ =	shalt  }
0x4b: {  	_ =	shalt  }
0x4c: {  	_ =	shalt  }
0x4d: {  	_ =	shalt  }
0x4e: {  	_ =	shalt  }
0x4f: {  	_ =	shalt  }
0x50: {  	_ =	shalt  }
0x51: {  	_ =	shalt  }
0x52: {  	_ =	shalt  }
0x53: {  	_ =	shalt  }
0x54: {  	_ =	shalt  }
0x55: {  	_ =	shalt  }
0x56: {  	_ =	shalt  }
0x57: {  	_ =	shalt  }
0x58: {  	_ =	shalt  }
0x59: {  	_ =	shalt  }
0x5a: {  	_ =	shalt  }
0x5b: {  	_ =	shalt  }
0x5c: {  	_ =	shalt  }
0x5d: {  	_ =	shalt  }
0x5e: {  	_ =	shalt  }
0x5f: {  	_ =	shalt  }
0x60: {  	_ =	shalt  }
0x61: {  	_ =	shalt  }
0x62: {  	_ =	shalt  }
0x63: {  	_ =	shalt  }
0x64: {  	_ =	shalt  }
0x65: {  	_ =	shalt  }
0x66: {  	_ =	shalt  }
0x67: {  	_ =	shalt  }
0x68: {  	_ =	shalt  }
0x69: {  	_ =	shalt  }
0x6a: {  	_ =	shalt  }
0x6b: {  	_ =	shalt  }
0x6c: {  	_ =	shalt  }
0x6d: {  	_ =	shalt  }
0x6e: {  	_ =	shalt  }
0x6f: {  	_ =	shalt  }
0x70: {  	_ =	shalt  }
0x71: {  	_ =	shalt  }
0x72: {  	_ =	shalt  }
0x73: {  	_ =	shalt  }
0x74: {  	_ =	shalt  }
0x75: {  	_ =	shalt  }
0x76: {  	_ =	shalt  }
0x77: {  	_ =	shalt  }
0x78: {  	_ =	shalt  }
0x79: {  	_ =	shalt  }
0x7a: {  	_ =	shalt  }
0x7b: {  	_ =	shalt  }
0x7c: {  	_ =	shalt  }
0x7d: {  	_ =	shalt  }
0x7e: {  	_ =	shalt  }
0x7f: {  	_ =	shalt  }
0x80: {  	_ =	shalt  }
0x81: {  	_ =	shalt  }
0x82: {  	_ =	shalt  }
0x83: {  	_ =	shalt  }
0x84: {  	_ =	shalt  }
0x85: {  	_ =	shalt  }
0x86: {  	_ =	shalt  }
0x87: {  	_ =	shalt  }
.Lfunc_end0:
.L_simem_size_0:
called_computation.4_lowered:
.L_overlay_start_0:
0x88: {  	s2 =	sld [smem:$0x3FD9]  }
0x89: {  	s3 =	sld [smem:$0x3FFE];
	_ =	sdelay $0x1  }
0x8a: {  	s1 =	srdreg.scid  }
0x8b: {  	s0 =	sand.u32 $0x1, s1  }
0x8c: {  	s17 =	sshll.u32 s0, $0xA;
	s2 =	sadd.s32 s3, s2  }
0x8d: {  	s2 =	sadd.s32 s2, s17  }
0x8e: {  	[smem:$0x3FBE] =	sst s2  }
0x8f: {  	_ = 	snop  }
0x90: {  	s2 =	sld [smem:$0x3FD0];
	(tm) =	ssettm $0x1  }
0x91: {  	s18 =	sld [smem:$0x3FFB];
	_ =	sdelay $0x3  }
0x92: {  	_ =	strace s18  }
0x93: {  	s3 =	sld [smem:$0x3FFC];
	_ =	sdelay $0x3  }
0x94: {  	_ =	strace s3  }
0x95: {  	s3 =	sld [smem:$0x3FFD];
	_ =	sdelay $0x3  }
0x96: {  	_ =	strace s3  }
0x97: {  	_ =	strace $0x8FFFFFFF  }
0x98: {  	s19 =	sld [smem:$0x3FDB];
	_ =	sdelay $0x1  }
0x99: {  	s4 =	simm.s32 $_scs_section_size  }
0x9a: {  	s5 =	simm.s32 $_size__tile_overlayer_lowered;
	s6 =	simm.s32 $_tile_overlayer_lowered  }
0x9b: {  	s22 =	simm.s32 $0x1BFF;
	s21 =	sshll.u32 s6, $0x1;
	s3 =	sadd.s32 s4, s19  }
0x9c: {  	s7 =	simm.s32 $0x0;
	s20 =	sshll.u32 s5, $0x1;
	s5 =	sadd.s32 s21, s3  }
0x9d: {  	[timem:s7], [sflag:s22] =	dma.local [hbm:s5], s20  }
0x9e: {  	_ =	swait.ge [sflag:s22], s20  }
0x9f: {  	s4 =	ssub.s32 $0x0, s20;
	[sflag:s22] =	ssyncset.done $0x0  }
0xa0: {  	[sflag:s22] =	ssyncadd.s32 s4;
	_ =	sdelay $0x1  }
0xa1: {  	s23 =	simm.s32 $0x1B8B  }
0xa2: {  	_ =	swait.ge [sflag:s23], $0x1  }
0xa3: {  	[sflag:s23] =	ssyncset.done $0x0  }
0xa4: {  	s25 =	simm.s32 $0x1B8E;
	s24 =	sld [smem:$0x3FFE];
	[sflag:s23] =	ssyncadd.s32 $0xFFFFFFFF  }
0xa5: {  	s26 =	simm.s32 $execute0_lowered;
	[smem:$0x3FD2] =	sst s25  }
0xa6: {  	s5 =	sshll.u32 s26, $0x1;
	_ =	strace $0x80000052;
	[dreg:$0x1] =	wrdreg $0xFFFFFFFF  }
0xa7: {  	s28 =	simm.s32 $_size_execute0_lowered;
	s3 =	sadd.s32 s3, s5;
	[dreg:$0x0] =	wrdreg $0x0  }
0xa8: {  	s5 =	sshll.u32 s28, $0x1;
	[dreg:$0x2] =	wrdreg s3  }
0xa9: {  	[dreg:$0x3] =	wrdreg s5  }
0xaa: {  	[dreg:$0x4] =	wrdreg $0xC0  }
0xab: {  	_ =	task [dreg:s7], $0x5FFFF  }
0xac: {  	[dreg:$0x1] =	wrdreg $0xFFFFFFFF  }
0xad: {  	[dreg:$0x0] =	wrdreg $0x60  }
0xae: {  	[dreg:$0x2] =	wrdreg s24  }
0xaf: {  	[dreg:$0x3] =	wrdreg s2  }
0xb0: {  	[dreg:$0x4] =	wrdreg $0x116200  }
0xb1: {  	[dreg:$0x5] =	wrdreg $0x9  }
0xb2: {  	_ =	task.clear_ibuf [dreg:s7], $0x6FFFF;
	_ =	strace $0x90000052  }
0xb3: {  	s29 =	simm.s32 $0x9;
	_ =	strace $0x80000054  }
0xb4: {  	_ =	swait.ge [sflag:s29], $0x1  }
0xb5: {  	[sflag:s29] =	ssyncadd.s32 $0xFFFFFFFF  }
0xb6: {  	_ =	strace $0x90000054  }
0xb7: {  	_ =	sfence  }
0xb8: {  	s30 =	sld [smem:$0x0];
	_ =	sdelay $0x2  }
0xb9: {  	s31 =	sshll.u32 s1, $0xD;
	s1 =	sshrl.u32 s1, $0x2  }
0xba: {  	s3 =	sand.u32 $0x4000, s31;
	s1 =	sadd.s32 s1, s30  }
0xbb: {  	s0 =	sor.u32 s3, s0;
	s1 =	sshll.u32 s1, $0x11  }
0xbc: {  	s0 =	sor.u32 s1, s0  }
0xbd: {  	s0 =	sadd.s32 $0x8F2B, s0  }
0xbe: {  	[sflag:s0] =	ssyncadd.remote.s32 $0x1  }
0xbf: {  	_ =	sfence.sel $0xFFFF  }
0xc0: {  	[dreg:$0x0] =	wrdreg $0xFFFFFFFF;
	(pc) =	sbr.abs _section_cstart, $3  }
0xc1: {  	[dreg:$0x1] =	wrdreg $0xFFFFFFFF  }
0xc2: {  	_ =	task.clear_ibuf [dreg:s7], $0x2FFFF;
	_ =	strace $0x9FFFFFFF  }
0xc3: {  	(tm) =	ssettm $0x7FFFFFFF  }
tec
execute0_lowered:
.L_overlay_start_1:
0x0: {  	(tag) =	ssettag $0x1  }
0x1: {  	s7 =	rddreg [dreg:$0x0]  }
0x2: {  	s2 =	rddreg [dreg:$0x1]  }
0x3: {  	s0 =	srdreg.scid;
	s3 =	rddreg [dreg:$0x2]  }
0x4: {  	s4 =	simm.s32 $0x0;
	s14 =	simm.s32 $0x190;
	s15 =	simm.s32 $0x4E20  }
0x5: {  	s18 =	simm.s32 $0xB220;
	s19 =	simm.s32 $0x1;
	s20 =	simm.s32 $0x2  }
0x6: {  	s21 =	simm.s32 $0x4C90;
	s22 =	simm.s32 $0x10;
	s6 =	sand.u32 $0x1, s0  }
0x7: {  	s23 =	simm.s32 $0x8;
	s0 =	stileid.u32;
	s8 =	smul.u32 $0x140000, s6  }
0x8: {  	s24 =	simm.s32 $0x0;
	[smem:$0x7FF] =	sst s4;
	s9 =	smul.u32 $0x14000, s0  }
0x9: {  	s1 =	sshll.u32 s6, $0x4;
	s30 =	ssub.s32 $0x2, s6;
	s12 =	smul.u32 $0x28000, s0  }
0xa: {  	s6 =	sadd.s32 $0x29A00, s7;
	s16 =	sshll.u32 s0, $0x6;
	s1 =	sor.u32 s0, s1  }
0xb: {  	s11 =	sshrl.u32 s30, $0x1;
	s16 =	sor.u32 $0x1C03, s16;
	s5 =	smul.u32 $0x4E2, s1  }
0xc: {  	s1 =	rddreg [dreg:$0x3];
	_ =	strace $0x80000053;
	s8 =	sadd.s32 s9, s8  }
0xd: {  	s11 =	ssub.s32 s30, s11;
	s31 =	sshrl.u32 s12, $0x2;
	s12 =	simm.s32 $0x3  }
0xe: {  	s8 =	sshrl.u32 s8, $0x3;
	s17 =	sadd.s32 s31, s3;
	s11 =	smax.u32 s11, $0x1  }
0xf: {  	s10 =	sadd.s32 s5, s7;
	s5 =	sadd.s32 $0x16000, s7;
	s13 =	sadd.s32 s8, s7  }
0x10: {  	s17 =	sshrl.u32 s17, $0x3;
	s7 =	sadd.s32 $0x2400, s10;
	s8 =	sadd.s32 $0xC200, s10  }
0x11: {  	s9 =	sadd.s32 $0x2AE00, s13;
	s10 =	sadd.s32 $0x2AE08, s13;
	s13 =	simm.s32 $0x2710  }
.LBB2_1:
0x12: {  	[tilespmem:s4], [sflag:$0x3] =	stream.linear.gather [hbm4b:s7+s4], $0x2710, $0x38;
	[tilespmem:$0x1B620] =	vst v63  }
0x13: {  	_ =	swait.ge [sflag:s12], $0x2710  }
0x14: {  	[sflag:s12] =	ssyncset.done $0x0  }
0x15: {  	[sflag:s12] =	ssyncadd.s32 $0xFFFFD8F0  }
0x16: {  	[tilespmem:s13], [sflag:$0x3] =	stream.linear.gather [hbm4b:s8+s4], $0x2710, $0x38;
	[tilespmem:$0x1B620] =	vst v63  }
0x17: {  	_ =	swait.ge [sflag:s12], $0x2710  }
0x18: {  	[sflag:s12] =	ssyncset.done $0x0  }
0x19: {  	[sflag:s12] =	ssyncadd.s32 $0xFFFFD8F0  }
0x1a: {  	[tilespmem:s15], [sflag:$0x1] =	stream.indirect.gather [hbm4b:s2+s14], $0x40, s4, s14, $0xb8;
	[tilespmem:$0x1B620] =	vst v63  }
0x1b: {  	[spmem:s17], [sflag:s16] =	dma.local [hbm:s6], $0x1400  }
0x1c: {  	_ =	swait.ge [sflag:s12], $0x1400  }
0x1d: {  	[sflag:s12] =	ssyncset.done $0x0  }
0x1e: {  	[sflag:s12] =	ssyncadd.s32 $0xFFFFEC00  }
0x1f: {  	s25 =	simm.s32 $0x190;
	[bflag:$0x0] =	sbarrier.arrive $0xFFFF  }
0x20: {  	[tilespmem:s18], [sflag:$0x2] =	stream.indirect.gather [hbm4b:s2+s14], $0x40, s25, s14, $0xb8;
	[tilespmem:$0x1B620] =	vst v63  }
0x21: {  	_ =	swait.ge [sflag:s19], $0x6400  }
0x22: {  	[sflag:s19] =	ssyncset.done $0x0  }
0x23: {  	s29 =	simm.s32 $0x2710;
	[sflag:s19] =	ssyncadd.s32 $0xFFFF9C00  }
0x24: {  	[spmem:s3] =	stream.indirect.scatter.add.f32 [tilespmem:s15], [sflag:$0x3], $0x40, s29, s14, $0xb8;
	[tilespmem:$0x1B620] =	vst v63  }
0x25: {  	_ =	swait.ge [sflag:s12], $0x6400  }
0x26: {  	[sflag:s12] =	ssyncset.done $0x0  }
0x27: {  	s30 =	simm.s32 $0x320;
	[sflag:s12] =	ssyncadd.s32 $0xFFFF9C00  }
0x28: {  	[tilespmem:s15], [sflag:$0x1] =	stream.indirect.gather [hbm4b:s2+s14], $0x40, s30, s14, $0xb8;
	[tilespmem:$0x1B620] =	vst v63  }
0x29: {  	_ =	swait.ge [sflag:s20], $0x6400  }
0x2a: {  	[sflag:s20] =	ssyncset.done $0x0  }
0x2b: {  	s31 =	simm.s32 $0x28A0;
	[sflag:s20] =	ssyncadd.s32 $0xFFFF9C00  }
0x2c: {  	[spmem:s3] =	stream.indirect.scatter.add.f32 [tilespmem:s18], [sflag:$0x3], $0x40, s31, s14, $0xb8;
	[tilespmem:$0x1B620] =	vst v63  }
0x2d: {  	_ =	swait.ge [sflag:s12], $0x6400  }
0x2e: {  	s26 =	simm.s32 $0x1900;
	s25 =	simm.s32 $0x320;
	[sflag:s12] =	ssyncset.done $0x0  }
.LBB2_2:
0x2f: {  	s28 =	sadd.s32 $0x190, s25  }
0x30: {  	[sflag:s12] =	ssyncadd.s32 $0xFFFF9C00;
	s29 =	smov.u32 s26;
	s30 =	sadd.s32 $0xC80, s26  }
0x31: {  	[tilespmem:s18], [sflag:$0x2] =	stream.indirect.gather [hbm4b:s2+s14], $0x40, s28, s14, $0xb8;
	[tilespmem:$0x1B620] =	vst v63  }
0x32: {  	p0 =	sne.s32 s26, $0x8980;
	_ =	swait.ge [sflag:s19], $0x6400  }
0x33: {  	[sflag:s19] =	ssyncset.done $0x0  }
0x34: {  	s26 =	sadd.s32 $0x2710, s25;
	[sflag:s19] =	ssyncadd.s32 $0xFFFF9C00  }
0x35: {  	[spmem:s3] =	stream.indirect.scatter.add.f32 [tilespmem:s15], [sflag:$0x3], $0x40, s26, s14, $0xb8;
	[tilespmem:$0x1B620] =	vst v63  }
0x36: {  	_ =	swait.ge [sflag:s12], $0x6400  }
0x37: {  	[sflag:s12] =	ssyncset.done $0x0  }
0x38: {  	s26 =	sadd.s32 $0x320, s25;
	[sflag:s12] =	ssyncadd.s32 $0xFFFF9C00  }
0x39: {  	[tilespmem:s15], [sflag:$0x1] =	stream.indirect.gather [hbm4b:s2+s14], $0x40, s26, s14, $0xb8;
	[tilespmem:$0x1B620] =	vst v63  }
0x3a: {  	_ =	swait.ge [sflag:s20], $0x6400  }
.Ltmp0:
0x3b: {  	[sflag:s20] =	ssyncset.done $0x0;
	(pc) =	sbr.rel @p0 .LBB2_2-.Ltmp0, $4  }
0x3c: {  	s25 =	sadd.s32 $0x28A0, s25;
	[sflag:s20] =	ssyncadd.s32 $0xFFFF9C00  }
0x3d: {  	[spmem:s3] =	stream.indirect.scatter.add.f32 [tilespmem:s18], [sflag:$0x3], $0x40, s25, s14, $0xb8;
	[tilespmem:$0x1B620] =	vst v63  }
0x3e: {  	_ =	swait.ge [sflag:s12], $0x6400  }
0x3f: {  	s26 =	smov.u32 s30;
	s25 =	sshra.s32 s29, $0x2;
	[sflag:s12] =	ssyncset.done $0x0  }
0x40: {  	s26 =	sadd.s32 $0x190, s25;
	[sflag:s12] =	ssyncadd.s32 $0xFFFF9C00  }
0x41: {  	[tilespmem:s18], [sflag:$0x2] =	stream.indirect.gather [hbm4b:s2+s14], $0x40, s26, s14, $0xb8;
	[tilespmem:$0x1B620] =	vst v63  }
0x42: {  	_ =	swait.ge [sflag:s19], $0x6400  }
0x43: {  	[sflag:s19] =	ssyncset.done $0x0  }
0x44: {  	s29 =	sadd.s32 $0x2710, s25;
	[sflag:s19] =	ssyncadd.s32 $0xFFFF9C00  }
0x45: {  	[spmem:s3] =	stream.indirect.scatter.add.f32 [tilespmem:s15], [sflag:$0x3], $0x40, s29, s14, $0xb8;
	[tilespmem:$0x1B620] =	vst v63  }
0x46: {  	_ =	swait.ge [sflag:s12], $0x6400  }
0x47: {  	[sflag:s12] =	ssyncset.done $0x0  }
0x48: {  	s30 =	sadd.s32 $0x320, s25;
	[sflag:s12] =	ssyncadd.s32 $0xFFFF9C00  }
0x49: {  	[tilespmem:s15], [sflag:$0x1] =	stream.indirect.gather [hbm4b:s2+s14], $0x40, s30, s14, $0xb8;
	[tilespmem:$0x1B620] =	vst v63  }
0x4a: {  	_ =	swait.ge [sflag:s20], $0x6400  }
0x4b: {  	[sflag:s20] =	ssyncset.done $0x0  }
0x4c: {  	s31 =	sadd.s32 $0x28A0, s25;
	[sflag:s20] =	ssyncadd.s32 $0xFFFF9C00  }
0x4d: {  	[spmem:s3] =	stream.indirect.scatter.add.f32 [tilespmem:s18], [sflag:$0x3], $0x40, s31, s14, $0xb8;
	[tilespmem:$0x1B620] =	vst v63  }
0x4e: {  	_ =	swait.ge [sflag:s12], $0x6400  }
0x4f: {  	[sflag:s12] =	ssyncset.done $0x0  }
0x50: {  	[sflag:s12] =	ssyncadd.s32 $0xFFFF9C00  }
0x51: {  	_ =	swait.ge [sflag:s19], $0x6400  }
0x52: {  	[sflag:s19] =	ssyncset.done $0x0  }
0x53: {  	[sflag:s19] =	ssyncadd.s32 $0xFFFF9C00  }
0x54: {  	[spmem:s3] =	stream.indirect.scatter.add.f32 [tilespmem:s15], [sflag:$0x3], $0x40, s21, s14, $0xb8;
	[tilespmem:$0x1B620] =	vst v63  }
0x55: {  	_ =	swait.ge [sflag:s12], $0x6400  }
0x56: {  	[sflag:s12] =	ssyncset.done $0x0  }
0x57: {  	[sflag:s12] =	ssyncadd.s32 $0xFFFF9C00  }
0x58: {  	[bflag:$0x0] =	sbarrier.arrive $0xFFFF  }
0x59: {  	[hbm:s9@s22], [sflag:s16] =	dma.strided [spmem:s17@s23], $0x1400, s19, $0x8   }
0x5a: {  	_ =	swait.ge [sflag:s12], $0x1400  }
0x5b: {  	[sflag:s12] =	ssyncset.done $0x0  }
0x5c: {  	[sflag:s12] =	ssyncadd.s32 $0xFFFFEC00  }
0x5d: {  	s26 =	simm.s32 $0x0;
	[bflag:$0x0] =	sbarrier.arrive $0xFFFF  }
0x5e: {  	[tilespmem:s15], [sflag:$0x1] =	stream.indirect.gather [hbm4b:s5+s14], $0x40, s26, s14, $0xb8;
	[tilespmem:$0x1B620] =	vst v63  }
0x5f: {  	[spmem:s17], [sflag:s16] =	dma.local [hbm:s6], $0x1400  }
0x60: {  	_ =	swait.ge [sflag:s12], $0x1400  }
0x61: {  	[sflag:s12] =	ssyncset.done $0x0  }
0x62: {  	[sflag:s12] =	ssyncadd.s32 $0xFFFFEC00  }
0x63: {  	s28 =	simm.s32 $0x190;
	[bflag:$0x0] =	sbarrier.arrive $0xFFFF  }
0x64: {  	[tilespmem:s18], [sflag:$0x2] =	stream.indirect.gather [hbm4b:s5+s14], $0x40, s28, s14, $0xb8;
	[tilespmem:$0x1B620] =	vst v63  }
0x65: {  	_ =	swait.ge [sflag:s19], $0x6400  }
0x66: {  	[sflag:s19] =	ssyncset.done $0x0  }
0x67: {  	s29 =	simm.s32 $0x2710;
	[sflag:s19] =	ssyncadd.s32 $0xFFFF9C00  }
0x68: {  	[spmem:s3] =	stream.indirect.scatter.add.f32 [tilespmem:s15], [sflag:$0x3], $0x40, s29, s14, $0xb8;
	[tilespmem:$0x1B620] =	vst v63  }
0x69: {  	_ =	swait.ge [sflag:s12], $0x6400  }
0x6a: {  	[sflag:s12] =	ssyncset.done $0x0  }
0x6b: {  	s30 =	simm.s32 $0x320;
	[sflag:s12] =	ssyncadd.s32 $0xFFFF9C00  }
0x6c: {  	[tilespmem:s15], [sflag:$0x1] =	stream.indirect.gather [hbm4b:s5+s14], $0x40, s30, s14, $0xb8;
	[tilespmem:$0x1B620] =	vst v63  }
0x6d: {  	_ =	swait.ge [sflag:s20], $0x6400  }
0x6e: {  	[sflag:s20] =	ssyncset.done $0x0  }
0x6f: {  	s31 =	simm.s32 $0x28A0;
	[sflag:s20] =	ssyncadd.s32 $0xFFFF9C00  }
0x70: {  	[spmem:s3] =	stream.indirect.scatter.add.f32 [tilespmem:s18], [sflag:$0x3], $0x40, s31, s14, $0xb8;
	[tilespmem:$0x1B620] =	vst v63  }
0x71: {  	_ =	swait.ge [sflag:s12], $0x6400  }
0x72: {  	s25 =	simm.s32 $0x320;
	s26 =	simm.s32 $0x1900;
	[sflag:s12] =	ssyncset.done $0x0  }
.LBB2_4:
0x73: {  	s28 =	sadd.s32 $0x190, s25  }
0x74: {  	[sflag:s12] =	ssyncadd.s32 $0xFFFF9C00;
	s29 =	smov.u32 s26;
	s30 =	sadd.s32 $0xC80, s26  }
0x75: {  	[tilespmem:s18], [sflag:$0x2] =	stream.indirect.gather [hbm4b:s5+s14], $0x40, s28, s14, $0xb8;
	[tilespmem:$0x1B620] =	vst v63  }
0x76: {  	p0 =	sne.s32 s26, $0x8980;
	_ =	swait.ge [sflag:s19], $0x6400  }
0x77: {  	[sflag:s19] =	ssyncset.done $0x0  }
0x78: {  	s26 =	sadd.s32 $0x2710, s25;
	[sflag:s19] =	ssyncadd.s32 $0xFFFF9C00  }
0x79: {  	[spmem:s3] =	stream.indirect.scatter.add.f32 [tilespmem:s15], [sflag:$0x3], $0x40, s26, s14, $0xb8;
	[tilespmem:$0x1B620] =	vst v63  }
0x7a: {  	_ =	swait.ge [sflag:s12], $0x6400  }
0x7b: {  	[sflag:s12] =	ssyncset.done $0x0  }
0x7c: {  	s26 =	sadd.s32 $0x320, s25;
	[sflag:s12] =	ssyncadd.s32 $0xFFFF9C00  }
0x7d: {  	[tilespmem:s15], [sflag:$0x1] =	stream.indirect.gather [hbm4b:s5+s14], $0x40, s26, s14, $0xb8;
	[tilespmem:$0x1B620] =	vst v63  }
0x7e: {  	_ =	swait.ge [sflag:s20], $0x6400  }
.Ltmp1:
0x7f: {  	[sflag:s20] =	ssyncset.done $0x0;
	(pc) =	sbr.rel @p0 .LBB2_4-.Ltmp1, $4  }
0x80: {  	s25 =	sadd.s32 $0x28A0, s25;
	[sflag:s20] =	ssyncadd.s32 $0xFFFF9C00  }
0x81: {  	[spmem:s3] =	stream.indirect.scatter.add.f32 [tilespmem:s18], [sflag:$0x3], $0x40, s25, s14, $0xb8;
	[tilespmem:$0x1B620] =	vst v63  }
0x82: {  	_ =	swait.ge [sflag:s12], $0x6400  }
0x83: {  	s26 =	smov.u32 s30;
	s25 =	sshra.s32 s29, $0x2;
	[sflag:s12] =	ssyncset.done $0x0  }
0x84: {  	s26 =	sadd.s32 $0x190, s25;
	[sflag:s12] =	ssyncadd.s32 $0xFFFF9C00  }
0x85: {  	[tilespmem:s18], [sflag:$0x2] =	stream.indirect.gather [hbm4b:s5+s14], $0x40, s26, s14, $0xb8;
	[tilespmem:$0x1B620] =	vst v63  }
0x86: {  	_ =	swait.ge [sflag:s19], $0x6400  }
0x87: {  	[sflag:s19] =	ssyncset.done $0x0  }
0x88: {  	s29 =	sadd.s32 $0x2710, s25;
	[sflag:s19] =	ssyncadd.s32 $0xFFFF9C00  }
0x89: {  	[spmem:s3] =	stream.indirect.scatter.add.f32 [tilespmem:s15], [sflag:$0x3], $0x40, s29, s14, $0xb8;
	[tilespmem:$0x1B620] =	vst v63  }
0x8a: {  	_ =	swait.ge [sflag:s12], $0x6400  }
0x8b: {  	[sflag:s12] =	ssyncset.done $0x0  }
0x8c: {  	s30 =	sadd.s32 $0x320, s25;
	[sflag:s12] =	ssyncadd.s32 $0xFFFF9C00  }
0x8d: {  	[tilespmem:s15], [sflag:$0x1] =	stream.indirect.gather [hbm4b:s5+s14], $0x40, s30, s14, $0xb8;
	[tilespmem:$0x1B620] =	vst v63  }
0x8e: {  	_ =	swait.ge [sflag:s20], $0x6400  }
0x8f: {  	[sflag:s20] =	ssyncset.done $0x0  }
0x90: {  	s31 =	sadd.s32 $0x28A0, s25;
	[sflag:s20] =	ssyncadd.s32 $0xFFFF9C00  }
0x91: {  	[spmem:s3] =	stream.indirect.scatter.add.f32 [tilespmem:s18], [sflag:$0x3], $0x40, s31, s14, $0xb8;
	[tilespmem:$0x1B620] =	vst v63  }
0x92: {  	_ =	swait.ge [sflag:s12], $0x6400  }
0x93: {  	[sflag:s12] =	ssyncset.done $0x0  }
0x94: {  	[sflag:s12] =	ssyncadd.s32 $0xFFFF9C00  }
0x95: {  	_ =	swait.ge [sflag:s19], $0x6400  }
0x96: {  	[sflag:s19] =	ssyncset.done $0x0  }
0x97: {  	[sflag:s19] =	ssyncadd.s32 $0xFFFF9C00  }
0x98: {  	[spmem:s3] =	stream.indirect.scatter.add.f32 [tilespmem:s15], [sflag:$0x3], $0x40, s21, s14, $0xb8;
	[tilespmem:$0x1B620] =	vst v63  }
0x99: {  	_ =	swait.ge [sflag:s12], $0x6400  }
0x9a: {  	s24 =	sadd.s32 $0x1, s24;
	[sflag:s12] =	ssyncset.done $0x0  }
0x9b: {  	p0 =	sne.s32 s24, s11;
	[sflag:s12] =	ssyncadd.s32 $0xFFFF9C00  }
.Ltmp2:
0x9c: {  	[bflag:$0x0] =	sbarrier.arrive $0xFFFF;
	(pc) =	sbr.rel @p0 .LBB2_1-.Ltmp2, $4  }
0x9d: {  	[hbm:s10@s22], [sflag:s16] =	dma.strided [spmem:s17@s23], $0x1400, s19, $0x8   }
0x9e: {  	_ =	swait.ge [sflag:s12], $0x1400  }
0x9f: {  	[sflag:s12] =	ssyncset.done $0x0  }
0xa0: {  	[sflag:s12] =	ssyncadd.s32 $0xFFFFEC00  }
0xa1: {  	_ =	sfence.sel $0x180000  }
0xa2: {  	[bflag:$0x0] =	sbarrier.arrive $0xFFFF  }
0xa3: {  	p0 =	sne.s32 s0, $0x0;
	_ =	strace $0x90000053  }
0xa4: {  	s0 =	sadd.s32 @!p0 $0x100000, s1;
	[bflag:$0x2] =	sbarrier.arrive $0xFFFF  }
0xa5: {  	[sflag:s0] =	ssyncadd.tile.s32 @!p0 $0x1;
	_ =	shalt  }
.Lfunc_end2:
_tile_overlayer_lowered:
.L_overlay_start_2:
0xa6: {  	(tag) =	ssettag $0x2  }
0xa7: {  	s0 =	rddreg [dreg:$0x0];
	s2 =	stileid.u32  }
0xa8: {  	s1 =	rddreg [dreg:$0x1];
	p0 =	sne.s32 s2, $0x0  }
0xa9: {  	s3 =	rddreg [dreg:$0x2];
	[bflag:$0x3] =	sbarrier.arrive $0xFFFF;
	s2 =	simm.s32 @!p0 $0x1C03  }
0xaa: {  	[timem:s3], [sflag:s2] =	dma.local @!p0 [hbm:s0], s1  }
0xab: {  	s0 =	simm.s32 @!p0 $0x3  }
0xac: {  	_ =	swait.ge @!p0 [sflag:s0], s1  }
0xad: {  	s1 =	ssub.s32 @!p0 $0x0, s1;
	[sflag:s0] =	ssyncset.done @!p0 $0x0  }
0xae: {  	[sflag:s0] =	ssyncadd.s32 @!p0 s1  }
0xaf: {  	[bflag:$0x3] =	sbarrier.arrive $0xFFFF  }
0xb0: {  	_ =	shalt  }

</sc_bundles>
